<compile_context>
chip_gen: v7x
topology: tpu7x:2x2x1
jax: 0.10.2.dev20260603
libtpu: 0.0.44.dev20260713+nightly
codegen_flags: <defaults>
</compile_context>

<pallas_src>
import jax
import jax.numpy as jnp
from jax import lax
from jax.experimental import pallas as pl
from jax.experimental.pallas import tpu as pltpu
from jax.experimental.pallas import tpu_sc as plsc

N = 50000
E = 800000
EMB = 64
HF = 32
XF = 7
EF = 5
NL = 3

NC = 2
NS = 16
CH = 128
E_PAD = 819200
ROWS2D = E_PAD // CH
EPT_EA = ROWS2D // (NC * NS)
CHH = 512
HROWS = E_PAD // CHH
HPT = HROWS // NS

K_EA = 8
G_EA = EPT_EA // K_EA
ACC_ROWS = 50176
STRIPE = ACC_ROWS // NS
OUT_ROWS = 50048
OSTRIPE = OUT_ROWS // NS

BLK = 2000
GRID = N // BLK

def _dot(a, b):
    return jnp.dot(a, b, preferred_element_type=jnp.float32)


def _rbf16(x):
    u = jax.lax.bitcast_convert_type(x, jnp.uint32)
    lsb = (u >> 16) & jnp.uint32(1)
    r = u + jnp.uint32(0x7FFF) + lsb
    return jax.lax.bitcast_convert_type(r & jnp.uint32(0xFFFF0000), jnp.float32)


def _hsum_body(h2, srcdst, zrows, out2, acc, idxv, rows, gsem, isem):
    c = lax.axis_index("c")
    s = lax.axis_index("s")
    pltpu.sync_copy(zrows, acc.at[pl.ds(s * STRIPE, STRIPE)])
    plsc.subcore_barrier()

    hsrc = h2.at[c]

    pltpu.sync_copy(srcdst.at[s * HPT], idxv.at[0])

    def outer(o, carry):
        for b in range(2):
            i = 2 * o + b
            nxt = s * HPT + jnp.minimum(i + 1, HPT - 1)
            pd = pltpu.async_copy(srcdst.at[nxt], idxv.at[1 - b], isem)
            pltpu.async_copy(hsrc.at[idxv.at[b].at[0]], rows, gsem).wait()
            pltpu.sync_copy(rows, acc.at[idxv.at[b].at[1]], add=True)
            pd.wait()
        return carry

    lax.fori_loop(0, HPT // 2, outer, 0)
    plsc.subcore_barrier()
    pltpu.sync_copy(
        acc.at[pl.ds(s * OSTRIPE, OSTRIPE)],
        out2.at[c].at[pl.ds(s * OSTRIPE, OSTRIPE)],
    )


_hsum_call = pl.kernel(
    _hsum_body,
    out_type=jax.ShapeDtypeStruct((NC, OUT_ROWS, HF), jnp.float32),
    mesh=plsc.VectorSubcoreMesh(core_axis_name="c", subcore_axis_name="s"),
    scratch_types=[
        pltpu.VMEM_SHARED((ACC_ROWS, HF), jnp.float32),
        pltpu.VMEM((2, 2, CHH), jnp.int32),
        pltpu.VMEM((CHH, HF), jnp.float32),
        pltpu.SemaphoreType.DMA,
        pltpu.SemaphoreType.DMA,
    ],
    compiler_params=pltpu.CompilerParams(use_tc_tiling_on_sc=False),
)


def _ea_body(ea, dst2, zrows8, outseg, acc, dst_v, rows_v, gsem):
    c = lax.axis_index("c")
    s = lax.axis_index("s")
    t = c * NS + s
    pltpu.sync_copy(zrows8, acc.at[pl.ds(s * STRIPE, STRIPE)])
    plsc.subcore_barrier()

    def gbody(g, carry):
        row0 = t * EPT_EA + g * K_EA
        e0 = row0 * CH
        pltpu.sync_copy(dst2.at[pl.ds(row0, K_EA)], dst_v)
        d = pltpu.async_copy(ea.at[pl.ds(e0, K_EA * CH)], rows_v, gsem)
        d.wait()
        for j in range(K_EA):
            pltpu.sync_copy(
                rows_v.at[pl.ds(j * CH, CH)], acc.at[dst_v.at[j]], add=True
            )
        return carry

    lax.fori_loop(0, G_EA, gbody, 0)
    plsc.subcore_barrier()
    pltpu.sync_copy(
        acc.at[pl.ds(s * OSTRIPE, OSTRIPE)],
        outseg.at[c].at[pl.ds(s * OSTRIPE, OSTRIPE)],
    )


_ea_call = pl.kernel(
    _ea_body,
    out_type=jax.ShapeDtypeStruct((NC, OUT_ROWS, 8), jnp.float32),
    mesh=plsc.VectorSubcoreMesh(core_axis_name="c", subcore_axis_name="s"),
    scratch_types=[
        pltpu.VMEM_SHARED((ACC_ROWS, 8), jnp.float32),
        pltpu.VMEM((K_EA, CH), jnp.int32),
        pltpu.VMEM((K_EA * CH, 8), jnp.float32),
        pltpu.SemaphoreType.DMA,
    ],
    compiler_params=pltpu.CompilerParams(use_tc_tiling_on_sc=False),
)


def _h0_kernel(x_ref, w_ref, b_ref, h2_ref):
    h = _dot(x_ref[...], w_ref[...]) + jnp.sum(b_ref[...], axis=0)
    h2_ref[...] = jnp.stack([h[:, :HF], h[:, HF:]], axis=0)


def _h0(x, x_mlp_w, x_mlp_b):
    return pl.pallas_call(
        _h0_kernel,
        grid=(GRID,),
        in_specs=[
            pl.BlockSpec((BLK, XF), lambda i: (i, 0)),
            pl.BlockSpec((XF, EMB), lambda i: (0, 0)),
            pl.BlockSpec((XF, EMB), lambda i: (0, 0)),
        ],
        out_specs=pl.BlockSpec((NC, BLK, HF), lambda i: (0, i, 0)),
        out_shape=jax.ShapeDtypeStruct((NC, N, HF), jnp.float32),
    )(x, x_mlp_w, x_mlp_b)


def _upd_kernel(hs_ref, seg_ref, ew_ref, w1_ref, b1_ref, w2_ref, b2_ref,
                z_ref, st_ref):
    i = pl.program_id(0)
    hs = hs_ref[...]
    agg = jnp.concatenate([hs[0], hs[1]], axis=1)
    seg = seg_ref[...]
    segs = seg[0] + seg[1]
    ew = ew_ref[...]
    for k in range(6):
        agg = agg + segs[:, k:k + 1] * ew[k:k + 1, :]
    t = jnp.maximum(_dot(agg, w1_ref[...]) + b1_ref[...], 0.0)
    z = _dot(t, w2_ref[...]) + b2_ref[...]
    z_ref[...] = z

    @pl.when(i == 0)
    def _():
        st_ref[...] = jnp.zeros_like(st_ref)

    st = st_ref[...]
    upd = jnp.concatenate(
        [
            jnp.sum(z, axis=0, keepdims=True),
            jnp.sum(z * z, axis=0, keepdims=True),
            jnp.zeros((6, EMB), jnp.float32),
        ],
        axis=0,
    )
    st_ref[...] = st + upd


def _upd(hs, seg, ew, w1l, b1l, w2l, b2l):
    return pl.pallas_call(
        _upd_kernel,
        grid=(GRID,),
        in_specs=[
            pl.BlockSpec((NC, BLK, HF), lambda i: (0, i, 0)),
            pl.BlockSpec((NC, BLK, 8), lambda i: (0, i, 0)),
            pl.BlockSpec((8, EMB), lambda i: (0, 0)),
            pl.BlockSpec((EMB, 2 * EMB), lambda i: (0, 0)),
            pl.BlockSpec((1, 2 * EMB), lambda i: (0, 0)),
            pl.BlockSpec((2 * EMB, EMB), lambda i: (0, 0)),
            pl.BlockSpec((1, EMB), lambda i: (0, 0)),
        ],
        out_specs=[
            pl.BlockSpec((BLK, EMB), lambda i: (i, 0)),
            pl.BlockSpec((8, EMB), lambda i: (0, 0)),
        ],
        out_shape=[
            jax.ShapeDtypeStruct((N, EMB), jnp.float32),
            jax.ShapeDtypeStruct((8, EMB), jnp.float32),
        ],
    )(hs, seg, ew, w1l, b1l, w2l, b2l)


def _bn_elu_kernel(z_ref, st_ref, g_ref, b_ref, h2_ref):
    st = st_ref[...]
    mean = st[0:1, :] / N
    var = st[1:2, :] / N - mean * mean
    y = (z_ref[...] - mean) * lax.rsqrt(var + 1e-5) * g_ref[...] + b_ref[...]
    y = jnp.where(y > 0, y, jnp.exp(jnp.minimum(y, 0.0)) - 1.0)
    h2_ref[...] = jnp.stack([y[:, :HF], y[:, HF:]], axis=0)


def _bn_elu(z, st, gl, bl):
    return pl.pallas_call(
        _bn_elu_kernel,
        grid=(GRID,),
        in_specs=[
            pl.BlockSpec((BLK, EMB), lambda i: (i, 0)),
            pl.BlockSpec((8, EMB), lambda i: (0, 0)),
            pl.BlockSpec((1, EMB), lambda i: (0, 0)),
            pl.BlockSpec((1, EMB), lambda i: (0, 0)),
        ],
        out_specs=pl.BlockSpec((NC, BLK, HF), lambda i: (0, i, 0)),
        out_shape=jax.ShapeDtypeStruct((NC, N, HF), jnp.float32),
    )(z, st, gl, bl)


def _bn_last_kernel(z_ref, st_ref, g_ref, b_ref, o_ref):
    st = st_ref[...]
    mean = st[0:1, :] / N
    var = st[1:2, :] / N - mean * mean
    o_ref[...] = (z_ref[...] - mean) * lax.rsqrt(var + 1e-5) * g_ref[...] + b_ref[...]


def _bn_last(z, st, gl, bl):
    return pl.pallas_call(
        _bn_last_kernel,
        grid=(GRID,),
        in_specs=[
            pl.BlockSpec((BLK, EMB), lambda i: (i, 0)),
            pl.BlockSpec((8, EMB), lambda i: (0, 0)),
            pl.BlockSpec((1, EMB), lambda i: (0, 0)),
            pl.BlockSpec((1, EMB), lambda i: (0, 0)),
        ],
        out_specs=pl.BlockSpec((BLK, EMB), lambda i: (i, 0)),
        out_shape=jax.ShapeDtypeStruct((N, EMB), jnp.float32),
    )(z, st, gl, bl)


def kernel(x, edge_index, edge_attr, x_mlp_w, x_mlp_b, edge_w, edge_b,
           w1, b1, w2, b2, bn_g, bn_b):
    pad = E_PAD - E
    src = edge_index[0]
    dst = edge_index[1]
    src_p = jnp.concatenate([src, jnp.zeros((pad,), jnp.int32)])
    dst_p = jnp.concatenate([dst, jnp.full((pad,), N, jnp.int32)])
    dst2 = dst_p.reshape(ROWS2D, CH)
    srcdst = jnp.stack([src_p.reshape(HROWS, CHH), dst_p.reshape(HROWS, CHH)],
                       axis=1)
    ea = jnp.concatenate(
        [_rbf16(edge_attr), jnp.ones((E, 1), jnp.float32),
         jnp.zeros((E, 2), jnp.float32)],
        axis=1,
    )
    ea = jnp.concatenate([ea, jnp.zeros((pad, 8), jnp.float32)], axis=0)
    zeros32 = jnp.zeros((STRIPE, HF), jnp.float32)
    zeros8 = jnp.zeros((STRIPE, 8), jnp.float32)

    seg = _ea_call(ea, dst2, zeros8)
    h2 = _h0(x, x_mlp_w, x_mlp_b)

    out = None
    for l in range(NL):
        hs = _hsum_call(h2, srcdst, zeros32)
        ew = jnp.concatenate(
            [_rbf16(edge_w[l]), edge_b[l][None], jnp.zeros((2, EMB), jnp.float32)],
            axis=0,
        )
        z, st = _upd(hs, seg, ew, w1[l], b1[l][None], w2[l], b2[l][None])
        if l < NL - 1:
            h2 = _bn_elu(z, st, bn_g[l][None], bn_b[l][None])
        else:
            out = _bn_last(z, st, bn_g[l][None], bn_b[l][None])
    return out

# --- scband reference (transcript-rebuilt; emitter-appended) ---
"""Pipeline reference for scband-gnn-77386720739718 (READ-ONLY COPY).

The authoritative reference and input builder live on the scoring server;
editing this copy changes nothing except your own understanding.
"""

import jax, jax.numpy as jnp
import numpy as np

NUM_LAYER = 3
EMB = 64
N = 50000
E = 800000
XF = 7
EF = 5


def setup_inputs(seed: int = 0) -> dict:
    key = jax.random.key(seed)
    ks = jax.random.split(key, 16)
    s = 0.02
    inp = {}
    inp["x"] = jax.random.normal(ks[0], (N, XF), dtype=jnp.float32)
    inp["edge_index"] = jax.random.randint(ks[1], (2, E), 0, N, dtype=jnp.int32)
    inp["edge_attr"] = jax.random.normal(ks[2], (E, EF), dtype=jnp.float32)
    # per-feature Linear(1, emb): stacked weights [XF, EMB] and biases [XF, EMB]
    inp["x_mlp_w"] = jax.random.normal(ks[3], (XF, EMB), dtype=jnp.float32) * s
    inp["x_mlp_b"] = jax.random.normal(ks[4], (XF, EMB), dtype=jnp.float32) * s
    # per-layer GINConv params (stacked on leading layer dim)
    inp["edge_w"] = jax.random.normal(ks[5], (NUM_LAYER, EF, EMB), dtype=jnp.float32) * s
    inp["edge_b"] = jax.random.normal(ks[6], (NUM_LAYER, EMB), dtype=jnp.float32) * s
    inp["w1"] = jax.random.normal(ks[7], (NUM_LAYER, EMB, 2 * EMB), dtype=jnp.float32) * s
    inp["b1"] = jax.random.normal(ks[8], (NUM_LAYER, 2 * EMB), dtype=jnp.float32) * s
    inp["w2"] = jax.random.normal(ks[9], (NUM_LAYER, 2 * EMB, EMB), dtype=jnp.float32) * s
    inp["b2"] = jax.random.normal(ks[10], (NUM_LAYER, EMB), dtype=jnp.float32) * s
    # per-layer BatchNorm affine params
    inp["bn_g"] = jnp.ones((NUM_LAYER, EMB), dtype=jnp.float32)
    inp["bn_b"] = jnp.zeros((NUM_LAYER, EMB), dtype=jnp.float32)
    return inp


def reference(x, edge_index, edge_attr, x_mlp_w, x_mlp_b, edge_w, edge_b, w1, b1, w2, b2, bn_g, bn_b):
    # input feature embedding: sum_i Linear_i(x[:, i:i+1])
    h = x @ x_mlp_w + jnp.sum(x_mlp_b, axis=0)
    src = edge_index[0]
    dst = edge_index[1]
    for l in range(NUM_LAYER):
        # GINConv: message = h[src] + edge_mlp(edge_attr); aggr='add'
        e_emb = edge_attr @ edge_w[l] + edge_b[l]
        msg = jnp.take(h, src, axis=0) + e_emb
        agg = jax.ops.segment_sum(msg, dst, num_segments=N)
        # GIN update MLP: Linear(emb, 2emb) -> ReLU -> Linear(2emb, emb)
        hcur = jax.nn.relu(agg @ w1[l] + b1[l]) @ w2[l] + b2[l]
        # BatchNorm1d (training-mode batch statistics)
        mean = jnp.mean(hcur, axis=0)
        var = jnp.var(hcur, axis=0)
        hcur = (hcur - mean) / jnp.sqrt(var + 1e-5) * bn_g[l] + bn_b[l]
        # dropout with drop_ratio=0 is a no-op; ELU on all but last layer
        if l < NUM_LAYER - 1:
            hcur = jax.nn.elu(hcur)
        h = hcur
    # JK == 'last'
    return h

if __name__ == "__main__":
    import jax
    _d = setup_inputs()
    print(jax.jit(kernel)(*tuple(_d.values())))

</pallas_src>

<mosaic_0001>
#map = affine_map<(d0, d1) -> (0, 0)>
#map1 = affine_map<(d0, d1) -> (0, 0, 0)>
module attributes {stable_mosaic.version = 14 : i64} {
  func.func @_ea_body(%arg0: i32, %arg1: i32, %arg2: memref<819200x8xf32, #tpu.memory_space<hbm>>, %arg3: memref<6400x128xi32, #tpu.memory_space<hbm>>, %arg4: memref<3136x8xf32, #tpu.memory_space<hbm>>, %arg5: memref<2x50048x8xf32, #tpu.memory_space<hbm>>, %arg6: memref<50176x8xf32, #tpu.memory_space<vmem_shared>>, %arg7: memref<8x128xi32, #tpu.memory_space<vmem>>, %arg8: memref<1024x8xf32, #tpu.memory_space<vmem>>, %arg9: memref<!tpu.dma_semaphore, #tpu.memory_space<semaphore_mem>>) attributes {dimension_semantics = [#tpu.dimension_semantics<core_parallel>, #tpu.dimension_semantics<subcore_parallel>], iteration_bounds = array<i64: 2, 16>, scalar_prefetch = 0 : i64, scratch_operands = 4 : i64, tpu.core_type = #tpu.core_type<sc_vector_subcore>, window_params = [{transform_indices = #map}, {transform_indices = #map}, {transform_indices = #map}, {transform_indices = #map1}]} {
    %mul3A = arith.constant 16 : i32
    %mul3A_0 = arith.muli %arg0, %mul3A : i32
    %add3A = arith.addi %mul3A_0, %arg1 : i32
    %mul3A_1 = arith.constant 3136 : i32
    %mul3A_2 = arith.muli %arg1, %mul3A_1 : i32
    "tpu.region"() ({
      %run_scoped3A = tpu.sem_alloc : memref<!tpu.dma_semaphore, #tpu.memory_space<semaphore_mem>>
      %dma_start3A = arith.constant 0 : i32
      %dma_start3A_13 = tpu.memref_slice %arg6[%mul3A_2, %dma_start3A] : memref<50176x8xf32, #tpu.memory_space<vmem_shared>> -> memref<3136x8xf32, #tpu.memory_space<vmem_shared>>
      tpu.enqueue_dma source(%arg4 : memref<3136x8xf32, #tpu.memory_space<hbm>>) target(%dma_start3A_13 : memref<3136x8xf32, #tpu.memory_space<vmem_shared>>) target_semaphore(%run_scoped3A : memref<!tpu.dma_semaphore, #tpu.memory_space<semaphore_mem>>)
      %dma_wait3A = arith.constant 0 : i32
      %dma_wait3A_14 = tpu.memref_slice %arg6[%mul3A_2, %dma_wait3A] : memref<50176x8xf32, #tpu.memory_space<vmem_shared>> -> memref<3136x8xf32, #tpu.memory_space<vmem_shared>>
      tpu.wait_dma2 semaphore(%run_scoped3A : memref<!tpu.dma_semaphore, #tpu.memory_space<semaphore_mem>>) src(%arg4 : memref<3136x8xf32, #tpu.memory_space<hbm>>) dst(%dma_wait3A_14 : memref<3136x8xf32, #tpu.memory_space<vmem_shared>>)
      tpu.yield
    }) : () -> ()
    %barrier3A = arith.constant 0 : index
    tpu.barrier barrier_id(%barrier3A)
    %scan3A = arith.constant 0 : i32
    %scan3A_3 = arith.constant 0 : i32
    %scan3A_4 = arith.constant 25 : i32
    %scan3A_5 = arith.addi %scan3A_3, %scan3A_4 : i32
    %scan3A_6 = arith.constant 1 : i32
    scf.for %scan3A_13 = %scan3A_3 to %scan3A_5 step %scan3A_6  : i32 {
      %mul3A_14 = arith.constant 200 : i32
      %mul3A_15 = arith.muli %add3A, %mul3A_14 : i32
      %mul3A_16 = arith.constant 8 : i32
      %mul3A_17 = arith.muli %scan3A_13, %mul3A_16 : i32
      %add3A_18 = arith.addi %mul3A_15, %mul3A_17 : i32
      %mul3A_19 = arith.constant 128 : i32
      %mul3A_20 = arith.muli %add3A_18, %mul3A_19 : i32
      "tpu.region"() ({
        %run_scoped3A_34 = tpu.sem_alloc : memref<!tpu.dma_semaphore, #tpu.memory_space<semaphore_mem>>
        %dma_start3A_35 = arith.constant 0 : i32
        %dma_start3A_36 = tpu.memref_slice %arg3[%add3A_18, %dma_start3A_35] : memref<6400x128xi32, #tpu.memory_space<hbm>> -> memref<8x128xi32, #tpu.memory_space<hbm>>
        %dma_start3A_37 = arith.constant 0 : i32
        %dma_start3A_38 = tpu.memref_slice %arg3[%add3A_18, %dma_start3A_37] : memref<6400x128xi32, #tpu.memory_space<hbm>> -> memref<8x128xi32, #tpu.memory_space<hbm>>
        tpu.enqueue_dma source(%dma_start3A_38 : memref<8x128xi32, #tpu.memory_space<hbm>>) target(%arg7 : memref<8x128xi32, #tpu.memory_space<vmem>>) target_semaphore(%run_scoped3A_34 : memref<!tpu.dma_semaphore, #tpu.memory_space<semaphore_mem>>)
        %dma_wait3A_39 = arith.constant 0 : i32
        %dma_wait3A_40 = tpu.memref_slice %arg3[%add3A_18, %dma_wait3A_39] : memref<6400x128xi32, #tpu.memory_space<hbm>> -> memref<8x128xi32, #tpu.memory_space<hbm>>
        %dma_wait3A_41 = arith.constant 0 : i32
        %dma_wait3A_42 = tpu.memref_slice %arg3[%add3A_18, %dma_wait3A_41] : memref<6400x128xi32, #tpu.memory_space<hbm>> -> memref<8x128xi32, #tpu.memory_space<hbm>>
        tpu.wait_dma2 semaphore(%run_scoped3A_34 : memref<!tpu.dma_semaphore, #tpu.memory_space<semaphore_mem>>) src(%dma_wait3A_42 : memref<8x128xi32, #tpu.memory_space<hbm>>) dst(%arg7 : memref<8x128xi32, #tpu.memory_space<vmem>>)
        tpu.yield
      }) : () -> ()
      %dma_start3A = arith.constant 0 : i32
      %dma_start3A_21 = tpu.memref_slice %arg2[%mul3A_20, %dma_start3A] : memref<819200x8xf32, #tpu.memory_space<hbm>> -> memref<1024x8xf32, #tpu.memory_space<hbm>>
      %dma_start3A_22 = arith.constant 0 : i32
      %dma_start3A_23 = tpu.memref_slice %arg2[%mul3A_20, %dma_start3A_22] : memref<819200x8xf32, #tpu.memory_space<hbm>> -> memref<1024x8xf32, #tpu.memory_space<hbm>>
      tpu.enqueue_dma source(%dma_start3A_23 : memref<1024x8xf32, #tpu.memory_space<hbm>>) target(%arg8 : memref<1024x8xf32, #tpu.memory_space<vmem>>) target_semaphore(%arg9 : memref<!tpu.dma_semaphore, #tpu.memory_space<semaphore_mem>>)
      %dma_wait3A = arith.constant 0 : i32
      %dma_wait3A_24 = tpu.memref_slice %arg2[%mul3A_20, %dma_wait3A] : memref<819200x8xf32, #tpu.memory_space<hbm>> -> memref<1024x8xf32, #tpu.memory_space<hbm>>
      %dma_wait3A_25 = arith.constant 0 : i32
      %dma_wait3A_26 = tpu.memref_slice %arg2[%mul3A_20, %dma_wait3A_25] : memref<819200x8xf32, #tpu.memory_space<hbm>> -> memref<1024x8xf32, #tpu.memory_space<hbm>>
      tpu.wait_dma2 semaphore(%arg9 : memref<!tpu.dma_semaphore, #tpu.memory_space<semaphore_mem>>) src(%dma_wait3A_26 : memref<1024x8xf32, #tpu.memory_space<hbm>>) dst(%arg8 : memref<1024x8xf32, #tpu.memory_space<vmem>>)
      %run_scoped3A = arith.constant 0 : i32
      "tpu.region"() ({
        %run_scoped3A_34 = tpu.sem_alloc : memref<!tpu.dma_semaphore, #tpu.memory_space<semaphore_mem>>
        %dma_start3A_35 = arith.constant 0 : i32
        %dma_start3A_36 = arith.constant 0 : i32
        %dma_start3A_37 = tpu.memref_slice %arg8[%dma_start3A_35, %dma_start3A_36] : memref<1024x8xf32, #tpu.memory_space<vmem>> -> memref<128x8xf32, #tpu.memory_space<vmem>>
        %dma_start3A_38 = arith.constant 0 : i32
        %dma_start3A_39 = tpu.memref_slice %arg7[%run_scoped3A, %dma_start3A_38] : memref<8x128xi32, #tpu.memory_space<vmem>> -> memref<1x128xi32, #tpu.memory_space<vmem>>
        %dma_start3A_40 = tpu.memref_squeeze %dma_start3A_39 : memref<1x128xi32, #tpu.memory_space<vmem>> -> memref<128xi32, #tpu.memory_space<vmem>>
        %dma_start3A_41 = arith.constant 0 : i32
        %dma_start3A_42 = arith.constant 0 : i32
        %dma_start3A_43 = tpu.memref_slice %arg6[%dma_start3A_41, %dma_start3A_42] : memref<50176x8xf32, #tpu.memory_space<vmem_shared>> -> memref<50176x8xf32, #tpu.memory_space<vmem_shared>>
        tpu.enqueue_indirect_dma source(%dma_start3A_37 : memref<128x8xf32, #tpu.memory_space<vmem>>) target(%dma_start3A_43 : memref<50176x8xf32, #tpu.memory_space<vmem_shared>>) offsets(%dma_start3A_40 : memref<128xi32, #tpu.memory_space<vmem>>) semaphore(%run_scoped3A_34 : memref<!tpu.dma_semaphore, #tpu.memory_space<semaphore_mem>>) {add = true}
        %dma_wait3A_44 = arith.constant 0 : i32
        %dma_wait3A_45 = arith.constant 0 : i32
        %dma_wait3A_46 = tpu.memref_slice %arg8[%dma_wait3A_44, %dma_wait3A_45] : memref<1024x8xf32, #tpu.memory_space<vmem>> -> memref<128x8xf32, #tpu.memory_space<vmem>>
        %dma_wait3A_47 = arith.constant 0 : i32
        %dma_wait3A_48 = tpu.memref_slice %arg7[%run_scoped3A, %dma_wait3A_47] : memref<8x128xi32, #tpu.memory_space<vmem>> -> memref<1x128xi32, #tpu.memory_space<vmem>>
        %dma_wait3A_49 = tpu.memref_squeeze %dma_wait3A_48 : memref<1x128xi32, #tpu.memory_space<vmem>> -> memref<128xi32, #tpu.memory_space<vmem>>
        %dma_wait3A_50 = arith.constant 0 : i32
        %dma_wait3A_51 = arith.constant 0 : i32
        %dma_wait3A_52 = tpu.memref_slice %arg6[%dma_wait3A_50, %dma_wait3A_51] : memref<50176x8xf32, #tpu.memory_space<vmem_shared>> -> memref<50176x8xf32, #tpu.memory_space<vmem_shared>>
        tpu.wait_indirect_dma semaphore(%run_scoped3A_34 : memref<!tpu.dma_semaphore, #tpu.memory_space<semaphore_mem>>) src(%dma_wait3A_46 : memref<128x8xf32, #tpu.memory_space<vmem>>) dst(%dma_wait3A_52 : memref<50176x8xf32, #tpu.memory_space<vmem_shared>>)
        tpu.yield
      }) : () -> ()
      %run_scoped3A_27 = arith.constant 1 : i32
      "tpu.region"() ({
        %run_scoped3A_34 = tpu.sem_alloc : memref<!tpu.dma_semaphore, #tpu.memory_space<semaphore_mem>>
        %dma_start3A_35 = arith.constant 128 : i32
        %dma_start3A_36 = arith.constant 0 : i32
        %dma_start3A_37 = tpu.memref_slice %arg8[%dma_start3A_35, %dma_start3A_36] : memref<1024x8xf32, #tpu.memory_space<vmem>> -> memref<128x8xf32, #tpu.memory_space<vmem>>
        %dma_start3A_38 = arith.constant 0 : i32
        %dma_start3A_39 = tpu.memref_slice %arg7[%run_scoped3A_27, %dma_start3A_38] : memref<8x128xi32, #tpu.memory_space<vmem>> -> memref<1x128xi32, #tpu.memory_space<vmem>>
        %dma_start3A_40 = tpu.memref_squeeze %dma_start3A_39 : memref<1x128xi32, #tpu.memory_space<vmem>> -> memref<128xi32, #tpu.memory_space<vmem>>
        %dma_start3A_41 = arith.constant 0 : i32
        %dma_start3A_42 = arith.constant 0 : i32
        %dma_start3A_43 = tpu.memref_slice %arg6[%dma_start3A_41, %dma_start3A_42] : memref<50176x8xf32, #tpu.memory_space<vmem_shared>> -> memref<50176x8xf32, #tpu.memory_space<vmem_shared>>
        tpu.enqueue_indirect_dma source(%dma_start3A_37 : memref<128x8xf32, #tpu.memory_space<vmem>>) target(%dma_start3A_43 : memref<50176x8xf32, #tpu.memory_space<vmem_shared>>) offsets(%dma_start3A_40 : memref<128xi32, #tpu.memory_space<vmem>>) semaphore(%run_scoped3A_34 : memref<!tpu.dma_semaphore, #tpu.memory_space<semaphore_mem>>) {add = true}
        %dma_wait3A_44 = arith.constant 128 : i32
        %dma_wait3A_45 = arith.constant 0 : i32
        %dma_wait3A_46 = tpu.memref_slice %arg8[%dma_wait3A_44, %dma_wait3A_45] : memref<1024x8xf32, #tpu.memory_space<vmem>> -> memref<128x8xf32, #tpu.memory_space<vmem>>
        %dma_wait3A_47 = arith.constant 0 : i32
        %dma_wait3A_48 = tpu.memref_slice %arg7[%run_scoped3A_27, %dma_wait3A_47] : memref<8x128xi32, #tpu.memory_space<vmem>> -> memref<1x128xi32, #tpu.memory_space<vmem>>
        %dma_wait3A_49 = tpu.memref_squeeze %dma_wait3A_48 : memref<1x128xi32, #tpu.memory_space<vmem>> -> memref<128xi32, #tpu.memory_space<vmem>>
        %dma_wait3A_50 = arith.constant 0 : i32
        %dma_wait3A_51 = arith.constant 0 : i32
        %dma_wait3A_52 = tpu.memref_slice %arg6[%dma_wait3A_50, %dma_wait3A_51] : memref<50176x8xf32, #tpu.memory_space<vmem_shared>> -> memref<50176x8xf32, #tpu.memory_space<vmem_shared>>
        tpu.wait_indirect_dma semaphore(%run_scoped3A_34 : memref<!tpu.dma_semaphore, #tpu.memory_space<semaphore_mem>>) src(%dma_wait3A_46 : memref<128x8xf32, #tpu.memory_space<vmem>>) dst(%dma_wait3A_52 : memref<50176x8xf32, #tpu.memory_space<vmem_shared>>)
        tpu.yield
      }) : () -> ()
      %run_scoped3A_28 = arith.constant 2 : i32
      "tpu.region"() ({
        %run_scoped3A_34 = tpu.sem_alloc : memref<!tpu.dma_semaphore, #tpu.memory_space<semaphore_mem>>
        %dma_start3A_35 = arith.constant 256 : i32
        %dma_start3A_36 = arith.constant 0 : i32
        %dma_start3A_37 = tpu.memref_slice %arg8[%dma_start3A_35, %dma_start3A_36] : memref<1024x8xf32, #tpu.memory_space<vmem>> -> memref<128x8xf32, #tpu.memory_space<vmem>>
        %dma_start3A_38 = arith.constant 0 : i32
        %dma_start3A_39 = tpu.memref_slice %arg7[%run_scoped3A_28, %dma_start3A_38] : memref<8x128xi32, #tpu.memory_space<vmem>> -> memref<1x128xi32, #tpu.memory_space<vmem>>
        %dma_start3A_40 = tpu.memref_squeeze %dma_start3A_39 : memref<1x128xi32, #tpu.memory_space<vmem>> -> memref<128xi32, #tpu.memory_space<vmem>>
        %dma_start3A_41 = arith.constant 0 : i32
        %dma_start3A_42 = arith.constant 0 : i32
        %dma_start3A_43 = tpu.memref_slice %arg6[%dma_start3A_41, %dma_start3A_42] : memref<50176x8xf32, #tpu.memory_space<vmem_shared>> -> memref<50176x8xf32, #tpu.memory_space<vmem_shared>>
        tpu.enqueue_indirect_dma source(%dma_start3A_37 : memref<128x8xf32, #tpu.memory_space<vmem>>) target(%dma_start3A_43 : memref<50176x8xf32, #tpu.memory_space<vmem_shared>>) offsets(%dma_start3A_40 : memref<128xi32, #tpu.memory_space<vmem>>) semaphore(%run_scoped3A_34 : memref<!tpu.dma_semaphore, #tpu.memory_space<semaphore_mem>>) {add = true}
        %dma_wait3A_44 = arith.constant 256 : i32
        %dma_wait3A_45 = arith.constant 0 : i32
        %dma_wait3A_46 = tpu.memref_slice %arg8[%dma_wait3A_44, %dma_wait3A_45] : memref<1024x8xf32, #tpu.memory_space<vmem>> -> memref<128x8xf32, #tpu.memory_space<vmem>>
        %dma_wait3A_47 = arith.constant 0 : i32
        %dma_wait3A_48 = tpu.memref_slice %arg7[%run_scoped3A_28, %dma_wait3A_47] : memref<8x128xi32, #tpu.memory_space<vmem>> -> memref<1x128xi32, #tpu.memory_space<vmem>>
        %dma_wait3A_49 = tpu.memref_squeeze %dma_wait3A_48 : memref<1x128xi32, #tpu.memory_space<vmem>> -> memref<128xi32, #tpu.memory_space<vmem>>
        %dma_wait3A_50 = arith.constant 0 : i32
        %dma_wait3A_51 = arith.constant 0 : i32
        %dma_wait3A_52 = tpu.memref_slice %arg6[%dma_wait3A_50, %dma_wait3A_51] : memref<50176x8xf32, #tpu.memory_space<vmem_shared>> -> memref<50176x8xf32, #tpu.memory_space<vmem_shared>>
        tpu.wait_indirect_dma semaphore(%run_scoped3A_34 : memref<!tpu.dma_semaphore, #tpu.memory_space<semaphore_mem>>) src(%dma_wait3A_46 : memref<128x8xf32, #tpu.memory_space<vmem>>) dst(%dma_wait3A_52 : memref<50176x8xf32, #tpu.memory_space<vmem_shared>>)
        tpu.yield
      }) : () -> ()
      %run_scoped3A_29 = arith.constant 3 : i32
      "tpu.region"() ({
        %run_scoped3A_34 = tpu.sem_alloc : memref<!tpu.dma_semaphore, #tpu.memory_space<semaphore_mem>>
        %dma_start3A_35 = arith.constant 384 : i32
        %dma_start3A_36 = arith.constant 0 : i32
        %dma_start3A_37 = tpu.memref_slice %arg8[%dma_start3A_35, %dma_start3A_36] : memref<1024x8xf32, #tpu.memory_space<vmem>> -> memref<128x8xf32, #tpu.memory_space<vmem>>
        %dma_start3A_38 = arith.constant 0 : i32
        %dma_start3A_39 = tpu.memref_slice %arg7[%run_scoped3A_29, %dma_start3A_38] : memref<8x128xi32, #tpu.memory_space<vmem>> -> memref<1x128xi32, #tpu.memory_space<vmem>>
        %dma_start3A_40 = tpu.memref_squeeze %dma_start3A_39 : memref<1x128xi32, #tpu.memory_space<vmem>> -> memref<128xi32, #tpu.memory_space<vmem>>
        %dma_start3A_41 = arith.constant 0 : i32
        %dma_start3A_42 = arith.constant 0 : i32
        %dma_start3A_43 = tpu.memref_slice %arg6[%dma_start3A_41, %dma_start3A_42] : memref<50176x8xf32, #tpu.memory_space<vmem_shared>> -> memref<50176x8xf32, #tpu.memory_space<vmem_shared>>
        tpu.enqueue_indirect_dma source(%dma_start3A_37 : memref<128x8xf32, #tpu.memory_space<vmem>>) target(%dma_start3A_43 : memref<50176x8xf32, #tpu.memory_space<vmem_shared>>) offsets(%dma_start3A_40 : memref<128xi32, #tpu.memory_space<vmem>>) semaphore(%run_scoped3A_34 : memref<!tpu.dma_semaphore, #tpu.memory_space<semaphore_mem>>) {add = true}
        %dma_wait3A_44 = arith.constant 384 : i32
        %dma_wait3A_45 = arith.constant 0 : i32
        %dma_wait3A_46 = tpu.memref_slice %arg8[%dma_wait3A_44, %dma_wait3A_45] : memref<1024x8xf32, #tpu.memory_space<vmem>> -> memref<128x8xf32, #tpu.memory_space<vmem>>
        %dma_wait3A_47 = arith.constant 0 : i32
        %dma_wait3A_48 = tpu.memref_slice %arg7[%run_scoped3A_29, %dma_wait3A_47] : memref<8x128xi32, #tpu.memory_space<vmem>> -> memref<1x128xi32, #tpu.memory_space<vmem>>
        %dma_wait3A_49 = tpu.memref_squeeze %dma_wait3A_48 : memref<1x128xi32, #tpu.memory_space<vmem>> -> memref<128xi32, #tpu.memory_space<vmem>>
        %dma_wait3A_50 = arith.constant 0 : i32
        %dma_wait3A_51 = arith.constant 0 : i32
        %dma_wait3A_52 = tpu.memref_slice %arg6[%dma_wait3A_50, %dma_wait3A_51] : memref<50176x8xf32, #tpu.memory_space<vmem_shared>> -> memref<50176x8xf32, #tpu.memory_space<vmem_shared>>
        tpu.wait_indirect_dma semaphore(%run_scoped3A_34 : memref<!tpu.dma_semaphore, #tpu.memory_space<semaphore_mem>>) src(%dma_wait3A_46 : memref<128x8xf32, #tpu.memory_space<vmem>>) dst(%dma_wait3A_52 : memref<50176x8xf32, #tpu.memory_space<vmem_shared>>)
        tpu.yield
      }) : () -> ()
      %run_scoped3A_30 = arith.constant 4 : i32
      "tpu.region"() ({
        %run_scoped3A_34 = tpu.sem_alloc : memref<!tpu.dma_semaphore, #tpu.memory_space<semaphore_mem>>
        %dma_start3A_35 = arith.constant 512 : i32
        %dma_start3A_36 = arith.constant 0 : i32
        %dma_start3A_37 = tpu.memref_slice %arg8[%dma_start3A_35, %dma_start3A_36] : memref<1024x8xf32, #tpu.memory_space<vmem>> -> memref<128x8xf32, #tpu.memory_space<vmem>>
        %dma_start3A_38 = arith.constant 0 : i32
        %dma_start3A_39 = tpu.memref_slice %arg7[%run_scoped3A_30, %dma_start3A_38] : memref<8x128xi32, #tpu.memory_space<vmem>> -> memref<1x128xi32, #tpu.memory_space<vmem>>
        %dma_start3A_40 = tpu.memref_squeeze %dma_start3A_39 : memref<1x128xi32, #tpu.memory_space<vmem>> -> memref<128xi32, #tpu.memory_space<vmem>>
        %dma_start3A_41 = arith.constant 0 : i32
        %dma_start3A_42 = arith.constant 0 : i32
        %dma_start3A_43 = tpu.memref_slice %arg6[%dma_start3A_41, %dma_start3A_42] : memref<50176x8xf32, #tpu.memory_space<vmem_shared>> -> memref<50176x8xf32, #tpu.memory_space<vmem_shared>>
        tpu.enqueue_indirect_dma source(%dma_start3A_37 : memref<128x8xf32, #tpu.memory_space<vmem>>) target(%dma_start3A_43 : memref<50176x8xf32, #tpu.memory_space<vmem_shared>>) offsets(%dma_start3A_40 : memref<128xi32, #tpu.memory_space<vmem>>) semaphore(%run_scoped3A_34 : memref<!tpu.dma_semaphore, #tpu.memory_space<semaphore_mem>>) {add = true}
        %dma_wait3A_44 = arith.constant 512 : i32
        %dma_wait3A_45 = arith.constant 0 : i32
        %dma_wait3A_46 = tpu.memref_slice %arg8[%dma_wait3A_44, %dma_wait3A_45] : memref<1024x8xf32, #tpu.memory_space<vmem>> -> memref<128x8xf32, #tpu.memory_space<vmem>>
        %dma_wait3A_47 = arith.constant 0 : i32
        %dma_wait3A_48 = tpu.memref_slice %arg7[%run_scoped3A_30, %dma_wait3A_47] : memref<8x128xi32, #tpu.memory_space<vmem>> -> memref<1x128xi32, #tpu.memory_space<vmem>>
        %dma_wait3A_49 = tpu.memref_squeeze %dma_wait3A_48 : memref<1x128xi32, #tpu.memory_space<vmem>> -> memref<128xi32, #tpu.memory_space<vmem>>
        %dma_wait3A_50 = arith.constant 0 : i32
        %dma_wait3A_51 = arith.constant 0 : i32
        %dma_wait3A_52 = tpu.memref_slice %arg6[%dma_wait3A_50, %dma_wait3A_51] : memref<50176x8xf32, #tpu.memory_space<vmem_shared>> -> memref<50176x8xf32, #tpu.memory_space<vmem_shared>>
        tpu.wait_indirect_dma semaphore(%run_scoped3A_34 : memref<!tpu.dma_semaphore, #tpu.memory_space<semaphore_mem>>) src(%dma_wait3A_46 : memref<128x8xf32, #tpu.memory_space<vmem>>) dst(%dma_wait3A_52 : memref<50176x8xf32, #tpu.memory_space<vmem_shared>>)
        tpu.yield
      }) : () -> ()
      %run_scoped3A_31 = arith.constant 5 : i32
      "tpu.region"() ({
        %run_scoped3A_34 = tpu.sem_alloc : memref<!tpu.dma_semaphore, #tpu.memory_space<semaphore_mem>>
        %dma_start3A_35 = arith.constant 640 : i32
        %dma_start3A_36 = arith.constant 0 : i32
        %dma_start3A_37 = tpu.memref_slice %arg8[%dma_start3A_35, %dma_start3A_36] : memref<1024x8xf32, #tpu.memory_space<vmem>> -> memref<128x8xf32, #tpu.memory_space<vmem>>
        %dma_start3A_38 = arith.constant 0 : i32
        %dma_start3A_39 = tpu.memref_slice %arg7[%run_scoped3A_31, %dma_start3A_38] : memref<8x128xi32, #tpu.memory_space<vmem>> -> memref<1x128xi32, #tpu.memory_space<vmem>>
        %dma_start3A_40 = tpu.memref_squeeze %dma_start3A_39 : memref<1x128xi32, #tpu.memory_space<vmem>> -> memref<128xi32, #tpu.memory_space<vmem>>
        %dma_start3A_41 = arith.constant 0 : i32
        %dma_start3A_42 = arith.constant 0 : i32
        %dma_start3A_43 = tpu.memref_slice %arg6[%dma_start3A_41, %dma_start3A_42] : memref<50176x8xf32, #tpu.memory_space<vmem_shared>> -> memref<50176x8xf32, #tpu.memory_space<vmem_shared>>
        tpu.enqueue_indirect_dma source(%dma_start3A_37 : memref<128x8xf32, #tpu.memory_space<vmem>>) target(%dma_start3A_43 : memref<50176x8xf32, #tpu.memory_space<vmem_shared>>) offsets(%dma_start3A_40 : memref<128xi32, #tpu.memory_space<vmem>>) semaphore(%run_scoped3A_34 : memref<!tpu.dma_semaphore, #tpu.memory_space<semaphore_mem>>) {add = true}
        %dma_wait3A_44 = arith.constant 640 : i32
        %dma_wait3A_45 = arith.constant 0 : i32
        %dma_wait3A_46 = tpu.memref_slice %arg8[%dma_wait3A_44, %dma_wait3A_45] : memref<1024x8xf32, #tpu.memory_space<vmem>> -> memref<128x8xf32, #tpu.memory_space<vmem>>
        %dma_wait3A_47 = arith.constant 0 : i32
        %dma_wait3A_48 = tpu.memref_slice %arg7[%run_scoped3A_31, %dma_wait3A_47] : memref<8x128xi32, #tpu.memory_space<vmem>> -> memref<1x128xi32, #tpu.memory_space<vmem>>
        %dma_wait3A_49 = tpu.memref_squeeze %dma_wait3A_48 : memref<1x128xi32, #tpu.memory_space<vmem>> -> memref<128xi32, #tpu.memory_space<vmem>>
        %dma_wait3A_50 = arith.constant 0 : i32
        %dma_wait3A_51 = arith.constant 0 : i32
        %dma_wait3A_52 = tpu.memref_slice %arg6[%dma_wait3A_50, %dma_wait3A_51] : memref<50176x8xf32, #tpu.memory_space<vmem_shared>> -> memref<50176x8xf32, #tpu.memory_space<vmem_shared>>
        tpu.wait_indirect_dma semaphore(%run_scoped3A_34 : memref<!tpu.dma_semaphore, #tpu.memory_space<semaphore_mem>>) src(%dma_wait3A_46 : memref<128x8xf32, #tpu.memory_space<vmem>>) dst(%dma_wait3A_52 : memref<50176x8xf32, #tpu.memory_space<vmem_shared>>)
        tpu.yield
      }) : () -> ()
      %run_scoped3A_32 = arith.constant 6 : i32
      "tpu.region"() ({
        %run_scoped3A_34 = tpu.sem_alloc : memref<!tpu.dma_semaphore, #tpu.memory_space<semaphore_mem>>
        %dma_start3A_35 = arith.constant 768 : i32
        %dma_start3A_36 = arith.constant 0 : i32
        %dma_start3A_37 = tpu.memref_slice %arg8[%dma_start3A_35, %dma_start3A_36] : memref<1024x8xf32, #tpu.memory_space<vmem>> -> memref<128x8xf32, #tpu.memory_space<vmem>>
        %dma_start3A_38 = arith.constant 0 : i32
        %dma_start3A_39 = tpu.memref_slice %arg7[%run_scoped3A_32, %dma_start3A_38] : memref<8x128xi32, #tpu.memory_space<vmem>> -> memref<1x128xi32, #tpu.memory_space<vmem>>
        %dma_start3A_40 = tpu.memref_squeeze %dma_start3A_39 : memref<1x128xi32, #tpu.memory_space<vmem>> -> memref<128xi32, #tpu.memory_space<vmem>>
        %dma_start3A_41 = arith.constant 0 : i32
        %dma_start3A_42 = arith.constant 0 : i32
        %dma_start3A_43 = tpu.memref_slice %arg6[%dma_start3A_41, %dma_start3A_42] : memref<50176x8xf32, #tpu.memory_space<vmem_shared>> -> memref<50176x8xf32, #tpu.memory_space<vmem_shared>>
        tpu.enqueue_indirect_dma source(%dma_start3A_37 : memref<128x8xf32, #tpu.memory_space<vmem>>) target(%dma_start3A_43 : memref<50176x8xf32, #tpu.memory_space<vmem_shared>>) offsets(%dma_start3A_40 : memref<128xi32, #tpu.memory_space<vmem>>) semaphore(%run_scoped3A_34 : memref<!tpu.dma_semaphore, #tpu.memory_space<semaphore_mem>>) {add = true}
        %dma_wait3A_44 = arith.constant 768 : i32
        %dma_wait3A_45 = arith.constant 0 : i32
        %dma_wait3A_46 = tpu.memref_slice %arg8[%dma_wait3A_44, %dma_wait3A_45] : memref<1024x8xf32, #tpu.memory_space<vmem>> -> memref<128x8xf32, #tpu.memory_space<vmem>>
        %dma_wait3A_47 = arith.constant 0 : i32
        %dma_wait3A_48 = tpu.memref_slice %arg7[%run_scoped3A_32, %dma_wait3A_47] : memref<8x128xi32, #tpu.memory_space<vmem>> -> memref<1x128xi32, #tpu.memory_space<vmem>>
        %dma_wait3A_49 = tpu.memref_squeeze %dma_wait3A_48 : memref<1x128xi32, #tpu.memory_space<vmem>> -> memref<128xi32, #tpu.memory_space<vmem>>
        %dma_wait3A_50 = arith.constant 0 : i32
        %dma_wait3A_51 = arith.constant 0 : i32
        %dma_wait3A_52 = tpu.memref_slice %arg6[%dma_wait3A_50, %dma_wait3A_51] : memref<50176x8xf32, #tpu.memory_space<vmem_shared>> -> memref<50176x8xf32, #tpu.memory_space<vmem_shared>>
        tpu.wait_indirect_dma semaphore(%run_scoped3A_34 : memref<!tpu.dma_semaphore, #tpu.memory_space<semaphore_mem>>) src(%dma_wait3A_46 : memref<128x8xf32, #tpu.memory_space<vmem>>) dst(%dma_wait3A_52 : memref<50176x8xf32, #tpu.memory_space<vmem_shared>>)
        tpu.yield
      }) : () -> ()
      %run_scoped3A_33 = arith.constant 7 : i32
      "tpu.region"() ({
        %run_scoped3A_34 = tpu.sem_alloc : memref<!tpu.dma_semaphore, #tpu.memory_space<semaphore_mem>>
        %dma_start3A_35 = arith.constant 896 : i32
        %dma_start3A_36 = arith.constant 0 : i32
        %dma_start3A_37 = tpu.memref_slice %arg8[%dma_start3A_35, %dma_start3A_36] : memref<1024x8xf32, #tpu.memory_space<vmem>> -> memref<128x8xf32, #tpu.memory_space<vmem>>
        %dma_start3A_38 = arith.constant 0 : i32
        %dma_start3A_39 = tpu.memref_slice %arg7[%run_scoped3A_33, %dma_start3A_38] : memref<8x128xi32, #tpu.memory_space<vmem>> -> memref<1x128xi32, #tpu.memory_space<vmem>>
        %dma_start3A_40 = tpu.memref_squeeze %dma_start3A_39 : memref<1x128xi32, #tpu.memory_space<vmem>> -> memref<128xi32, #tpu.memory_space<vmem>>
        %dma_start3A_41 = arith.constant 0 : i32
        %dma_start3A_42 = arith.constant 0 : i32
        %dma_start3A_43 = tpu.memref_slice %arg6[%dma_start3A_41, %dma_start3A_42] : memref<50176x8xf32, #tpu.memory_space<vmem_shared>> -> memref<50176x8xf32, #tpu.memory_space<vmem_shared>>
        tpu.enqueue_indirect_dma source(%dma_start3A_37 : memref<128x8xf32, #tpu.memory_space<vmem>>) target(%dma_start3A_43 : memref<50176x8xf32, #tpu.memory_space<vmem_shared>>) offsets(%dma_start3A_40 : memref<128xi32, #tpu.memory_space<vmem>>) semaphore(%run_scoped3A_34 : memref<!tpu.dma_semaphore, #tpu.memory_space<semaphore_mem>>) {add = true}
        %dma_wait3A_44 = arith.constant 896 : i32
        %dma_wait3A_45 = arith.constant 0 : i32
        %dma_wait3A_46 = tpu.memref_slice %arg8[%dma_wait3A_44, %dma_wait3A_45] : memref<1024x8xf32, #tpu.memory_space<vmem>> -> memref<128x8xf32, #tpu.memory_space<vmem>>
        %dma_wait3A_47 = arith.constant 0 : i32
        %dma_wait3A_48 = tpu.memref_slice %arg7[%run_scoped3A_33, %dma_wait3A_47] : memref<8x128xi32, #tpu.memory_space<vmem>> -> memref<1x128xi32, #tpu.memory_space<vmem>>
        %dma_wait3A_49 = tpu.memref_squeeze %dma_wait3A_48 : memref<1x128xi32, #tpu.memory_space<vmem>> -> memref<128xi32, #tpu.memory_space<vmem>>
        %dma_wait3A_50 = arith.constant 0 : i32
        %dma_wait3A_51 = arith.constant 0 : i32
        %dma_wait3A_52 = tpu.memref_slice %arg6[%dma_wait3A_50, %dma_wait3A_51] : memref<50176x8xf32, #tpu.memory_space<vmem_shared>> -> memref<50176x8xf32, #tpu.memory_space<vmem_shared>>
        tpu.wait_indirect_dma semaphore(%run_scoped3A_34 : memref<!tpu.dma_semaphore, #tpu.memory_space<semaphore_mem>>) src(%dma_wait3A_46 : memref<128x8xf32, #tpu.memory_space<vmem>>) dst(%dma_wait3A_52 : memref<50176x8xf32, #tpu.memory_space<vmem_shared>>)
        tpu.yield
      }) : () -> ()
    }
    %scan3A_7 = arith.constant 25 : i32
    %barrier3A_8 = arith.constant 0 : index
    tpu.barrier barrier_id(%barrier3A_8)
    %mul3A_9 = arith.constant 3128 : i32
    %mul3A_10 = arith.muli %arg1, %mul3A_9 : i32
    %mul3A_11 = arith.constant 3128 : i32
    %mul3A_12 = arith.muli %arg1, %mul3A_11 : i32
    "tpu.region"() ({
      %run_scoped3A = tpu.sem_alloc : memref<!tpu.dma_semaphore, #tpu.memory_space<semaphore_mem>>
      %dma_start3A = arith.constant 0 : i32
      %dma_start3A_13 = arith.constant 0 : i32
      %dma_start3A_14 = tpu.memref_slice %arg5[%arg0, %dma_start3A, %dma_start3A_13] : memref<2x50048x8xf32, #tpu.memory_space<hbm>> -> memref<1x50048x8xf32, #tpu.memory_space<hbm>>
      %dma_start3A_15 = tpu.memref_squeeze %dma_start3A_14 : memref<1x50048x8xf32, #tpu.memory_space<hbm>> -> memref<50048x8xf32, #tpu.memory_space<hbm>>
      %dma_start3A_16 = arith.constant 0 : i32
      %dma_start3A_17 = tpu.memref_slice %dma_start3A_15[%mul3A_12, %dma_start3A_16] : memref<50048x8xf32, #tpu.memory_space<hbm>> -> memref<3128x8xf32, #tpu.memory_space<hbm>>
      %dma_start3A_18 = arith.constant 0 : i32
      %dma_start3A_19 = tpu.memref_slice %arg6[%mul3A_10, %dma_start3A_18] : memref<50176x8xf32, #tpu.memory_space<vmem_shared>> -> memref<3128x8xf32, #tpu.memory_space<vmem_shared>>
      tpu.enqueue_dma source(%dma_start3A_19 : memref<3128x8xf32, #tpu.memory_space<vmem_shared>>) target(%dma_start3A_17 : memref<3128x8xf32, #tpu.memory_space<hbm>>) target_semaphore(%run_scoped3A : memref<!tpu.dma_semaphore, #tpu.memory_space<semaphore_mem>>)
      %dma_wait3A = arith.constant 0 : i32
      %dma_wait3A_20 = arith.constant 0 : i32
      %dma_wait3A_21 = tpu.memref_slice %arg5[%arg0, %dma_wait3A, %dma_wait3A_20] : memref<2x50048x8xf32, #tpu.memory_space<hbm>> -> memref<1x50048x8xf32, #tpu.memory_space<hbm>>
      %dma_wait3A_22 = tpu.memref_squeeze %dma_wait3A_21 : memref<1x50048x8xf32, #tpu.memory_space<hbm>> -> memref<50048x8xf32, #tpu.memory_space<hbm>>
      %dma_wait3A_23 = arith.constant 0 : i32
      %dma_wait3A_24 = tpu.memref_slice %dma_wait3A_22[%mul3A_12, %dma_wait3A_23] : memref<50048x8xf32, #tpu.memory_space<hbm>> -> memref<3128x8xf32, #tpu.memory_space<hbm>>
      %dma_wait3A_25 = arith.constant 0 : i32
      %dma_wait3A_26 = tpu.memref_slice %arg6[%mul3A_10, %dma_wait3A_25] : memref<50176x8xf32, #tpu.memory_space<vmem_shared>> -> memref<3128x8xf32, #tpu.memory_space<vmem_shared>>
      tpu.wait_dma2 semaphore(%run_scoped3A : memref<!tpu.dma_semaphore, #tpu.memory_space<semaphore_mem>>) src(%dma_wait3A_26 : memref<3128x8xf32, #tpu.memory_space<vmem_shared>>) dst(%dma_wait3A_24 : memref<3128x8xf32, #tpu.memory_space<hbm>>)
      tpu.yield
    }) : () -> ()
    return
  }
}

#map = affine_map<(d0, d1) -> (0, 0, 0)>
#map1 = affine_map<(d0, d1) -> (0, 0)>
module attributes {stable_mosaic.version = 14 : i64} {
  func.func @_hsum_body(%arg0: i32, %arg1: i32, %arg2: memref<2x50000x32xf32, #tpu.memory_space<hbm>>, %arg3: memref<1600x2x512xi32, #tpu.memory_space<hbm>>, %arg4: memref<3136x32xf32, #tpu.memory_space<hbm>>, %arg5: memref<2x50048x32xf32, #tpu.memory_space<hbm>>, %arg6: memref<50176x32xf32, #tpu.memory_space<vmem_shared>>, %arg7: memref<2x2x512xi32, #tpu.memory_space<vmem>>, %arg8: memref<512x32xf32, #tpu.memory_space<vmem>>, %arg9: memref<!tpu.dma_semaphore, #tpu.memory_space<semaphore_mem>>, %arg10: memref<!tpu.dma_semaphore, #tpu.memory_space<semaphore_mem>>) attributes {dimension_semantics = [#tpu.dimension_semantics<core_parallel>, #tpu.dimension_semantics<subcore_parallel>], iteration_bounds = array<i64: 2, 16>, scalar_prefetch = 0 : i64, scratch_operands = 5 : i64, tpu.core_type = #tpu.core_type<sc_vector_subcore>, window_params = [{transform_indices = #map}, {transform_indices = #map}, {transform_indices = #map1}, {transform_indices = #map}]} {
    %mul3A = arith.constant 3136 : i32
    %mul3A_0 = arith.muli %arg1, %mul3A : i32
    "tpu.region"() ({
      %run_scoped3A_13 = tpu.sem_alloc : memref<!tpu.dma_semaphore, #tpu.memory_space<semaphore_mem>>
      %dma_start3A = arith.constant 0 : i32
      %dma_start3A_14 = tpu.memref_slice %arg6[%mul3A_0, %dma_start3A] : memref<50176x32xf32, #tpu.memory_space<vmem_shared>> -> memref<3136x32xf32, #tpu.memory_space<vmem_shared>>
      tpu.enqueue_dma source(%arg4 : memref<3136x32xf32, #tpu.memory_space<hbm>>) target(%dma_start3A_14 : memref<3136x32xf32, #tpu.memory_space<vmem_shared>>) target_semaphore(%run_scoped3A_13 : memref<!tpu.dma_semaphore, #tpu.memory_space<semaphore_mem>>)
      %dma_wait3A = arith.constant 0 : i32
      %dma_wait3A_15 = tpu.memref_slice %arg6[%mul3A_0, %dma_wait3A] : memref<50176x32xf32, #tpu.memory_space<vmem_shared>> -> memref<3136x32xf32, #tpu.memory_space<vmem_shared>>
      tpu.wait_dma2 semaphore(%run_scoped3A_13 : memref<!tpu.dma_semaphore, #tpu.memory_space<semaphore_mem>>) src(%arg4 : memref<3136x32xf32, #tpu.memory_space<hbm>>) dst(%dma_wait3A_15 : memref<3136x32xf32, #tpu.memory_space<vmem_shared>>)
      tpu.yield
    }) : () -> ()
    %barrier3A = arith.constant 0 : index
    tpu.barrier barrier_id(%barrier3A)
    %mul3A_1 = arith.constant 100 : i32
    %mul3A_2 = arith.muli %arg1, %mul3A_1 : i32
    %run_scoped3A = arith.constant 0 : i32
    "tpu.region"() ({
      %run_scoped3A_13 = tpu.sem_alloc : memref<!tpu.dma_semaphore, #tpu.memory_space<semaphore_mem>>
      %dma_start3A = arith.constant 0 : i32
      %dma_start3A_14 = arith.constant 0 : i32
      %dma_start3A_15 = tpu.memref_slice %arg7[%run_scoped3A, %dma_start3A, %dma_start3A_14] : memref<2x2x512xi32, #tpu.memory_space<vmem>> -> memref<1x2x512xi32, #tpu.memory_space<vmem>>
      %dma_start3A_16 = tpu.memref_squeeze %dma_start3A_15 : memref<1x2x512xi32, #tpu.memory_space<vmem>> -> memref<2x512xi32, #tpu.memory_space<vmem>>
      %dma_start3A_17 = arith.constant 0 : i32
      %dma_start3A_18 = arith.constant 0 : i32
      %dma_start3A_19 = tpu.memref_slice %arg3[%mul3A_2, %dma_start3A_17, %dma_start3A_18] : memref<1600x2x512xi32, #tpu.memory_space<hbm>> -> memref<1x2x512xi32, #tpu.memory_space<hbm>>
      %dma_start3A_20 = tpu.memref_squeeze %dma_start3A_19 : memref<1x2x512xi32, #tpu.memory_space<hbm>> -> memref<2x512xi32, #tpu.memory_space<hbm>>
      %dma_start3A_21 = arith.constant 0 : i32
      %dma_start3A_22 = arith.constant 0 : i32
      %dma_start3A_23 = tpu.memref_slice %arg7[%run_scoped3A, %dma_start3A_21, %dma_start3A_22] : memref<2x2x512xi32, #tpu.memory_space<vmem>> -> memref<1x2x512xi32, #tpu.memory_space<vmem>>
      %dma_start3A_24 = tpu.memref_squeeze %dma_start3A_23 : memref<1x2x512xi32, #tpu.memory_space<vmem>> -> memref<2x512xi32, #tpu.memory_space<vmem>>
      %dma_start3A_25 = arith.constant 0 : i32
      %dma_start3A_26 = arith.constant 0 : i32
      %dma_start3A_27 = tpu.memref_slice %arg3[%mul3A_2, %dma_start3A_25, %dma_start3A_26] : memref<1600x2x512xi32, #tpu.memory_space<hbm>> -> memref<1x2x512xi32, #tpu.memory_space<hbm>>
      %dma_start3A_28 = tpu.memref_squeeze %dma_start3A_27 : memref<1x2x512xi32, #tpu.memory_space<hbm>> -> memref<2x512xi32, #tpu.memory_space<hbm>>
      tpu.enqueue_dma source(%dma_start3A_28 : memref<2x512xi32, #tpu.memory_space<hbm>>) target(%dma_start3A_24 : memref<2x512xi32, #tpu.memory_space<vmem>>) target_semaphore(%run_scoped3A_13 : memref<!tpu.dma_semaphore, #tpu.memory_space<semaphore_mem>>)
      %dma_wait3A = arith.constant 0 : i32
      %dma_wait3A_29 = arith.constant 0 : i32
      %dma_wait3A_30 = tpu.memref_slice %arg7[%run_scoped3A, %dma_wait3A, %dma_wait3A_29] : memref<2x2x512xi32, #tpu.memory_space<vmem>> -> memref<1x2x512xi32, #tpu.memory_space<vmem>>
      %dma_wait3A_31 = tpu.memref_squeeze %dma_wait3A_30 : memref<1x2x512xi32, #tpu.memory_space<vmem>> -> memref<2x512xi32, #tpu.memory_space<vmem>>
      %dma_wait3A_32 = arith.constant 0 : i32
      %dma_wait3A_33 = arith.constant 0 : i32
      %dma_wait3A_34 = tpu.memref_slice %arg3[%mul3A_2, %dma_wait3A_32, %dma_wait3A_33] : memref<1600x2x512xi32, #tpu.memory_space<hbm>> -> memref<1x2x512xi32, #tpu.memory_space<hbm>>
      %dma_wait3A_35 = tpu.memref_squeeze %dma_wait3A_34 : memref<1x2x512xi32, #tpu.memory_space<hbm>> -> memref<2x512xi32, #tpu.memory_space<hbm>>
      %dma_wait3A_36 = arith.constant 0 : i32
      %dma_wait3A_37 = arith.constant 0 : i32
      %dma_wait3A_38 = tpu.memref_slice %arg7[%run_scoped3A, %dma_wait3A_36, %dma_wait3A_37] : memref<2x2x512xi32, #tpu.memory_space<vmem>> -> memref<1x2x512xi32, #tpu.memory_space<vmem>>
      %dma_wait3A_39 = tpu.memref_squeeze %dma_wait3A_38 : memref<1x2x512xi32, #tpu.memory_space<vmem>> -> memref<2x512xi32, #tpu.memory_space<vmem>>
      %dma_wait3A_40 = arith.constant 0 : i32
      %dma_wait3A_41 = arith.constant 0 : i32
      %dma_wait3A_42 = tpu.memref_slice %arg3[%mul3A_2, %dma_wait3A_40, %dma_wait3A_41] : memref<1600x2x512xi32, #tpu.memory_space<hbm>> -> memref<1x2x512xi32, #tpu.memory_space<hbm>>
      %dma_wait3A_43 = tpu.memref_squeeze %dma_wait3A_42 : memref<1x2x512xi32, #tpu.memory_space<hbm>> -> memref<2x512xi32, #tpu.memory_space<hbm>>
      tpu.wait_dma2 semaphore(%run_scoped3A_13 : memref<!tpu.dma_semaphore, #tpu.memory_space<semaphore_mem>>) src(%dma_wait3A_43 : memref<2x512xi32, #tpu.memory_space<hbm>>) dst(%dma_wait3A_39 : memref<2x512xi32, #tpu.memory_space<vmem>>)
      tpu.yield
    }) : () -> ()
    %scan3A = arith.constant 0 : i32
    %scan3A_3 = arith.constant 0 : i32
    %scan3A_4 = arith.constant 50 : i32
    %scan3A_5 = arith.addi %scan3A_3, %scan3A_4 : i32
    %scan3A_6 = arith.constant 1 : i32
    scf.for %scan3A_13 = %scan3A_3 to %scan3A_5 step %scan3A_6  : i32 {
      %mul3A_14 = arith.constant 2 : i32
      %mul3A_15 = arith.muli %mul3A_14, %scan3A_13 : i32
      %add3A = arith.constant 0 : i32
      %add3A_16 = arith.addi %mul3A_15, %add3A : i32
      %mul3A_17 = arith.constant 100 : i32
      %mul3A_18 = arith.muli %arg1, %mul3A_17 : i32
      %add3A_19 = arith.constant 1 : i32
      %add3A_20 = arith.addi %add3A_16, %add3A_19 : i32
      %min3A = arith.constant 99 : i32
      %min3A_21 = arith.minsi %add3A_20, %min3A : i32
      %add3A_22 = arith.addi %mul3A_18, %min3A_21 : i32
      %dma_start3A = arith.constant 1 : i32
      %dma_start3A_23 = arith.constant 0 : i32
      %dma_start3A_24 = arith.constant 0 : i32
      %dma_start3A_25 = tpu.memref_slice %arg7[%dma_start3A, %dma_start3A_23, %dma_start3A_24] : memref<2x2x512xi32, #tpu.memory_space<vmem>> -> memref<1x2x512xi32, #tpu.memory_space<vmem>>
      %dma_start3A_26 = tpu.memref_squeeze %dma_start3A_25 : memref<1x2x512xi32, #tpu.memory_space<vmem>> -> memref<2x512xi32, #tpu.memory_space<vmem>>
      %dma_start3A_27 = arith.constant 0 : i32
      %dma_start3A_28 = arith.constant 0 : i32
      %dma_start3A_29 = tpu.memref_slice %arg3[%add3A_22, %dma_start3A_27, %dma_start3A_28] : memref<1600x2x512xi32, #tpu.memory_space<hbm>> -> memref<1x2x512xi32, #tpu.memory_space<hbm>>
      %dma_start3A_30 = tpu.memref_squeeze %dma_start3A_29 : memref<1x2x512xi32, #tpu.memory_space<hbm>> -> memref<2x512xi32, #tpu.memory_space<hbm>>
      %dma_start3A_31 = arith.constant 0 : i32
      %dma_start3A_32 = arith.constant 0 : i32
      %dma_start3A_33 = tpu.memref_slice %arg7[%dma_start3A, %dma_start3A_31, %dma_start3A_32] : memref<2x2x512xi32, #tpu.memory_space<vmem>> -> memref<1x2x512xi32, #tpu.memory_space<vmem>>
      %dma_start3A_34 = tpu.memref_squeeze %dma_start3A_33 : memref<1x2x512xi32, #tpu.memory_space<vmem>> -> memref<2x512xi32, #tpu.memory_space<vmem>>
      %dma_start3A_35 = arith.constant 0 : i32
      %dma_start3A_36 = arith.constant 0 : i32
      %dma_start3A_37 = tpu.memref_slice %arg3[%add3A_22, %dma_start3A_35, %dma_start3A_36] : memref<1600x2x512xi32, #tpu.memory_space<hbm>> -> memref<1x2x512xi32, #tpu.memory_space<hbm>>
      %dma_start3A_38 = tpu.memref_squeeze %dma_start3A_37 : memref<1x2x512xi32, #tpu.memory_space<hbm>> -> memref<2x512xi32, #tpu.memory_space<hbm>>
      tpu.enqueue_dma source(%dma_start3A_38 : memref<2x512xi32, #tpu.memory_space<hbm>>) target(%dma_start3A_34 : memref<2x512xi32, #tpu.memory_space<vmem>>) target_semaphore(%arg10 : memref<!tpu.dma_semaphore, #tpu.memory_space<semaphore_mem>>)
      %dma_start3A_39 = arith.constant 0 : i32
      %dma_start3A_40 = arith.constant 0 : i32
      %dma_start3A_41 = arith.constant 0 : i32
      %dma_start3A_42 = arith.constant 0 : i32
      %dma_start3A_43 = tpu.memref_slice %arg7[%dma_start3A_39, %dma_start3A_41, %dma_start3A_42] : memref<2x2x512xi32, #tpu.memory_space<vmem>> -> memref<1x2x512xi32, #tpu.memory_space<vmem>>
      %dma_start3A_44 = tpu.memref_squeeze %dma_start3A_43 : memref<1x2x512xi32, #tpu.memory_space<vmem>> -> memref<2x512xi32, #tpu.memory_space<vmem>>
      %dma_start3A_45 = arith.constant 0 : i32
      %dma_start3A_46 = tpu.memref_slice %dma_start3A_44[%dma_start3A_40, %dma_start3A_45] : memref<2x512xi32, #tpu.memory_space<vmem>> -> memref<1x512xi32, #tpu.memory_space<vmem>>
      %dma_start3A_47 = tpu.memref_squeeze %dma_start3A_46 : memref<1x512xi32, #tpu.memory_space<vmem>> -> memref<512xi32, #tpu.memory_space<vmem>>
      %dma_start3A_48 = arith.constant 0 : i32
      %dma_start3A_49 = arith.constant 0 : i32
      %dma_start3A_50 = tpu.memref_slice %arg2[%arg0, %dma_start3A_48, %dma_start3A_49] : memref<2x50000x32xf32, #tpu.memory_space<hbm>> -> memref<1x50000x32xf32, #tpu.memory_space<hbm>>
      %dma_start3A_51 = tpu.memref_squeeze %dma_start3A_50 : memref<1x50000x32xf32, #tpu.memory_space<hbm>> -> memref<50000x32xf32, #tpu.memory_space<hbm>>
      %dma_start3A_52 = arith.constant 0 : i32
      %dma_start3A_53 = arith.constant 0 : i32
      %dma_start3A_54 = tpu.memref_slice %dma_start3A_51[%dma_start3A_52, %dma_start3A_53] : memref<50000x32xf32, #tpu.memory_space<hbm>> -> memref<50000x32xf32, #tpu.memory_space<hbm>>
      tpu.enqueue_indirect_dma source(%dma_start3A_54 : memref<50000x32xf32, #tpu.memory_space<hbm>>) target(%arg8 : memref<512x32xf32, #tpu.memory_space<vmem>>) offsets(%dma_start3A_47 : memref<512xi32, #tpu.memory_space<vmem>>) semaphore(%arg9 : memref<!tpu.dma_semaphore, #tpu.memory_space<semaphore_mem>>)
      %dma_wait3A = arith.constant 0 : i32
      %dma_wait3A_55 = arith.constant 0 : i32
      %dma_wait3A_56 = arith.constant 0 : i32
      %dma_wait3A_57 = arith.constant 0 : i32
      %dma_wait3A_58 = tpu.memref_slice %arg7[%dma_wait3A, %dma_wait3A_56, %dma_wait3A_57] : memref<2x2x512xi32, #tpu.memory_space<vmem>> -> memref<1x2x512xi32, #tpu.memory_space<vmem>>
      %dma_wait3A_59 = tpu.memref_squeeze %dma_wait3A_58 : memref<1x2x512xi32, #tpu.memory_space<vmem>> -> memref<2x512xi32, #tpu.memory_space<vmem>>
      %dma_wait3A_60 = arith.constant 0 : i32
      %dma_wait3A_61 = tpu.memref_slice %dma_wait3A_59[%dma_wait3A_55, %dma_wait3A_60] : memref<2x512xi32, #tpu.memory_space<vmem>> -> memref<1x512xi32, #tpu.memory_space<vmem>>
      %dma_wait3A_62 = tpu.memref_squeeze %dma_wait3A_61 : memref<1x512xi32, #tpu.memory_space<vmem>> -> memref<512xi32, #tpu.memory_space<vmem>>
      %dma_wait3A_63 = arith.constant 0 : i32
      %dma_wait3A_64 = arith.constant 0 : i32
      %dma_wait3A_65 = tpu.memref_slice %arg2[%arg0, %dma_wait3A_63, %dma_wait3A_64] : memref<2x50000x32xf32, #tpu.memory_space<hbm>> -> memref<1x50000x32xf32, #tpu.memory_space<hbm>>
      %dma_wait3A_66 = tpu.memref_squeeze %dma_wait3A_65 : memref<1x50000x32xf32, #tpu.memory_space<hbm>> -> memref<50000x32xf32, #tpu.memory_space<hbm>>
      %dma_wait3A_67 = arith.constant 0 : i32
      %dma_wait3A_68 = arith.constant 0 : i32
      %dma_wait3A_69 = tpu.memref_slice %dma_wait3A_66[%dma_wait3A_67, %dma_wait3A_68] : memref<50000x32xf32, #tpu.memory_space<hbm>> -> memref<50000x32xf32, #tpu.memory_space<hbm>>
      tpu.wait_indirect_dma semaphore(%arg9 : memref<!tpu.dma_semaphore, #tpu.memory_space<semaphore_mem>>) src(%dma_wait3A_69 : memref<50000x32xf32, #tpu.memory_space<hbm>>) dst(%arg8 : memref<512x32xf32, #tpu.memory_space<vmem>>)
      %run_scoped3A_70 = arith.constant 0 : i32
      %run_scoped3A_71 = arith.constant 1 : i32
      "tpu.region"() ({
        %run_scoped3A_168 = tpu.sem_alloc : memref<!tpu.dma_semaphore, #tpu.memory_space<semaphore_mem>>
        %dma_start3A_169 = arith.constant 0 : i32
        %dma_start3A_170 = arith.constant 0 : i32
        %dma_start3A_171 = tpu.memref_slice %arg7[%run_scoped3A_70, %dma_start3A_169, %dma_start3A_170] : memref<2x2x512xi32, #tpu.memory_space<vmem>> -> memref<1x2x512xi32, #tpu.memory_space<vmem>>
        %dma_start3A_172 = tpu.memref_squeeze %dma_start3A_171 : memref<1x2x512xi32, #tpu.memory_space<vmem>> -> memref<2x512xi32, #tpu.memory_space<vmem>>
        %dma_start3A_173 = arith.constant 0 : i32
        %dma_start3A_174 = tpu.memref_slice %dma_start3A_172[%run_scoped3A_71, %dma_start3A_173] : memref<2x512xi32, #tpu.memory_space<vmem>> -> memref<1x512xi32, #tpu.memory_space<vmem>>
        %dma_start3A_175 = tpu.memref_squeeze %dma_start3A_174 : memref<1x512xi32, #tpu.memory_space<vmem>> -> memref<512xi32, #tpu.memory_space<vmem>>
        %dma_start3A_176 = arith.constant 0 : i32
        %dma_start3A_177 = arith.constant 0 : i32
        %dma_start3A_178 = tpu.memref_slice %arg6[%dma_start3A_176, %dma_start3A_177] : memref<50176x32xf32, #tpu.memory_space<vmem_shared>> -> memref<50176x32xf32, #tpu.memory_space<vmem_shared>>
        tpu.enqueue_indirect_dma source(%arg8 : memref<512x32xf32, #tpu.memory_space<vmem>>) target(%dma_start3A_178 : memref<50176x32xf32, #tpu.memory_space<vmem_shared>>) offsets(%dma_start3A_175 : memref<512xi32, #tpu.memory_space<vmem>>) semaphore(%run_scoped3A_168 : memref<!tpu.dma_semaphore, #tpu.memory_space<semaphore_mem>>) {add = true}
        %dma_wait3A_179 = arith.constant 0 : i32
        %dma_wait3A_180 = arith.constant 0 : i32
        %dma_wait3A_181 = tpu.memref_slice %arg7[%run_scoped3A_70, %dma_wait3A_179, %dma_wait3A_180] : memref<2x2x512xi32, #tpu.memory_space<vmem>> -> memref<1x2x512xi32, #tpu.memory_space<vmem>>
        %dma_wait3A_182 = tpu.memref_squeeze %dma_wait3A_181 : memref<1x2x512xi32, #tpu.memory_space<vmem>> -> memref<2x512xi32, #tpu.memory_space<vmem>>
        %dma_wait3A_183 = arith.constant 0 : i32
        %dma_wait3A_184 = tpu.memref_slice %dma_wait3A_182[%run_scoped3A_71, %dma_wait3A_183] : memref<2x512xi32, #tpu.memory_space<vmem>> -> memref<1x512xi32, #tpu.memory_space<vmem>>
        %dma_wait3A_185 = tpu.memref_squeeze %dma_wait3A_184 : memref<1x512xi32, #tpu.memory_space<vmem>> -> memref<512xi32, #tpu.memory_space<vmem>>
        %dma_wait3A_186 = arith.constant 0 : i32
        %dma_wait3A_187 = arith.constant 0 : i32
        %dma_wait3A_188 = tpu.memref_slice %arg6[%dma_wait3A_186, %dma_wait3A_187] : memref<50176x32xf32, #tpu.memory_space<vmem_shared>> -> memref<50176x32xf32, #tpu.memory_space<vmem_shared>>
        tpu.wait_indirect_dma semaphore(%run_scoped3A_168 : memref<!tpu.dma_semaphore, #tpu.memory_space<semaphore_mem>>) src(%arg8 : memref<512x32xf32, #tpu.memory_space<vmem>>) dst(%dma_wait3A_188 : memref<50176x32xf32, #tpu.memory_space<vmem_shared>>)
        tpu.yield
      }) : () -> ()
      %dma_wait3A_72 = arith.constant 1 : i32
      %dma_wait3A_73 = arith.constant 0 : i32
      %dma_wait3A_74 = arith.constant 0 : i32
      %dma_wait3A_75 = tpu.memref_slice %arg7[%dma_wait3A_72, %dma_wait3A_73, %dma_wait3A_74] : memref<2x2x512xi32, #tpu.memory_space<vmem>> -> memref<1x2x512xi32, #tpu.memory_space<vmem>>
      %dma_wait3A_76 = tpu.memref_squeeze %dma_wait3A_75 : memref<1x2x512xi32, #tpu.memory_space<vmem>> -> memref<2x512xi32, #tpu.memory_space<vmem>>
      %dma_wait3A_77 = arith.constant 0 : i32
      %dma_wait3A_78 = arith.constant 0 : i32
      %dma_wait3A_79 = tpu.memref_slice %arg3[%add3A_22, %dma_wait3A_77, %dma_wait3A_78] : memref<1600x2x512xi32, #tpu.memory_space<hbm>> -> memref<1x2x512xi32, #tpu.memory_space<hbm>>
      %dma_wait3A_80 = tpu.memref_squeeze %dma_wait3A_79 : memref<1x2x512xi32, #tpu.memory_space<hbm>> -> memref<2x512xi32, #tpu.memory_space<hbm>>
      %dma_wait3A_81 = arith.constant 0 : i32
      %dma_wait3A_82 = arith.constant 0 : i32
      %dma_wait3A_83 = tpu.memref_slice %arg7[%dma_wait3A_72, %dma_wait3A_81, %dma_wait3A_82] : memref<2x2x512xi32, #tpu.memory_space<vmem>> -> memref<1x2x512xi32, #tpu.memory_space<vmem>>
      %dma_wait3A_84 = tpu.memref_squeeze %dma_wait3A_83 : memref<1x2x512xi32, #tpu.memory_space<vmem>> -> memref<2x512xi32, #tpu.memory_space<vmem>>
      %dma_wait3A_85 = arith.constant 0 : i32
      %dma_wait3A_86 = arith.constant 0 : i32
      %dma_wait3A_87 = tpu.memref_slice %arg3[%add3A_22, %dma_wait3A_85, %dma_wait3A_86] : memref<1600x2x512xi32, #tpu.memory_space<hbm>> -> memref<1x2x512xi32, #tpu.memory_space<hbm>>
      %dma_wait3A_88 = tpu.memref_squeeze %dma_wait3A_87 : memref<1x2x512xi32, #tpu.memory_space<hbm>> -> memref<2x512xi32, #tpu.memory_space<hbm>>
      tpu.wait_dma2 semaphore(%arg10 : memref<!tpu.dma_semaphore, #tpu.memory_space<semaphore_mem>>) src(%dma_wait3A_88 : memref<2x512xi32, #tpu.memory_space<hbm>>) dst(%dma_wait3A_84 : memref<2x512xi32, #tpu.memory_space<vmem>>)
      %mul3A_89 = arith.constant 2 : i32
      %mul3A_90 = arith.muli %mul3A_89, %scan3A_13 : i32
      %add3A_91 = arith.constant 1 : i32
      %add3A_92 = arith.addi %mul3A_90, %add3A_91 : i32
      %mul3A_93 = arith.constant 100 : i32
      %mul3A_94 = arith.muli %arg1, %mul3A_93 : i32
      %add3A_95 = arith.constant 1 : i32
      %add3A_96 = arith.addi %add3A_92, %add3A_95 : i32
      %min3A_97 = arith.constant 99 : i32
      %min3A_98 = arith.minsi %add3A_96, %min3A_97 : i32
      %add3A_99 = arith.addi %mul3A_94, %min3A_98 : i32
      %dma_start3A_100 = arith.constant 0 : i32
      %dma_start3A_101 = arith.constant 0 : i32
      %dma_start3A_102 = arith.constant 0 : i32
      %dma_start3A_103 = tpu.memref_slice %arg7[%dma_start3A_100, %dma_start3A_101, %dma_start3A_102] : memref<2x2x512xi32, #tpu.memory_space<vmem>> -> memref<1x2x512xi32, #tpu.memory_space<vmem>>
      %dma_start3A_104 = tpu.memref_squeeze %dma_start3A_103 : memref<1x2x512xi32, #tpu.memory_space<vmem>> -> memref<2x512xi32, #tpu.memory_space<vmem>>
      %dma_start3A_105 = arith.constant 0 : i32
      %dma_start3A_106 = arith.constant 0 : i32
      %dma_start3A_107 = tpu.memref_slice %arg3[%add3A_99, %dma_start3A_105, %dma_start3A_106] : memref<1600x2x512xi32, #tpu.memory_space<hbm>> -> memref<1x2x512xi32, #tpu.memory_space<hbm>>
      %dma_start3A_108 = tpu.memref_squeeze %dma_start3A_107 : memref<1x2x512xi32, #tpu.memory_space<hbm>> -> memref<2x512xi32, #tpu.memory_space<hbm>>
      %dma_start3A_109 = arith.constant 0 : i32
      %dma_start3A_110 = arith.constant 0 : i32
      %dma_start3A_111 = tpu.memref_slice %arg7[%dma_start3A_100, %dma_start3A_109, %dma_start3A_110] : memref<2x2x512xi32, #tpu.memory_space<vmem>> -> memref<1x2x512xi32, #tpu.memory_space<vmem>>
      %dma_start3A_112 = tpu.memref_squeeze %dma_start3A_111 : memref<1x2x512xi32, #tpu.memory_space<vmem>> -> memref<2x512xi32, #tpu.memory_space<vmem>>
      %dma_start3A_113 = arith.constant 0 : i32
      %dma_start3A_114 = arith.constant 0 : i32
      %dma_start3A_115 = tpu.memref_slice %arg3[%add3A_99, %dma_start3A_113, %dma_start3A_114] : memref<1600x2x512xi32, #tpu.memory_space<hbm>> -> memref<1x2x512xi32, #tpu.memory_space<hbm>>
      %dma_start3A_116 = tpu.memref_squeeze %dma_start3A_115 : memref<1x2x512xi32, #tpu.memory_space<hbm>> -> memref<2x512xi32, #tpu.memory_space<hbm>>
      tpu.enqueue_dma source(%dma_start3A_116 : memref<2x512xi32, #tpu.memory_space<hbm>>) target(%dma_start3A_112 : memref<2x512xi32, #tpu.memory_space<vmem>>) target_semaphore(%arg10 : memref<!tpu.dma_semaphore, #tpu.memory_space<semaphore_mem>>)
      %dma_start3A_117 = arith.constant 1 : i32
      %dma_start3A_118 = arith.constant 0 : i32
      %dma_start3A_119 = arith.constant 0 : i32
      %dma_start3A_120 = arith.constant 0 : i32
      %dma_start3A_121 = tpu.memref_slice %arg7[%dma_start3A_117, %dma_start3A_119, %dma_start3A_120] : memref<2x2x512xi32, #tpu.memory_space<vmem>> -> memref<1x2x512xi32, #tpu.memory_space<vmem>>
      %dma_start3A_122 = tpu.memref_squeeze %dma_start3A_121 : memref<1x2x512xi32, #tpu.memory_space<vmem>> -> memref<2x512xi32, #tpu.memory_space<vmem>>
      %dma_start3A_123 = arith.constant 0 : i32
      %dma_start3A_124 = tpu.memref_slice %dma_start3A_122[%dma_start3A_118, %dma_start3A_123] : memref<2x512xi32, #tpu.memory_space<vmem>> -> memref<1x512xi32, #tpu.memory_space<vmem>>
      %dma_start3A_125 = tpu.memref_squeeze %dma_start3A_124 : memref<1x512xi32, #tpu.memory_space<vmem>> -> memref<512xi32, #tpu.memory_space<vmem>>
      %dma_start3A_126 = arith.constant 0 : i32
      %dma_start3A_127 = arith.constant 0 : i32
      %dma_start3A_128 = tpu.memref_slice %arg2[%arg0, %dma_start3A_126, %dma_start3A_127] : memref<2x50000x32xf32, #tpu.memory_space<hbm>> -> memref<1x50000x32xf32, #tpu.memory_space<hbm>>
      %dma_start3A_129 = tpu.memref_squeeze %dma_start3A_128 : memref<1x50000x32xf32, #tpu.memory_space<hbm>> -> memref<50000x32xf32, #tpu.memory_space<hbm>>
      %dma_start3A_130 = arith.constant 0 : i32
      %dma_start3A_131 = arith.constant 0 : i32
      %dma_start3A_132 = tpu.memref_slice %dma_start3A_129[%dma_start3A_130, %dma_start3A_131] : memref<50000x32xf32, #tpu.memory_space<hbm>> -> memref<50000x32xf32, #tpu.memory_space<hbm>>
      tpu.enqueue_indirect_dma source(%dma_start3A_132 : memref<50000x32xf32, #tpu.memory_space<hbm>>) target(%arg8 : memref<512x32xf32, #tpu.memory_space<vmem>>) offsets(%dma_start3A_125 : memref<512xi32, #tpu.memory_space<vmem>>) semaphore(%arg9 : memref<!tpu.dma_semaphore, #tpu.memory_space<semaphore_mem>>)
      %dma_wait3A_133 = arith.constant 1 : i32
      %dma_wait3A_134 = arith.constant 0 : i32
      %dma_wait3A_135 = arith.constant 0 : i32
      %dma_wait3A_136 = arith.constant 0 : i32
      %dma_wait3A_137 = tpu.memref_slice %arg7[%dma_wait3A_133, %dma_wait3A_135, %dma_wait3A_136] : memref<2x2x512xi32, #tpu.memory_space<vmem>> -> memref<1x2x512xi32, #tpu.memory_space<vmem>>
      %dma_wait3A_138 = tpu.memref_squeeze %dma_wait3A_137 : memref<1x2x512xi32, #tpu.memory_space<vmem>> -> memref<2x512xi32, #tpu.memory_space<vmem>>
      %dma_wait3A_139 = arith.constant 0 : i32
      %dma_wait3A_140 = tpu.memref_slice %dma_wait3A_138[%dma_wait3A_134, %dma_wait3A_139] : memref<2x512xi32, #tpu.memory_space<vmem>> -> memref<1x512xi32, #tpu.memory_space<vmem>>
      %dma_wait3A_141 = tpu.memref_squeeze %dma_wait3A_140 : memref<1x512xi32, #tpu.memory_space<vmem>> -> memref<512xi32, #tpu.memory_space<vmem>>
      %dma_wait3A_142 = arith.constant 0 : i32
      %dma_wait3A_143 = arith.constant 0 : i32
      %dma_wait3A_144 = tpu.memref_slice %arg2[%arg0, %dma_wait3A_142, %dma_wait3A_143] : memref<2x50000x32xf32, #tpu.memory_space<hbm>> -> memref<1x50000x32xf32, #tpu.memory_space<hbm>>
      %dma_wait3A_145 = tpu.memref_squeeze %dma_wait3A_144 : memref<1x50000x32xf32, #tpu.memory_space<hbm>> -> memref<50000x32xf32, #tpu.memory_space<hbm>>
      %dma_wait3A_146 = arith.constant 0 : i32
      %dma_wait3A_147 = arith.constant 0 : i32
      %dma_wait3A_148 = tpu.memref_slice %dma_wait3A_145[%dma_wait3A_146, %dma_wait3A_147] : memref<50000x32xf32, #tpu.memory_space<hbm>> -> memref<50000x32xf32, #tpu.memory_space<hbm>>
      tpu.wait_indirect_dma semaphore(%arg9 : memref<!tpu.dma_semaphore, #tpu.memory_space<semaphore_mem>>) src(%dma_wait3A_148 : memref<50000x32xf32, #tpu.memory_space<hbm>>) dst(%arg8 : memref<512x32xf32, #tpu.memory_space<vmem>>)
      %run_scoped3A_149 = arith.constant 1 : i32
      %run_scoped3A_150 = arith.constant 1 : i32
      "tpu.region"() ({
        %run_scoped3A_168 = tpu.sem_alloc : memref<!tpu.dma_semaphore, #tpu.memory_space<semaphore_mem>>
        %dma_start3A_169 = arith.constant 0 : i32
        %dma_start3A_170 = arith.constant 0 : i32
        %dma_start3A_171 = tpu.memref_slice %arg7[%run_scoped3A_149, %dma_start3A_169, %dma_start3A_170] : memref<2x2x512xi32, #tpu.memory_space<vmem>> -> memref<1x2x512xi32, #tpu.memory_space<vmem>>
        %dma_start3A_172 = tpu.memref_squeeze %dma_start3A_171 : memref<1x2x512xi32, #tpu.memory_space<vmem>> -> memref<2x512xi32, #tpu.memory_space<vmem>>
        %dma_start3A_173 = arith.constant 0 : i32
        %dma_start3A_174 = tpu.memref_slice %dma_start3A_172[%run_scoped3A_150, %dma_start3A_173] : memref<2x512xi32, #tpu.memory_space<vmem>> -> memref<1x512xi32, #tpu.memory_space<vmem>>
        %dma_start3A_175 = tpu.memref_squeeze %dma_start3A_174 : memref<1x512xi32, #tpu.memory_space<vmem>> -> memref<512xi32, #tpu.memory_space<vmem>>
        %dma_start3A_176 = arith.constant 0 : i32
        %dma_start3A_177 = arith.constant 0 : i32
        %dma_start3A_178 = tpu.memref_slice %arg6[%dma_start3A_176, %dma_start3A_177] : memref<50176x32xf32, #tpu.memory_space<vmem_shared>> -> memref<50176x32xf32, #tpu.memory_space<vmem_shared>>
        tpu.enqueue_indirect_dma source(%arg8 : memref<512x32xf32, #tpu.memory_space<vmem>>) target(%dma_start3A_178 : memref<50176x32xf32, #tpu.memory_space<vmem_shared>>) offsets(%dma_start3A_175 : memref<512xi32, #tpu.memory_space<vmem>>) semaphore(%run_scoped3A_168 : memref<!tpu.dma_semaphore, #tpu.memory_space<semaphore_mem>>) {add = true}
        %dma_wait3A_179 = arith.constant 0 : i32
        %dma_wait3A_180 = arith.constant 0 : i32
        %dma_wait3A_181 = tpu.memref_slice %arg7[%run_scoped3A_149, %dma_wait3A_179, %dma_wait3A_180] : memref<2x2x512xi32, #tpu.memory_space<vmem>> -> memref<1x2x512xi32, #tpu.memory_space<vmem>>
        %dma_wait3A_182 = tpu.memref_squeeze %dma_wait3A_181 : memref<1x2x512xi32, #tpu.memory_space<vmem>> -> memref<2x512xi32, #tpu.memory_space<vmem>>
        %dma_wait3A_183 = arith.constant 0 : i32
        %dma_wait3A_184 = tpu.memref_slice %dma_wait3A_182[%run_scoped3A_150, %dma_wait3A_183] : memref<2x512xi32, #tpu.memory_space<vmem>> -> memref<1x512xi32, #tpu.memory_space<vmem>>
        %dma_wait3A_185 = tpu.memref_squeeze %dma_wait3A_184 : memref<1x512xi32, #tpu.memory_space<vmem>> -> memref<512xi32, #tpu.memory_space<vmem>>
        %dma_wait3A_186 = arith.constant 0 : i32
        %dma_wait3A_187 = arith.constant 0 : i32
        %dma_wait3A_188 = tpu.memref_slice %arg6[%dma_wait3A_186, %dma_wait3A_187] : memref<50176x32xf32, #tpu.memory_space<vmem_shared>> -> memref<50176x32xf32, #tpu.memory_space<vmem_shared>>
        tpu.wait_indirect_dma semaphore(%run_scoped3A_168 : memref<!tpu.dma_semaphore, #tpu.memory_space<semaphore_mem>>) src(%arg8 : memref<512x32xf32, #tpu.memory_space<vmem>>) dst(%dma_wait3A_188 : memref<50176x32xf32, #tpu.memory_space<vmem_shared>>)
        tpu.yield
      }) : () -> ()
      %dma_wait3A_151 = arith.constant 0 : i32
      %dma_wait3A_152 = arith.constant 0 : i32
      %dma_wait3A_153 = arith.constant 0 : i32
      %dma_wait3A_154 = tpu.memref_slice %arg7[%dma_wait3A_151, %dma_wait3A_152, %dma_wait3A_153] : memref<2x2x512xi32, #tpu.memory_space<vmem>> -> memref<1x2x512xi32, #tpu.memory_space<vmem>>
      %dma_wait3A_155 = tpu.memref_squeeze %dma_wait3A_154 : memref<1x2x512xi32, #tpu.memory_space<vmem>> -> memref<2x512xi32, #tpu.memory_space<vmem>>
      %dma_wait3A_156 = arith.constant 0 : i32
      %dma_wait3A_157 = arith.constant 0 : i32
      %dma_wait3A_158 = tpu.memref_slice %arg3[%add3A_99, %dma_wait3A_156, %dma_wait3A_157] : memref<1600x2x512xi32, #tpu.memory_space<hbm>> -> memref<1x2x512xi32, #tpu.memory_space<hbm>>
      %dma_wait3A_159 = tpu.memref_squeeze %dma_wait3A_158 : memref<1x2x512xi32, #tpu.memory_space<hbm>> -> memref<2x512xi32, #tpu.memory_space<hbm>>
      %dma_wait3A_160 = arith.constant 0 : i32
      %dma_wait3A_161 = arith.constant 0 : i32
      %dma_wait3A_162 = tpu.memref_slice %arg7[%dma_wait3A_151, %dma_wait3A_160, %dma_wait3A_161] : memref<2x2x512xi32, #tpu.memory_space<vmem>> -> memref<1x2x512xi32, #tpu.memory_space<vmem>>
      %dma_wait3A_163 = tpu.memref_squeeze %dma_wait3A_162 : memref<1x2x512xi32, #tpu.memory_space<vmem>> -> memref<2x512xi32, #tpu.memory_space<vmem>>
      %dma_wait3A_164 = arith.constant 0 : i32
      %dma_wait3A_165 = arith.constant 0 : i32
      %dma_wait3A_166 = tpu.memref_slice %arg3[%add3A_99, %dma_wait3A_164, %dma_wait3A_165] : memref<1600x2x512xi32, #tpu.memory_space<hbm>> -> memref<1x2x512xi32, #tpu.memory_space<hbm>>
      %dma_wait3A_167 = tpu.memref_squeeze %dma_wait3A_166 : memref<1x2x512xi32, #tpu.memory_space<hbm>> -> memref<2x512xi32, #tpu.memory_space<hbm>>
      tpu.wait_dma2 semaphore(%arg10 : memref<!tpu.dma_semaphore, #tpu.memory_space<semaphore_mem>>) src(%dma_wait3A_167 : memref<2x512xi32, #tpu.memory_space<hbm>>) dst(%dma_wait3A_163 : memref<2x512xi32, #tpu.memory_space<vmem>>)
    }
    %scan3A_7 = arith.constant 50 : i32
    %barrier3A_8 = arith.constant 0 : index
    tpu.barrier barrier_id(%barrier3A_8)
    %mul3A_9 = arith.constant 3128 : i32
    %mul3A_10 = arith.muli %arg1, %mul3A_9 : i32
    %mul3A_11 = arith.constant 3128 : i32
    %mul3A_12 = arith.muli %arg1, %mul3A_11 : i32
    "tpu.region"() ({
      %run_scoped3A_13 = tpu.sem_alloc : memref<!tpu.dma_semaphore, #tpu.memory_space<semaphore_mem>>
      %dma_start3A = arith.constant 0 : i32
      %dma_start3A_14 = arith.constant 0 : i32
      %dma_start3A_15 = tpu.memref_slice %arg5[%arg0, %dma_start3A, %dma_start3A_14] : memref<2x50048x32xf32, #tpu.memory_space<hbm>> -> memref<1x50048x32xf32, #tpu.memory_space<hbm>>
      %dma_start3A_16 = tpu.memref_squeeze %dma_start3A_15 : memref<1x50048x32xf32, #tpu.memory_space<hbm>> -> memref<50048x32xf32, #tpu.memory_space<hbm>>
      %dma_start3A_17 = arith.constant 0 : i32
      %dma_start3A_18 = tpu.memref_slice %dma_start3A_16[%mul3A_12, %dma_start3A_17] : memref<50048x32xf32, #tpu.memory_space<hbm>> -> memref<3128x32xf32, #tpu.memory_space<hbm>>
      %dma_start3A_19 = arith.constant 0 : i32
      %dma_start3A_20 = tpu.memref_slice %arg6[%mul3A_10, %dma_start3A_19] : memref<50176x32xf32, #tpu.memory_space<vmem_shared>> -> memref<3128x32xf32, #tpu.memory_space<vmem_shared>>
      tpu.enqueue_dma source(%dma_start3A_20 : memref<3128x32xf32, #tpu.memory_space<vmem_shared>>) target(%dma_start3A_18 : memref<3128x32xf32, #tpu.memory_space<hbm>>) target_semaphore(%run_scoped3A_13 : memref<!tpu.dma_semaphore, #tpu.memory_space<semaphore_mem>>)
      %dma_wait3A = arith.constant 0 : i32
      %dma_wait3A_21 = arith.constant 0 : i32
      %dma_wait3A_22 = tpu.memref_slice %arg5[%arg0, %dma_wait3A, %dma_wait3A_21] : memref<2x50048x32xf32, #tpu.memory_space<hbm>> -> memref<1x50048x32xf32, #tpu.memory_space<hbm>>
      %dma_wait3A_23 = tpu.memref_squeeze %dma_wait3A_22 : memref<1x50048x32xf32, #tpu.memory_space<hbm>> -> memref<50048x32xf32, #tpu.memory_space<hbm>>
      %dma_wait3A_24 = arith.constant 0 : i32
      %dma_wait3A_25 = tpu.memref_slice %dma_wait3A_23[%mul3A_12, %dma_wait3A_24] : memref<50048x32xf32, #tpu.memory_space<hbm>> -> memref<3128x32xf32, #tpu.memory_space<hbm>>
      %dma_wait3A_26 = arith.constant 0 : i32
      %dma_wait3A_27 = tpu.memref_slice %arg6[%mul3A_10, %dma_wait3A_26] : memref<50176x32xf32, #tpu.memory_space<vmem_shared>> -> memref<3128x32xf32, #tpu.memory_space<vmem_shared>>
      tpu.wait_dma2 semaphore(%run_scoped3A_13 : memref<!tpu.dma_semaphore, #tpu.memory_space<semaphore_mem>>) src(%dma_wait3A_27 : memref<3128x32xf32, #tpu.memory_space<vmem_shared>>) dst(%dma_wait3A_25 : memref<3128x32xf32, #tpu.memory_space<hbm>>)
      tpu.yield
    }) : () -> ()
    return
  }
}

#map = affine_map<(d0, d1) -> (0, 0, 0)>
#map1 = affine_map<(d0, d1) -> (0, 0)>
module attributes {stable_mosaic.version = 14 : i64} {
  func.func @_hsum_body(%arg0: i32, %arg1: i32, %arg2: memref<2x50000x32xf32, #tpu.memory_space<hbm>>, %arg3: memref<1600x2x512xi32, #tpu.memory_space<hbm>>, %arg4: memref<3136x32xf32, #tpu.memory_space<hbm>>, %arg5: memref<2x50048x32xf32, #tpu.memory_space<hbm>>, %arg6: memref<50176x32xf32, #tpu.memory_space<vmem_shared>>, %arg7: memref<2x2x512xi32, #tpu.memory_space<vmem>>, %arg8: memref<512x32xf32, #tpu.memory_space<vmem>>, %arg9: memref<!tpu.dma_semaphore, #tpu.memory_space<semaphore_mem>>, %arg10: memref<!tpu.dma_semaphore, #tpu.memory_space<semaphore_mem>>) attributes {dimension_semantics = [#tpu.dimension_semantics<core_parallel>, #tpu.dimension_semantics<subcore_parallel>], iteration_bounds = array<i64: 2, 16>, scalar_prefetch = 0 : i64, scratch_operands = 5 : i64, tpu.core_type = #tpu.core_type<sc_vector_subcore>, window_params = [{transform_indices = #map}, {transform_indices = #map}, {transform_indices = #map1}, {transform_indices = #map}]} {
    %mul3A = arith.constant 3136 : i32
    %mul3A_0 = arith.muli %arg1, %mul3A : i32
    "tpu.region"() ({
      %run_scoped3A_13 = tpu.sem_alloc : memref<!tpu.dma_semaphore, #tpu.memory_space<semaphore_mem>>
      %dma_start3A = arith.constant 0 : i32
      %dma_start3A_14 = tpu.memref_slice %arg6[%mul3A_0, %dma_start3A] : memref<50176x32xf32, #tpu.memory_space<vmem_shared>> -> memref<3136x32xf32, #tpu.memory_space<vmem_shared>>
      tpu.enqueue_dma source(%arg4 : memref<3136x32xf32, #tpu.memory_space<hbm>>) target(%dma_start3A_14 : memref<3136x32xf32, #tpu.memory_space<vmem_shared>>) target_semaphore(%run_scoped3A_13 : memref<!tpu.dma_semaphore, #tpu.memory_space<semaphore_mem>>)
      %dma_wait3A = arith.constant 0 : i32
      %dma_wait3A_15 = tpu.memref_slice %arg6[%mul3A_0, %dma_wait3A] : memref<50176x32xf32, #tpu.memory_space<vmem_shared>> -> memref<3136x32xf32, #tpu.memory_space<vmem_shared>>
      tpu.wait_dma2 semaphore(%run_scoped3A_13 : memref<!tpu.dma_semaphore, #tpu.memory_space<semaphore_mem>>) src(%arg4 : memref<3136x32xf32, #tpu.memory_space<hbm>>) dst(%dma_wait3A_15 : memref<3136x32xf32, #tpu.memory_space<vmem_shared>>)
      tpu.yield
    }) : () -> ()
    %barrier3A = arith.constant 0 : index
    tpu.barrier barrier_id(%barrier3A)
    %mul3A_1 = arith.constant 100 : i32
    %mul3A_2 = arith.muli %arg1, %mul3A_1 : i32
    %run_scoped3A = arith.constant 0 : i32
    "tpu.region"() ({
      %run_scoped3A_13 = tpu.sem_alloc : memref<!tpu.dma_semaphore, #tpu.memory_space<semaphore_mem>>
      %dma_start3A = arith.constant 0 : i32
      %dma_start3A_14 = arith.constant 0 : i32
      %dma_start3A_15 = tpu.memref_slice %arg7[%run_scoped3A, %dma_start3A, %dma_start3A_14] : memref<2x2x512xi32, #tpu.memory_space<vmem>> -> memref<1x2x512xi32, #tpu.memory_space<vmem>>
      %dma_start3A_16 = tpu.memref_squeeze %dma_start3A_15 : memref<1x2x512xi32, #tpu.memory_space<vmem>> -> memref<2x512xi32, #tpu.memory_space<vmem>>
      %dma_start3A_17 = arith.constant 0 : i32
      %dma_start3A_18 = arith.constant 0 : i32
      %dma_start3A_19 = tpu.memref_slice %arg3[%mul3A_2, %dma_start3A_17, %dma_start3A_18] : memref<1600x2x512xi32, #tpu.memory_space<hbm>> -> memref<1x2x512xi32, #tpu.memory_space<hbm>>
      %dma_start3A_20 = tpu.memref_squeeze %dma_start3A_19 : memref<1x2x512xi32, #tpu.memory_space<hbm>> -> memref<2x512xi32, #tpu.memory_space<hbm>>
      %dma_start3A_21 = arith.constant 0 : i32
      %dma_start3A_22 = arith.constant 0 : i32
      %dma_start3A_23 = tpu.memref_slice %arg7[%run_scoped3A, %dma_start3A_21, %dma_start3A_22] : memref<2x2x512xi32, #tpu.memory_space<vmem>> -> memref<1x2x512xi32, #tpu.memory_space<vmem>>
      %dma_start3A_24 = tpu.memref_squeeze %dma_start3A_23 : memref<1x2x512xi32, #tpu.memory_space<vmem>> -> memref<2x512xi32, #tpu.memory_space<vmem>>
      %dma_start3A_25 = arith.constant 0 : i32
      %dma_start3A_26 = arith.constant 0 : i32
      %dma_start3A_27 = tpu.memref_slice %arg3[%mul3A_2, %dma_start3A_25, %dma_start3A_26] : memref<1600x2x512xi32, #tpu.memory_space<hbm>> -> memref<1x2x512xi32, #tpu.memory_space<hbm>>
      %dma_start3A_28 = tpu.memref_squeeze %dma_start3A_27 : memref<1x2x512xi32, #tpu.memory_space<hbm>> -> memref<2x512xi32, #tpu.memory_space<hbm>>
      tpu.enqueue_dma source(%dma_start3A_28 : memref<2x512xi32, #tpu.memory_space<hbm>>) target(%dma_start3A_24 : memref<2x512xi32, #tpu.memory_space<vmem>>) target_semaphore(%run_scoped3A_13 : memref<!tpu.dma_semaphore, #tpu.memory_space<semaphore_mem>>)
      %dma_wait3A = arith.constant 0 : i32
      %dma_wait3A_29 = arith.constant 0 : i32
      %dma_wait3A_30 = tpu.memref_slice %arg7[%run_scoped3A, %dma_wait3A, %dma_wait3A_29] : memref<2x2x512xi32, #tpu.memory_space<vmem>> -> memref<1x2x512xi32, #tpu.memory_space<vmem>>
      %dma_wait3A_31 = tpu.memref_squeeze %dma_wait3A_30 : memref<1x2x512xi32, #tpu.memory_space<vmem>> -> memref<2x512xi32, #tpu.memory_space<vmem>>
      %dma_wait3A_32 = arith.constant 0 : i32
      %dma_wait3A_33 = arith.constant 0 : i32
      %dma_wait3A_34 = tpu.memref_slice %arg3[%mul3A_2, %dma_wait3A_32, %dma_wait3A_33] : memref<1600x2x512xi32, #tpu.memory_space<hbm>> -> memref<1x2x512xi32, #tpu.memory_space<hbm>>
      %dma_wait3A_35 = tpu.memref_squeeze %dma_wait3A_34 : memref<1x2x512xi32, #tpu.memory_space<hbm>> -> memref<2x512xi32, #tpu.memory_space<hbm>>
      %dma_wait3A_36 = arith.constant 0 : i32
      %dma_wait3A_37 = arith.constant 0 : i32
      %dma_wait3A_38 = tpu.memref_slice %arg7[%run_scoped3A, %dma_wait3A_36, %dma_wait3A_37] : memref<2x2x512xi32, #tpu.memory_space<vmem>> -> memref<1x2x512xi32, #tpu.memory_space<vmem>>
      %dma_wait3A_39 = tpu.memref_squeeze %dma_wait3A_38 : memref<1x2x512xi32, #tpu.memory_space<vmem>> -> memref<2x512xi32, #tpu.memory_space<vmem>>
      %dma_wait3A_40 = arith.constant 0 : i32
      %dma_wait3A_41 = arith.constant 0 : i32
      %dma_wait3A_42 = tpu.memref_slice %arg3[%mul3A_2, %dma_wait3A_40, %dma_wait3A_41] : memref<1600x2x512xi32, #tpu.memory_space<hbm>> -> memref<1x2x512xi32, #tpu.memory_space<hbm>>
      %dma_wait3A_43 = tpu.memref_squeeze %dma_wait3A_42 : memref<1x2x512xi32, #tpu.memory_space<hbm>> -> memref<2x512xi32, #tpu.memory_space<hbm>>
      tpu.wait_dma2 semaphore(%run_scoped3A_13 : memref<!tpu.dma_semaphore, #tpu.memory_space<semaphore_mem>>) src(%dma_wait3A_43 : memref<2x512xi32, #tpu.memory_space<hbm>>) dst(%dma_wait3A_39 : memref<2x512xi32, #tpu.memory_space<vmem>>)
      tpu.yield
    }) : () -> ()
    %scan3A = arith.constant 0 : i32
    %scan3A_3 = arith.constant 0 : i32
    %scan3A_4 = arith.constant 50 : i32
    %scan3A_5 = arith.addi %scan3A_3, %scan3A_4 : i32
    %scan3A_6 = arith.constant 1 : i32
    scf.for %scan3A_13 = %scan3A_3 to %scan3A_5 step %scan3A_6  : i32 {
      %mul3A_14 = arith.constant 2 : i32
      %mul3A_15 = arith.muli %mul3A_14, %scan3A_13 : i32
      %add3A = arith.constant 0 : i32
      %add3A_16 = arith.addi %mul3A_15, %add3A : i32
      %mul3A_17 = arith.constant 100 : i32
      %mul3A_18 = arith.muli %arg1, %mul3A_17 : i32
      %add3A_19 = arith.constant 1 : i32
      %add3A_20 = arith.addi %add3A_16, %add3A_19 : i32
      %min3A = arith.constant 99 : i32
      %min3A_21 = arith.minsi %add3A_20, %min3A : i32
      %add3A_22 = arith.addi %mul3A_18, %min3A_21 : i32
      %dma_start3A = arith.constant 1 : i32
      %dma_start3A_23 = arith.constant 0 : i32
      %dma_start3A_24 = arith.constant 0 : i32
      %dma_start3A_25 = tpu.memref_slice %arg7[%dma_start3A, %dma_start3A_23, %dma_start3A_24] : memref<2x2x512xi32, #tpu.memory_space<vmem>> -> memref<1x2x512xi32, #tpu.memory_space<vmem>>
      %dma_start3A_26 = tpu.memref_squeeze %dma_start3A_25 : memref<1x2x512xi32, #tpu.memory_space<vmem>> -> memref<2x512xi32, #tpu.memory_space<vmem>>
      %dma_start3A_27 = arith.constant 0 : i32
      %dma_start3A_28 = arith.constant 0 : i32
      %dma_start3A_29 = tpu.memref_slice %arg3[%add3A_22, %dma_start3A_27, %dma_start3A_28] : memref<1600x2x512xi32, #tpu.memory_space<hbm>> -> memref<1x2x512xi32, #tpu.memory_space<hbm>>
      %dma_start3A_30 = tpu.memref_squeeze %dma_start3A_29 : memref<1x2x512xi32, #tpu.memory_space<hbm>> -> memref<2x512xi32, #tpu.memory_space<hbm>>
      %dma_start3A_31 = arith.constant 0 : i32
      %dma_start3A_32 = arith.constant 0 : i32
      %dma_start3A_33 = tpu.memref_slice %arg7[%dma_start3A, %dma_start3A_31, %dma_start3A_32] : memref<2x2x512xi32, #tpu.memory_space<vmem>> -> memref<1x2x512xi32, #tpu.memory_space<vmem>>
      %dma_start3A_34 = tpu.memref_squeeze %dma_start3A_33 : memref<1x2x512xi32, #tpu.memory_space<vmem>> -> memref<2x512xi32, #tpu.memory_space<vmem>>
      %dma_start3A_35 = arith.constant 0 : i32
      %dma_start3A_36 = arith.constant 0 : i32
      %dma_start3A_37 = tpu.memref_slice %arg3[%add3A_22, %dma_start3A_35, %dma_start3A_36] : memref<1600x2x512xi32, #tpu.memory_space<hbm>> -> memref<1x2x512xi32, #tpu.memory_space<hbm>>
      %dma_start3A_38 = tpu.memref_squeeze %dma_start3A_37 : memref<1x2x512xi32, #tpu.memory_space<hbm>> -> memref<2x512xi32, #tpu.memory_space<hbm>>
      tpu.enqueue_dma source(%dma_start3A_38 : memref<2x512xi32, #tpu.memory_space<hbm>>) target(%dma_start3A_34 : memref<2x512xi32, #tpu.memory_space<vmem>>) target_semaphore(%arg10 : memref<!tpu.dma_semaphore, #tpu.memory_space<semaphore_mem>>)
      %dma_start3A_39 = arith.constant 0 : i32
      %dma_start3A_40 = arith.constant 0 : i32
      %dma_start3A_41 = arith.constant 0 : i32
      %dma_start3A_42 = arith.constant 0 : i32
      %dma_start3A_43 = tpu.memref_slice %arg7[%dma_start3A_39, %dma_start3A_41, %dma_start3A_42] : memref<2x2x512xi32, #tpu.memory_space<vmem>> -> memref<1x2x512xi32, #tpu.memory_space<vmem>>
      %dma_start3A_44 = tpu.memref_squeeze %dma_start3A_43 : memref<1x2x512xi32, #tpu.memory_space<vmem>> -> memref<2x512xi32, #tpu.memory_space<vmem>>
      %dma_start3A_45 = arith.constant 0 : i32
      %dma_start3A_46 = tpu.memref_slice %dma_start3A_44[%dma_start3A_40, %dma_start3A_45] : memref<2x512xi32, #tpu.memory_space<vmem>> -> memref<1x512xi32, #tpu.memory_space<vmem>>
      %dma_start3A_47 = tpu.memref_squeeze %dma_start3A_46 : memref<1x512xi32, #tpu.memory_space<vmem>> -> memref<512xi32, #tpu.memory_space<vmem>>
      %dma_start3A_48 = arith.constant 0 : i32
      %dma_start3A_49 = arith.constant 0 : i32
      %dma_start3A_50 = tpu.memref_slice %arg2[%arg0, %dma_start3A_48, %dma_start3A_49] : memref<2x50000x32xf32, #tpu.memory_space<hbm>> -> memref<1x50000x32xf32, #tpu.memory_space<hbm>>
      %dma_start3A_51 = tpu.memref_squeeze %dma_start3A_50 : memref<1x50000x32xf32, #tpu.memory_space<hbm>> -> memref<50000x32xf32, #tpu.memory_space<hbm>>
      %dma_start3A_52 = arith.constant 0 : i32
      %dma_start3A_53 = arith.constant 0 : i32
      %dma_start3A_54 = tpu.memref_slice %dma_start3A_51[%dma_start3A_52, %dma_start3A_53] : memref<50000x32xf32, #tpu.memory_space<hbm>> -> memref<50000x32xf32, #tpu.memory_space<hbm>>
      tpu.enqueue_indirect_dma source(%dma_start3A_54 : memref<50000x32xf32, #tpu.memory_space<hbm>>) target(%arg8 : memref<512x32xf32, #tpu.memory_space<vmem>>) offsets(%dma_start3A_47 : memref<512xi32, #tpu.memory_space<vmem>>) semaphore(%arg9 : memref<!tpu.dma_semaphore, #tpu.memory_space<semaphore_mem>>)
      %dma_wait3A = arith.constant 0 : i32
      %dma_wait3A_55 = arith.constant 0 : i32
      %dma_wait3A_56 = arith.constant 0 : i32
      %dma_wait3A_57 = arith.constant 0 : i32
      %dma_wait3A_58 = tpu.memref_slice %arg7[%dma_wait3A, %dma_wait3A_56, %dma_wait3A_57] : memref<2x2x512xi32, #tpu.memory_space<vmem>> -> memref<1x2x512xi32, #tpu.memory_space<vmem>>
      %dma_wait3A_59 = tpu.memref_squeeze %dma_wait3A_58 : memref<1x2x512xi32, #tpu.memory_space<vmem>> -> memref<2x512xi32, #tpu.memory_space<vmem>>
      %dma_wait3A_60 = arith.constant 0 : i32
      %dma_wait3A_61 = tpu.memref_slice %dma_wait3A_59[%dma_wait3A_55, %dma_wait3A_60] : memref<2x512xi32, #tpu.memory_space<vmem>> -> memref<1x512xi32, #tpu.memory_space<vmem>>
      %dma_wait3A_62 = tpu.memref_squeeze %dma_wait3A_61 : memref<1x512xi32, #tpu.memory_space<vmem>> -> memref<512xi32, #tpu.memory_space<vmem>>
      %dma_wait3A_63 = arith.constant 0 : i32
      %dma_wait3A_64 = arith.constant 0 : i32
      %dma_wait3A_65 = tpu.memref_slice %arg2[%arg0, %dma_wait3A_63, %dma_wait3A_64] : memref<2x50000x32xf32, #tpu.memory_space<hbm>> -> memref<1x50000x32xf32, #tpu.memory_space<hbm>>
      %dma_wait3A_66 = tpu.memref_squeeze %dma_wait3A_65 : memref<1x50000x32xf32, #tpu.memory_space<hbm>> -> memref<50000x32xf32, #tpu.memory_space<hbm>>
      %dma_wait3A_67 = arith.constant 0 : i32
      %dma_wait3A_68 = arith.constant 0 : i32
      %dma_wait3A_69 = tpu.memref_slice %dma_wait3A_66[%dma_wait3A_67, %dma_wait3A_68] : memref<50000x32xf32, #tpu.memory_space<hbm>> -> memref<50000x32xf32, #tpu.memory_space<hbm>>
      tpu.wait_indirect_dma semaphore(%arg9 : memref<!tpu.dma_semaphore, #tpu.memory_space<semaphore_mem>>) src(%dma_wait3A_69 : memref<50000x32xf32, #tpu.memory_space<hbm>>) dst(%arg8 : memref<512x32xf32, #tpu.memory_space<vmem>>)
      %run_scoped3A_70 = arith.constant 0 : i32
      %run_scoped3A_71 = arith.constant 1 : i32
      "tpu.region"() ({
        %run_scoped3A_168 = tpu.sem_alloc : memref<!tpu.dma_semaphore, #tpu.memory_space<semaphore_mem>>
        %dma_start3A_169 = arith.constant 0 : i32
        %dma_start3A_170 = arith.constant 0 : i32
        %dma_start3A_171 = tpu.memref_slice %arg7[%run_scoped3A_70, %dma_start3A_169, %dma_start3A_170] : memref<2x2x512xi32, #tpu.memory_space<vmem>> -> memref<1x2x512xi32, #tpu.memory_space<vmem>>
        %dma_start3A_172 = tpu.memref_squeeze %dma_start3A_171 : memref<1x2x512xi32, #tpu.memory_space<vmem>> -> memref<2x512xi32, #tpu.memory_space<vmem>>
        %dma_start3A_173 = arith.constant 0 : i32
        %dma_start3A_174 = tpu.memref_slice %dma_start3A_172[%run_scoped3A_71, %dma_start3A_173] : memref<2x512xi32, #tpu.memory_space<vmem>> -> memref<1x512xi32, #tpu.memory_space<vmem>>
        %dma_start3A_175 = tpu.memref_squeeze %dma_start3A_174 : memref<1x512xi32, #tpu.memory_space<vmem>> -> memref<512xi32, #tpu.memory_space<vmem>>
        %dma_start3A_176 = arith.constant 0 : i32
        %dma_start3A_177 = arith.constant 0 : i32
        %dma_start3A_178 = tpu.memref_slice %arg6[%dma_start3A_176, %dma_start3A_177] : memref<50176x32xf32, #tpu.memory_space<vmem_shared>> -> memref<50176x32xf32, #tpu.memory_space<vmem_shared>>
        tpu.enqueue_indirect_dma source(%arg8 : memref<512x32xf32, #tpu.memory_space<vmem>>) target(%dma_start3A_178 : memref<50176x32xf32, #tpu.memory_space<vmem_shared>>) offsets(%dma_start3A_175 : memref<512xi32, #tpu.memory_space<vmem>>) semaphore(%run_scoped3A_168 : memref<!tpu.dma_semaphore, #tpu.memory_space<semaphore_mem>>) {add = true}
        %dma_wait3A_179 = arith.constant 0 : i32
        %dma_wait3A_180 = arith.constant 0 : i32
        %dma_wait3A_181 = tpu.memref_slice %arg7[%run_scoped3A_70, %dma_wait3A_179, %dma_wait3A_180] : memref<2x2x512xi32, #tpu.memory_space<vmem>> -> memref<1x2x512xi32, #tpu.memory_space<vmem>>
        %dma_wait3A_182 = tpu.memref_squeeze %dma_wait3A_181 : memref<1x2x512xi32, #tpu.memory_space<vmem>> -> memref<2x512xi32, #tpu.memory_space<vmem>>
        %dma_wait3A_183 = arith.constant 0 : i32
        %dma_wait3A_184 = tpu.memref_slice %dma_wait3A_182[%run_scoped3A_71, %dma_wait3A_183] : memref<2x512xi32, #tpu.memory_space<vmem>> -> memref<1x512xi32, #tpu.memory_space<vmem>>
        %dma_wait3A_185 = tpu.memref_squeeze %dma_wait3A_184 : memref<1x512xi32, #tpu.memory_space<vmem>> -> memref<512xi32, #tpu.memory_space<vmem>>
        %dma_wait3A_186 = arith.constant 0 : i32
        %dma_wait3A_187 = arith.constant 0 : i32
        %dma_wait3A_188 = tpu.memref_slice %arg6[%dma_wait3A_186, %dma_wait3A_187] : memref<50176x32xf32, #tpu.memory_space<vmem_shared>> -> memref<50176x32xf32, #tpu.memory_space<vmem_shared>>
        tpu.wait_indirect_dma semaphore(%run_scoped3A_168 : memref<!tpu.dma_semaphore, #tpu.memory_space<semaphore_mem>>) src(%arg8 : memref<512x32xf32, #tpu.memory_space<vmem>>) dst(%dma_wait3A_188 : memref<50176x32xf32, #tpu.memory_space<vmem_shared>>)
        tpu.yield
      }) : () -> ()
      %dma_wait3A_72 = arith.constant 1 : i32
      %dma_wait3A_73 = arith.constant 0 : i32
      %dma_wait3A_74 = arith.constant 0 : i32
      %dma_wait3A_75 = tpu.memref_slice %arg7[%dma_wait3A_72, %dma_wait3A_73, %dma_wait3A_74] : memref<2x2x512xi32, #tpu.memory_space<vmem>> -> memref<1x2x512xi32, #tpu.memory_space<vmem>>
      %dma_wait3A_76 = tpu.memref_squeeze %dma_wait3A_75 : memref<1x2x512xi32, #tpu.memory_space<vmem>> -> memref<2x512xi32, #tpu.memory_space<vmem>>
      %dma_wait3A_77 = arith.constant 0 : i32
      %dma_wait3A_78 = arith.constant 0 : i32
      %dma_wait3A_79 = tpu.memref_slice %arg3[%add3A_22, %dma_wait3A_77, %dma_wait3A_78] : memref<1600x2x512xi32, #tpu.memory_space<hbm>> -> memref<1x2x512xi32, #tpu.memory_space<hbm>>
      %dma_wait3A_80 = tpu.memref_squeeze %dma_wait3A_79 : memref<1x2x512xi32, #tpu.memory_space<hbm>> -> memref<2x512xi32, #tpu.memory_space<hbm>>
      %dma_wait3A_81 = arith.constant 0 : i32
      %dma_wait3A_82 = arith.constant 0 : i32
      %dma_wait3A_83 = tpu.memref_slice %arg7[%dma_wait3A_72, %dma_wait3A_81, %dma_wait3A_82] : memref<2x2x512xi32, #tpu.memory_space<vmem>> -> memref<1x2x512xi32, #tpu.memory_space<vmem>>
      %dma_wait3A_84 = tpu.memref_squeeze %dma_wait3A_83 : memref<1x2x512xi32, #tpu.memory_space<vmem>> -> memref<2x512xi32, #tpu.memory_space<vmem>>
      %dma_wait3A_85 = arith.constant 0 : i32
      %dma_wait3A_86 = arith.constant 0 : i32
      %dma_wait3A_87 = tpu.memref_slice %arg3[%add3A_22, %dma_wait3A_85, %dma_wait3A_86] : memref<1600x2x512xi32, #tpu.memory_space<hbm>> -> memref<1x2x512xi32, #tpu.memory_space<hbm>>
      %dma_wait3A_88 = tpu.memref_squeeze %dma_wait3A_87 : memref<1x2x512xi32, #tpu.memory_space<hbm>> -> memref<2x512xi32, #tpu.memory_space<hbm>>
      tpu.wait_dma2 semaphore(%arg10 : memref<!tpu.dma_semaphore, #tpu.memory_space<semaphore_mem>>) src(%dma_wait3A_88 : memref<2x512xi32, #tpu.memory_space<hbm>>) dst(%dma_wait3A_84 : memref<2x512xi32, #tpu.memory_space<vmem>>)
      %mul3A_89 = arith.constant 2 : i32
      %mul3A_90 = arith.muli %mul3A_89, %scan3A_13 : i32
      %add3A_91 = arith.constant 1 : i32
      %add3A_92 = arith.addi %mul3A_90, %add3A_91 : i32
      %mul3A_93 = arith.constant 100 : i32
      %mul3A_94 = arith.muli %arg1, %mul3A_93 : i32
      %add3A_95 = arith.constant 1 : i32
      %add3A_96 = arith.addi %add3A_92, %add3A_95 : i32
      %min3A_97 = arith.constant 99 : i32
      %min3A_98 = arith.minsi %add3A_96, %min3A_97 : i32
      %add3A_99 = arith.addi %mul3A_94, %min3A_98 : i32
      %dma_start3A_100 = arith.constant 0 : i32
      %dma_start3A_101 = arith.constant 0 : i32
      %dma_start3A_102 = arith.constant 0 : i32
      %dma_start3A_103 = tpu.memref_slice %arg7[%dma_start3A_100, %dma_start3A_101, %dma_start3A_102] : memref<2x2x512xi32, #tpu.memory_space<vmem>> -> memref<1x2x512xi32, #tpu.memory_space<vmem>>
      %dma_start3A_104 = tpu.memref_squeeze %dma_start3A_103 : memref<1x2x512xi32, #tpu.memory_space<vmem>> -> memref<2x512xi32, #tpu.memory_space<vmem>>
      %dma_start3A_105 = arith.constant 0 : i32
      %dma_start3A_106 = arith.constant 0 : i32
      %dma_start3A_107 = tpu.memref_slice %arg3[%add3A_99, %dma_start3A_105, %dma_start3A_106] : memref<1600x2x512xi32, #tpu.memory_space<hbm>> -> memref<1x2x512xi32, #tpu.memory_space<hbm>>
      %dma_start3A_108 = tpu.memref_squeeze %dma_start3A_107 : memref<1x2x512xi32, #tpu.memory_space<hbm>> -> memref<2x512xi32, #tpu.memory_space<hbm>>
      %dma_start3A_109 = arith.constant 0 : i32
      %dma_start3A_110 = arith.constant 0 : i32
      %dma_start3A_111 = tpu.memref_slice %arg7[%dma_start3A_100, %dma_start3A_109, %dma_start3A_110] : memref<2x2x512xi32, #tpu.memory_space<vmem>> -> memref<1x2x512xi32, #tpu.memory_space<vmem>>
      %dma_start3A_112 = tpu.memref_squeeze %dma_start3A_111 : memref<1x2x512xi32, #tpu.memory_space<vmem>> -> memref<2x512xi32, #tpu.memory_space<vmem>>
      %dma_start3A_113 = arith.constant 0 : i32
      %dma_start3A_114 = arith.constant 0 : i32
      %dma_start3A_115 = tpu.memref_slice %arg3[%add3A_99, %dma_start3A_113, %dma_start3A_114] : memref<1600x2x512xi32, #tpu.memory_space<hbm>> -> memref<1x2x512xi32, #tpu.memory_space<hbm>>
      %dma_start3A_116 = tpu.memref_squeeze %dma_start3A_115 : memref<1x2x512xi32, #tpu.memory_space<hbm>> -> memref<2x512xi32, #tpu.memory_space<hbm>>
      tpu.enqueue_dma source(%dma_start3A_116 : memref<2x512xi32, #tpu.memory_space<hbm>>) target(%dma_start3A_112 : memref<2x512xi32, #tpu.memory_space<vmem>>) target_semaphore(%arg10 : memref<!tpu.dma_semaphore, #tpu.memory_space<semaphore_mem>>)
      %dma_start3A_117 = arith.constant 1 : i32
      %dma_start3A_118 = arith.constant 0 : i32
      %dma_start3A_119 = arith.constant 0 : i32
      %dma_start3A_120 = arith.constant 0 : i32
      %dma_start3A_121 = tpu.memref_slice %arg7[%dma_start3A_117, %dma_start3A_119, %dma_start3A_120] : memref<2x2x512xi32, #tpu.memory_space<vmem>> -> memref<1x2x512xi32, #tpu.memory_space<vmem>>
      %dma_start3A_122 = tpu.memref_squeeze %dma_start3A_121 : memref<1x2x512xi32, #tpu.memory_space<vmem>> -> memref<2x512xi32, #tpu.memory_space<vmem>>
      %dma_start3A_123 = arith.constant 0 : i32
      %dma_start3A_124 = tpu.memref_slice %dma_start3A_122[%dma_start3A_118, %dma_start3A_123] : memref<2x512xi32, #tpu.memory_space<vmem>> -> memref<1x512xi32, #tpu.memory_space<vmem>>
      %dma_start3A_125 = tpu.memref_squeeze %dma_start3A_124 : memref<1x512xi32, #tpu.memory_space<vmem>> -> memref<512xi32, #tpu.memory_space<vmem>>
      %dma_start3A_126 = arith.constant 0 : i32
      %dma_start3A_127 = arith.constant 0 : i32
      %dma_start3A_128 = tpu.memref_slice %arg2[%arg0, %dma_start3A_126, %dma_start3A_127] : memref<2x50000x32xf32, #tpu.memory_space<hbm>> -> memref<1x50000x32xf32, #tpu.memory_space<hbm>>
      %dma_start3A_129 = tpu.memref_squeeze %dma_start3A_128 : memref<1x50000x32xf32, #tpu.memory_space<hbm>> -> memref<50000x32xf32, #tpu.memory_space<hbm>>
      %dma_start3A_130 = arith.constant 0 : i32
      %dma_start3A_131 = arith.constant 0 : i32
      %dma_start3A_132 = tpu.memref_slice %dma_start3A_129[%dma_start3A_130, %dma_start3A_131] : memref<50000x32xf32, #tpu.memory_space<hbm>> -> memref<50000x32xf32, #tpu.memory_space<hbm>>
      tpu.enqueue_indirect_dma source(%dma_start3A_132 : memref<50000x32xf32, #tpu.memory_space<hbm>>) target(%arg8 : memref<512x32xf32, #tpu.memory_space<vmem>>) offsets(%dma_start3A_125 : memref<512xi32, #tpu.memory_space<vmem>>) semaphore(%arg9 : memref<!tpu.dma_semaphore, #tpu.memory_space<semaphore_mem>>)
      %dma_wait3A_133 = arith.constant 1 : i32
      %dma_wait3A_134 = arith.constant 0 : i32
      %dma_wait3A_135 = arith.constant 0 : i32
      %dma_wait3A_136 = arith.constant 0 : i32
      %dma_wait3A_137 = tpu.memref_slice %arg7[%dma_wait3A_133, %dma_wait3A_135, %dma_wait3A_136] : memref<2x2x512xi32, #tpu.memory_space<vmem>> -> memref<1x2x512xi32, #tpu.memory_space<vmem>>
      %dma_wait3A_138 = tpu.memref_squeeze %dma_wait3A_137 : memref<1x2x512xi32, #tpu.memory_space<vmem>> -> memref<2x512xi32, #tpu.memory_space<vmem>>
      %dma_wait3A_139 = arith.constant 0 : i32
      %dma_wait3A_140 = tpu.memref_slice %dma_wait3A_138[%dma_wait3A_134, %dma_wait3A_139] : memref<2x512xi32, #tpu.memory_space<vmem>> -> memref<1x512xi32, #tpu.memory_space<vmem>>
      %dma_wait3A_141 = tpu.memref_squeeze %dma_wait3A_140 : memref<1x512xi32, #tpu.memory_space<vmem>> -> memref<512xi32, #tpu.memory_space<vmem>>
      %dma_wait3A_142 = arith.constant 0 : i32
      %dma_wait3A_143 = arith.constant 0 : i32
      %dma_wait3A_144 = tpu.memref_slice %arg2[%arg0, %dma_wait3A_142, %dma_wait3A_143] : memref<2x50000x32xf32, #tpu.memory_space<hbm>> -> memref<1x50000x32xf32, #tpu.memory_space<hbm>>
      %dma_wait3A_145 = tpu.memref_squeeze %dma_wait3A_144 : memref<1x50000x32xf32, #tpu.memory_space<hbm>> -> memref<50000x32xf32, #tpu.memory_space<hbm>>
      %dma_wait3A_146 = arith.constant 0 : i32
      %dma_wait3A_147 = arith.constant 0 : i32
      %dma_wait3A_148 = tpu.memref_slice %dma_wait3A_145[%dma_wait3A_146, %dma_wait3A_147] : memref<50000x32xf32, #tpu.memory_space<hbm>> -> memref<50000x32xf32, #tpu.memory_space<hbm>>
      tpu.wait_indirect_dma semaphore(%arg9 : memref<!tpu.dma_semaphore, #tpu.memory_space<semaphore_mem>>) src(%dma_wait3A_148 : memref<50000x32xf32, #tpu.memory_space<hbm>>) dst(%arg8 : memref<512x32xf32, #tpu.memory_space<vmem>>)
      %run_scoped3A_149 = arith.constant 1 : i32
      %run_scoped3A_150 = arith.constant 1 : i32
      "tpu.region"() ({
        %run_scoped3A_168 = tpu.sem_alloc : memref<!tpu.dma_semaphore, #tpu.memory_space<semaphore_mem>>
        %dma_start3A_169 = arith.constant 0 : i32
        %dma_start3A_170 = arith.constant 0 : i32
        %dma_start3A_171 = tpu.memref_slice %arg7[%run_scoped3A_149, %dma_start3A_169, %dma_start3A_170] : memref<2x2x512xi32, #tpu.memory_space<vmem>> -> memref<1x2x512xi32, #tpu.memory_space<vmem>>
        %dma_start3A_172 = tpu.memref_squeeze %dma_start3A_171 : memref<1x2x512xi32, #tpu.memory_space<vmem>> -> memref<2x512xi32, #tpu.memory_space<vmem>>
        %dma_start3A_173 = arith.constant 0 : i32
        %dma_start3A_174 = tpu.memref_slice %dma_start3A_172[%run_scoped3A_150, %dma_start3A_173] : memref<2x512xi32, #tpu.memory_space<vmem>> -> memref<1x512xi32, #tpu.memory_space<vmem>>
        %dma_start3A_175 = tpu.memref_squeeze %dma_start3A_174 : memref<1x512xi32, #tpu.memory_space<vmem>> -> memref<512xi32, #tpu.memory_space<vmem>>
        %dma_start3A_176 = arith.constant 0 : i32
        %dma_start3A_177 = arith.constant 0 : i32
        %dma_start3A_178 = tpu.memref_slice %arg6[%dma_start3A_176, %dma_start3A_177] : memref<50176x32xf32, #tpu.memory_space<vmem_shared>> -> memref<50176x32xf32, #tpu.memory_space<vmem_shared>>
        tpu.enqueue_indirect_dma source(%arg8 : memref<512x32xf32, #tpu.memory_space<vmem>>) target(%dma_start3A_178 : memref<50176x32xf32, #tpu.memory_space<vmem_shared>>) offsets(%dma_start3A_175 : memref<512xi32, #tpu.memory_space<vmem>>) semaphore(%run_scoped3A_168 : memref<!tpu.dma_semaphore, #tpu.memory_space<semaphore_mem>>) {add = true}
        %dma_wait3A_179 = arith.constant 0 : i32
        %dma_wait3A_180 = arith.constant 0 : i32
        %dma_wait3A_181 = tpu.memref_slice %arg7[%run_scoped3A_149, %dma_wait3A_179, %dma_wait3A_180] : memref<2x2x512xi32, #tpu.memory_space<vmem>> -> memref<1x2x512xi32, #tpu.memory_space<vmem>>
        %dma_wait3A_182 = tpu.memref_squeeze %dma_wait3A_181 : memref<1x2x512xi32, #tpu.memory_space<vmem>> -> memref<2x512xi32, #tpu.memory_space<vmem>>
        %dma_wait3A_183 = arith.constant 0 : i32
        %dma_wait3A_184 = tpu.memref_slice %dma_wait3A_182[%run_scoped3A_150, %dma_wait3A_183] : memref<2x512xi32, #tpu.memory_space<vmem>> -> memref<1x512xi32, #tpu.memory_space<vmem>>
        %dma_wait3A_185 = tpu.memref_squeeze %dma_wait3A_184 : memref<1x512xi32, #tpu.memory_space<vmem>> -> memref<512xi32, #tpu.memory_space<vmem>>
        %dma_wait3A_186 = arith.constant 0 : i32
        %dma_wait3A_187 = arith.constant 0 : i32
        %dma_wait3A_188 = tpu.memref_slice %arg6[%dma_wait3A_186, %dma_wait3A_187] : memref<50176x32xf32, #tpu.memory_space<vmem_shared>> -> memref<50176x32xf32, #tpu.memory_space<vmem_shared>>
        tpu.wait_indirect_dma semaphore(%run_scoped3A_168 : memref<!tpu.dma_semaphore, #tpu.memory_space<semaphore_mem>>) src(%arg8 : memref<512x32xf32, #tpu.memory_space<vmem>>) dst(%dma_wait3A_188 : memref<50176x32xf32, #tpu.memory_space<vmem_shared>>)
        tpu.yield
      }) : () -> ()
      %dma_wait3A_151 = arith.constant 0 : i32
      %dma_wait3A_152 = arith.constant 0 : i32
      %dma_wait3A_153 = arith.constant 0 : i32
      %dma_wait3A_154 = tpu.memref_slice %arg7[%dma_wait3A_151, %dma_wait3A_152, %dma_wait3A_153] : memref<2x2x512xi32, #tpu.memory_space<vmem>> -> memref<1x2x512xi32, #tpu.memory_space<vmem>>
      %dma_wait3A_155 = tpu.memref_squeeze %dma_wait3A_154 : memref<1x2x512xi32, #tpu.memory_space<vmem>> -> memref<2x512xi32, #tpu.memory_space<vmem>>
      %dma_wait3A_156 = arith.constant 0 : i32
      %dma_wait3A_157 = arith.constant 0 : i32
      %dma_wait3A_158 = tpu.memref_slice %arg3[%add3A_99, %dma_wait3A_156, %dma_wait3A_157] : memref<1600x2x512xi32, #tpu.memory_space<hbm>> -> memref<1x2x512xi32, #tpu.memory_space<hbm>>
      %dma_wait3A_159 = tpu.memref_squeeze %dma_wait3A_158 : memref<1x2x512xi32, #tpu.memory_space<hbm>> -> memref<2x512xi32, #tpu.memory_space<hbm>>
      %dma_wait3A_160 = arith.constant 0 : i32
      %dma_wait3A_161 = arith.constant 0 : i32
      %dma_wait3A_162 = tpu.memref_slice %arg7[%dma_wait3A_151, %dma_wait3A_160, %dma_wait3A_161] : memref<2x2x512xi32, #tpu.memory_space<vmem>> -> memref<1x2x512xi32, #tpu.memory_space<vmem>>
      %dma_wait3A_163 = tpu.memref_squeeze %dma_wait3A_162 : memref<1x2x512xi32, #tpu.memory_space<vmem>> -> memref<2x512xi32, #tpu.memory_space<vmem>>
      %dma_wait3A_164 = arith.constant 0 : i32
      %dma_wait3A_165 = arith.constant 0 : i32
      %dma_wait3A_166 = tpu.memref_slice %arg3[%add3A_99, %dma_wait3A_164, %dma_wait3A_165] : memref<1600x2x512xi32, #tpu.memory_space<hbm>> -> memref<1x2x512xi32, #tpu.memory_space<hbm>>
      %dma_wait3A_167 = tpu.memref_squeeze %dma_wait3A_166 : memref<1x2x512xi32, #tpu.memory_space<hbm>> -> memref<2x512xi32, #tpu.memory_space<hbm>>
      tpu.wait_dma2 semaphore(%arg10 : memref<!tpu.dma_semaphore, #tpu.memory_space<semaphore_mem>>) src(%dma_wait3A_167 : memref<2x512xi32, #tpu.memory_space<hbm>>) dst(%dma_wait3A_163 : memref<2x512xi32, #tpu.memory_space<vmem>>)
    }
    %scan3A_7 = arith.constant 50 : i32
    %barrier3A_8 = arith.constant 0 : index
    tpu.barrier barrier_id(%barrier3A_8)
    %mul3A_9 = arith.constant 3128 : i32
    %mul3A_10 = arith.muli %arg1, %mul3A_9 : i32
    %mul3A_11 = arith.constant 3128 : i32
    %mul3A_12 = arith.muli %arg1, %mul3A_11 : i32
    "tpu.region"() ({
      %run_scoped3A_13 = tpu.sem_alloc : memref<!tpu.dma_semaphore, #tpu.memory_space<semaphore_mem>>
      %dma_start3A = arith.constant 0 : i32
      %dma_start3A_14 = arith.constant 0 : i32
      %dma_start3A_15 = tpu.memref_slice %arg5[%arg0, %dma_start3A, %dma_start3A_14] : memref<2x50048x32xf32, #tpu.memory_space<hbm>> -> memref<1x50048x32xf32, #tpu.memory_space<hbm>>
      %dma_start3A_16 = tpu.memref_squeeze %dma_start3A_15 : memref<1x50048x32xf32, #tpu.memory_space<hbm>> -> memref<50048x32xf32, #tpu.memory_space<hbm>>
      %dma_start3A_17 = arith.constant 0 : i32
      %dma_start3A_18 = tpu.memref_slice %dma_start3A_16[%mul3A_12, %dma_start3A_17] : memref<50048x32xf32, #tpu.memory_space<hbm>> -> memref<3128x32xf32, #tpu.memory_space<hbm>>
      %dma_start3A_19 = arith.constant 0 : i32
      %dma_start3A_20 = tpu.memref_slice %arg6[%mul3A_10, %dma_start3A_19] : memref<50176x32xf32, #tpu.memory_space<vmem_shared>> -> memref<3128x32xf32, #tpu.memory_space<vmem_shared>>
      tpu.enqueue_dma source(%dma_start3A_20 : memref<3128x32xf32, #tpu.memory_space<vmem_shared>>) target(%dma_start3A_18 : memref<3128x32xf32, #tpu.memory_space<hbm>>) target_semaphore(%run_scoped3A_13 : memref<!tpu.dma_semaphore, #tpu.memory_space<semaphore_mem>>)
      %dma_wait3A = arith.constant 0 : i32
      %dma_wait3A_21 = arith.constant 0 : i32
      %dma_wait3A_22 = tpu.memref_slice %arg5[%arg0, %dma_wait3A, %dma_wait3A_21] : memref<2x50048x32xf32, #tpu.memory_space<hbm>> -> memref<1x50048x32xf32, #tpu.memory_space<hbm>>
      %dma_wait3A_23 = tpu.memref_squeeze %dma_wait3A_22 : memref<1x50048x32xf32, #tpu.memory_space<hbm>> -> memref<50048x32xf32, #tpu.memory_space<hbm>>
      %dma_wait3A_24 = arith.constant 0 : i32
      %dma_wait3A_25 = tpu.memref_slice %dma_wait3A_23[%mul3A_12, %dma_wait3A_24] : memref<50048x32xf32, #tpu.memory_space<hbm>> -> memref<3128x32xf32, #tpu.memory_space<hbm>>
      %dma_wait3A_26 = arith.constant 0 : i32
      %dma_wait3A_27 = tpu.memref_slice %arg6[%mul3A_10, %dma_wait3A_26] : memref<50176x32xf32, #tpu.memory_space<vmem_shared>> -> memref<3128x32xf32, #tpu.memory_space<vmem_shared>>
      tpu.wait_dma2 semaphore(%run_scoped3A_13 : memref<!tpu.dma_semaphore, #tpu.memory_space<semaphore_mem>>) src(%dma_wait3A_27 : memref<3128x32xf32, #tpu.memory_space<vmem_shared>>) dst(%dma_wait3A_25 : memref<3128x32xf32, #tpu.memory_space<hbm>>)
      tpu.yield
    }) : () -> ()
    return
  }
}

#map = affine_map<(d0, d1) -> (0, 0, 0)>
#map1 = affine_map<(d0, d1) -> (0, 0)>
module attributes {stable_mosaic.version = 14 : i64} {
  func.func @_hsum_body(%arg0: i32, %arg1: i32, %arg2: memref<2x50000x32xf32, #tpu.memory_space<hbm>>, %arg3: memref<1600x2x512xi32, #tpu.memory_space<hbm>>, %arg4: memref<3136x32xf32, #tpu.memory_space<hbm>>, %arg5: memref<2x50048x32xf32, #tpu.memory_space<hbm>>, %arg6: memref<50176x32xf32, #tpu.memory_space<vmem_shared>>, %arg7: memref<2x2x512xi32, #tpu.memory_space<vmem>>, %arg8: memref<512x32xf32, #tpu.memory_space<vmem>>, %arg9: memref<!tpu.dma_semaphore, #tpu.memory_space<semaphore_mem>>, %arg10: memref<!tpu.dma_semaphore, #tpu.memory_space<semaphore_mem>>) attributes {dimension_semantics = [#tpu.dimension_semantics<core_parallel>, #tpu.dimension_semantics<subcore_parallel>], iteration_bounds = array<i64: 2, 16>, scalar_prefetch = 0 : i64, scratch_operands = 5 : i64, tpu.core_type = #tpu.core_type<sc_vector_subcore>, window_params = [{transform_indices = #map}, {transform_indices = #map}, {transform_indices = #map1}, {transform_indices = #map}]} {
    %mul3A = arith.constant 3136 : i32
    %mul3A_0 = arith.muli %arg1, %mul3A : i32
    "tpu.region"() ({
      %run_scoped3A_13 = tpu.sem_alloc : memref<!tpu.dma_semaphore, #tpu.memory_space<semaphore_mem>>
      %dma_start3A = arith.constant 0 : i32
      %dma_start3A_14 = tpu.memref_slice %arg6[%mul3A_0, %dma_start3A] : memref<50176x32xf32, #tpu.memory_space<vmem_shared>> -> memref<3136x32xf32, #tpu.memory_space<vmem_shared>>
      tpu.enqueue_dma source(%arg4 : memref<3136x32xf32, #tpu.memory_space<hbm>>) target(%dma_start3A_14 : memref<3136x32xf32, #tpu.memory_space<vmem_shared>>) target_semaphore(%run_scoped3A_13 : memref<!tpu.dma_semaphore, #tpu.memory_space<semaphore_mem>>)
      %dma_wait3A = arith.constant 0 : i32
      %dma_wait3A_15 = tpu.memref_slice %arg6[%mul3A_0, %dma_wait3A] : memref<50176x32xf32, #tpu.memory_space<vmem_shared>> -> memref<3136x32xf32, #tpu.memory_space<vmem_shared>>
      tpu.wait_dma2 semaphore(%run_scoped3A_13 : memref<!tpu.dma_semaphore, #tpu.memory_space<semaphore_mem>>) src(%arg4 : memref<3136x32xf32, #tpu.memory_space<hbm>>) dst(%dma_wait3A_15 : memref<3136x32xf32, #tpu.memory_space<vmem_shared>>)
      tpu.yield
    }) : () -> ()
    %barrier3A = arith.constant 0 : index
    tpu.barrier barrier_id(%barrier3A)
    %mul3A_1 = arith.constant 100 : i32
    %mul3A_2 = arith.muli %arg1, %mul3A_1 : i32
    %run_scoped3A = arith.constant 0 : i32
    "tpu.region"() ({
      %run_scoped3A_13 = tpu.sem_alloc : memref<!tpu.dma_semaphore, #tpu.memory_space<semaphore_mem>>
      %dma_start3A = arith.constant 0 : i32
      %dma_start3A_14 = arith.constant 0 : i32
      %dma_start3A_15 = tpu.memref_slice %arg7[%run_scoped3A, %dma_start3A, %dma_start3A_14] : memref<2x2x512xi32, #tpu.memory_space<vmem>> -> memref<1x2x512xi32, #tpu.memory_space<vmem>>
      %dma_start3A_16 = tpu.memref_squeeze %dma_start3A_15 : memref<1x2x512xi32, #tpu.memory_space<vmem>> -> memref<2x512xi32, #tpu.memory_space<vmem>>
      %dma_start3A_17 = arith.constant 0 : i32
      %dma_start3A_18 = arith.constant 0 : i32
      %dma_start3A_19 = tpu.memref_slice %arg3[%mul3A_2, %dma_start3A_17, %dma_start3A_18] : memref<1600x2x512xi32, #tpu.memory_space<hbm>> -> memref<1x2x512xi32, #tpu.memory_space<hbm>>
      %dma_start3A_20 = tpu.memref_squeeze %dma_start3A_19 : memref<1x2x512xi32, #tpu.memory_space<hbm>> -> memref<2x512xi32, #tpu.memory_space<hbm>>
      %dma_start3A_21 = arith.constant 0 : i32
      %dma_start3A_22 = arith.constant 0 : i32
      %dma_start3A_23 = tpu.memref_slice %arg7[%run_scoped3A, %dma_start3A_21, %dma_start3A_22] : memref<2x2x512xi32, #tpu.memory_space<vmem>> -> memref<1x2x512xi32, #tpu.memory_space<vmem>>
      %dma_start3A_24 = tpu.memref_squeeze %dma_start3A_23 : memref<1x2x512xi32, #tpu.memory_space<vmem>> -> memref<2x512xi32, #tpu.memory_space<vmem>>
      %dma_start3A_25 = arith.constant 0 : i32
      %dma_start3A_26 = arith.constant 0 : i32
      %dma_start3A_27 = tpu.memref_slice %arg3[%mul3A_2, %dma_start3A_25, %dma_start3A_26] : memref<1600x2x512xi32, #tpu.memory_space<hbm>> -> memref<1x2x512xi32, #tpu.memory_space<hbm>>
      %dma_start3A_28 = tpu.memref_squeeze %dma_start3A_27 : memref<1x2x512xi32, #tpu.memory_space<hbm>> -> memref<2x512xi32, #tpu.memory_space<hbm>>
      tpu.enqueue_dma source(%dma_start3A_28 : memref<2x512xi32, #tpu.memory_space<hbm>>) target(%dma_start3A_24 : memref<2x512xi32, #tpu.memory_space<vmem>>) target_semaphore(%run_scoped3A_13 : memref<!tpu.dma_semaphore, #tpu.memory_space<semaphore_mem>>)
      %dma_wait3A = arith.constant 0 : i32
      %dma_wait3A_29 = arith.constant 0 : i32
      %dma_wait3A_30 = tpu.memref_slice %arg7[%run_scoped3A, %dma_wait3A, %dma_wait3A_29] : memref<2x2x512xi32, #tpu.memory_space<vmem>> -> memref<1x2x512xi32, #tpu.memory_space<vmem>>
      %dma_wait3A_31 = tpu.memref_squeeze %dma_wait3A_30 : memref<1x2x512xi32, #tpu.memory_space<vmem>> -> memref<2x512xi32, #tpu.memory_space<vmem>>
      %dma_wait3A_32 = arith.constant 0 : i32
      %dma_wait3A_33 = arith.constant 0 : i32
      %dma_wait3A_34 = tpu.memref_slice %arg3[%mul3A_2, %dma_wait3A_32, %dma_wait3A_33] : memref<1600x2x512xi32, #tpu.memory_space<hbm>> -> memref<1x2x512xi32, #tpu.memory_space<hbm>>
      %dma_wait3A_35 = tpu.memref_squeeze %dma_wait3A_34 : memref<1x2x512xi32, #tpu.memory_space<hbm>> -> memref<2x512xi32, #tpu.memory_space<hbm>>
      %dma_wait3A_36 = arith.constant 0 : i32
      %dma_wait3A_37 = arith.constant 0 : i32
      %dma_wait3A_38 = tpu.memref_slice %arg7[%run_scoped3A, %dma_wait3A_36, %dma_wait3A_37] : memref<2x2x512xi32, #tpu.memory_space<vmem>> -> memref<1x2x512xi32, #tpu.memory_space<vmem>>
      %dma_wait3A_39 = tpu.memref_squeeze %dma_wait3A_38 : memref<1x2x512xi32, #tpu.memory_space<vmem>> -> memref<2x512xi32, #tpu.memory_space<vmem>>
      %dma_wait3A_40 = arith.constant 0 : i32
      %dma_wait3A_41 = arith.constant 0 : i32
      %dma_wait3A_42 = tpu.memref_slice %arg3[%mul3A_2, %dma_wait3A_40, %dma_wait3A_41] : memref<1600x2x512xi32, #tpu.memory_space<hbm>> -> memref<1x2x512xi32, #tpu.memory_space<hbm>>
      %dma_wait3A_43 = tpu.memref_squeeze %dma_wait3A_42 : memref<1x2x512xi32, #tpu.memory_space<hbm>> -> memref<2x512xi32, #tpu.memory_space<hbm>>
      tpu.wait_dma2 semaphore(%run_scoped3A_13 : memref<!tpu.dma_semaphore, #tpu.memory_space<semaphore_mem>>) src(%dma_wait3A_43 : memref<2x512xi32, #tpu.memory_space<hbm>>) dst(%dma_wait3A_39 : memref<2x512xi32, #tpu.memory_space<vmem>>)
      tpu.yield
    }) : () -> ()
    %scan3A = arith.constant 0 : i32
    %scan3A_3 = arith.constant 0 : i32
    %scan3A_4 = arith.constant 50 : i32
    %scan3A_5 = arith.addi %scan3A_3, %scan3A_4 : i32
    %scan3A_6 = arith.constant 1 : i32
    scf.for %scan3A_13 = %scan3A_3 to %scan3A_5 step %scan3A_6  : i32 {
      %mul3A_14 = arith.constant 2 : i32
      %mul3A_15 = arith.muli %mul3A_14, %scan3A_13 : i32
      %add3A = arith.constant 0 : i32
      %add3A_16 = arith.addi %mul3A_15, %add3A : i32
      %mul3A_17 = arith.constant 100 : i32
      %mul3A_18 = arith.muli %arg1, %mul3A_17 : i32
      %add3A_19 = arith.constant 1 : i32
      %add3A_20 = arith.addi %add3A_16, %add3A_19 : i32
      %min3A = arith.constant 99 : i32
      %min3A_21 = arith.minsi %add3A_20, %min3A : i32
      %add3A_22 = arith.addi %mul3A_18, %min3A_21 : i32
      %dma_start3A = arith.constant 1 : i32
      %dma_start3A_23 = arith.constant 0 : i32
      %dma_start3A_24 = arith.constant 0 : i32
      %dma_start3A_25 = tpu.memref_slice %arg7[%dma_start3A, %dma_start3A_23, %dma_start3A_24] : memref<2x2x512xi32, #tpu.memory_space<vmem>> -> memref<1x2x512xi32, #tpu.memory_space<vmem>>
      %dma_start3A_26 = tpu.memref_squeeze %dma_start3A_25 : memref<1x2x512xi32, #tpu.memory_space<vmem>> -> memref<2x512xi32, #tpu.memory_space<vmem>>
      %dma_start3A_27 = arith.constant 0 : i32
      %dma_start3A_28 = arith.constant 0 : i32
      %dma_start3A_29 = tpu.memref_slice %arg3[%add3A_22, %dma_start3A_27, %dma_start3A_28] : memref<1600x2x512xi32, #tpu.memory_space<hbm>> -> memref<1x2x512xi32, #tpu.memory_space<hbm>>
      %dma_start3A_30 = tpu.memref_squeeze %dma_start3A_29 : memref<1x2x512xi32, #tpu.memory_space<hbm>> -> memref<2x512xi32, #tpu.memory_space<hbm>>
      %dma_start3A_31 = arith.constant 0 : i32
      %dma_start3A_32 = arith.constant 0 : i32
      %dma_start3A_33 = tpu.memref_slice %arg7[%dma_start3A, %dma_start3A_31, %dma_start3A_32] : memref<2x2x512xi32, #tpu.memory_space<vmem>> -> memref<1x2x512xi32, #tpu.memory_space<vmem>>
      %dma_start3A_34 = tpu.memref_squeeze %dma_start3A_33 : memref<1x2x512xi32, #tpu.memory_space<vmem>> -> memref<2x512xi32, #tpu.memory_space<vmem>>
      %dma_start3A_35 = arith.constant 0 : i32
      %dma_start3A_36 = arith.constant 0 : i32
      %dma_start3A_37 = tpu.memref_slice %arg3[%add3A_22, %dma_start3A_35, %dma_start3A_36] : memref<1600x2x512xi32, #tpu.memory_space<hbm>> -> memref<1x2x512xi32, #tpu.memory_space<hbm>>
      %dma_start3A_38 = tpu.memref_squeeze %dma_start3A_37 : memref<1x2x512xi32, #tpu.memory_space<hbm>> -> memref<2x512xi32, #tpu.memory_space<hbm>>
      tpu.enqueue_dma source(%dma_start3A_38 : memref<2x512xi32, #tpu.memory_space<hbm>>) target(%dma_start3A_34 : memref<2x512xi32, #tpu.memory_space<vmem>>) target_semaphore(%arg10 : memref<!tpu.dma_semaphore, #tpu.memory_space<semaphore_mem>>)
      %dma_start3A_39 = arith.constant 0 : i32
      %dma_start3A_40 = arith.constant 0 : i32
      %dma_start3A_41 = arith.constant 0 : i32
      %dma_start3A_42 = arith.constant 0 : i32
      %dma_start3A_43 = tpu.memref_slice %arg7[%dma_start3A_39, %dma_start3A_41, %dma_start3A_42] : memref<2x2x512xi32, #tpu.memory_space<vmem>> -> memref<1x2x512xi32, #tpu.memory_space<vmem>>
      %dma_start3A_44 = tpu.memref_squeeze %dma_start3A_43 : memref<1x2x512xi32, #tpu.memory_space<vmem>> -> memref<2x512xi32, #tpu.memory_space<vmem>>
      %dma_start3A_45 = arith.constant 0 : i32
      %dma_start3A_46 = tpu.memref_slice %dma_start3A_44[%dma_start3A_40, %dma_start3A_45] : memref<2x512xi32, #tpu.memory_space<vmem>> -> memref<1x512xi32, #tpu.memory_space<vmem>>
      %dma_start3A_47 = tpu.memref_squeeze %dma_start3A_46 : memref<1x512xi32, #tpu.memory_space<vmem>> -> memref<512xi32, #tpu.memory_space<vmem>>
      %dma_start3A_48 = arith.constant 0 : i32
      %dma_start3A_49 = arith.constant 0 : i32
      %dma_start3A_50 = tpu.memref_slice %arg2[%arg0, %dma_start3A_48, %dma_start3A_49] : memref<2x50000x32xf32, #tpu.memory_space<hbm>> -> memref<1x50000x32xf32, #tpu.memory_space<hbm>>
      %dma_start3A_51 = tpu.memref_squeeze %dma_start3A_50 : memref<1x50000x32xf32, #tpu.memory_space<hbm>> -> memref<50000x32xf32, #tpu.memory_space<hbm>>
      %dma_start3A_52 = arith.constant 0 : i32
      %dma_start3A_53 = arith.constant 0 : i32
      %dma_start3A_54 = tpu.memref_slice %dma_start3A_51[%dma_start3A_52, %dma_start3A_53] : memref<50000x32xf32, #tpu.memory_space<hbm>> -> memref<50000x32xf32, #tpu.memory_space<hbm>>
      tpu.enqueue_indirect_dma source(%dma_start3A_54 : memref<50000x32xf32, #tpu.memory_space<hbm>>) target(%arg8 : memref<512x32xf32, #tpu.memory_space<vmem>>) offsets(%dma_start3A_47 : memref<512xi32, #tpu.memory_space<vmem>>) semaphore(%arg9 : memref<!tpu.dma_semaphore, #tpu.memory_space<semaphore_mem>>)
      %dma_wait3A = arith.constant 0 : i32
      %dma_wait3A_55 = arith.constant 0 : i32
      %dma_wait3A_56 = arith.constant 0 : i32
      %dma_wait3A_57 = arith.constant 0 : i32
      %dma_wait3A_58 = tpu.memref_slice %arg7[%dma_wait3A, %dma_wait3A_56, %dma_wait3A_57] : memref<2x2x512xi32, #tpu.memory_space<vmem>> -> memref<1x2x512xi32, #tpu.memory_space<vmem>>
      %dma_wait3A_59 = tpu.memref_squeeze %dma_wait3A_58 : memref<1x2x512xi32, #tpu.memory_space<vmem>> -> memref<2x512xi32, #tpu.memory_space<vmem>>
      %dma_wait3A_60 = arith.constant 0 : i32
      %dma_wait3A_61 = tpu.memref_slice %dma_wait3A_59[%dma_wait3A_55, %dma_wait3A_60] : memref<2x512xi32, #tpu.memory_space<vmem>> -> memref<1x512xi32, #tpu.memory_space<vmem>>
      %dma_wait3A_62 = tpu.memref_squeeze %dma_wait3A_61 : memref<1x512xi32, #tpu.memory_space<vmem>> -> memref<512xi32, #tpu.memory_space<vmem>>
      %dma_wait3A_63 = arith.constant 0 : i32
      %dma_wait3A_64 = arith.constant 0 : i32
      %dma_wait3A_65 = tpu.memref_slice %arg2[%arg0, %dma_wait3A_63, %dma_wait3A_64] : memref<2x50000x32xf32, #tpu.memory_space<hbm>> -> memref<1x50000x32xf32, #tpu.memory_space<hbm>>
      %dma_wait3A_66 = tpu.memref_squeeze %dma_wait3A_65 : memref<1x50000x32xf32, #tpu.memory_space<hbm>> -> memref<50000x32xf32, #tpu.memory_space<hbm>>
      %dma_wait3A_67 = arith.constant 0 : i32
      %dma_wait3A_68 = arith.constant 0 : i32
      %dma_wait3A_69 = tpu.memref_slice %dma_wait3A_66[%dma_wait3A_67, %dma_wait3A_68] : memref<50000x32xf32, #tpu.memory_space<hbm>> -> memref<50000x32xf32, #tpu.memory_space<hbm>>
      tpu.wait_indirect_dma semaphore(%arg9 : memref<!tpu.dma_semaphore, #tpu.memory_space<semaphore_mem>>) src(%dma_wait3A_69 : memref<50000x32xf32, #tpu.memory_space<hbm>>) dst(%arg8 : memref<512x32xf32, #tpu.memory_space<vmem>>)
      %run_scoped3A_70 = arith.constant 0 : i32
      %run_scoped3A_71 = arith.constant 1 : i32
      "tpu.region"() ({
        %run_scoped3A_168 = tpu.sem_alloc : memref<!tpu.dma_semaphore, #tpu.memory_space<semaphore_mem>>
        %dma_start3A_169 = arith.constant 0 : i32
        %dma_start3A_170 = arith.constant 0 : i32
        %dma_start3A_171 = tpu.memref_slice %arg7[%run_scoped3A_70, %dma_start3A_169, %dma_start3A_170] : memref<2x2x512xi32, #tpu.memory_space<vmem>> -> memref<1x2x512xi32, #tpu.memory_space<vmem>>
        %dma_start3A_172 = tpu.memref_squeeze %dma_start3A_171 : memref<1x2x512xi32, #tpu.memory_space<vmem>> -> memref<2x512xi32, #tpu.memory_space<vmem>>
        %dma_start3A_173 = arith.constant 0 : i32
        %dma_start3A_174 = tpu.memref_slice %dma_start3A_172[%run_scoped3A_71, %dma_start3A_173] : memref<2x512xi32, #tpu.memory_space<vmem>> -> memref<1x512xi32, #tpu.memory_space<vmem>>
        %dma_start3A_175 = tpu.memref_squeeze %dma_start3A_174 : memref<1x512xi32, #tpu.memory_space<vmem>> -> memref<512xi32, #tpu.memory_space<vmem>>
        %dma_start3A_176 = arith.constant 0 : i32
        %dma_start3A_177 = arith.constant 0 : i32
        %dma_start3A_178 = tpu.memref_slice %arg6[%dma_start3A_176, %dma_start3A_177] : memref<50176x32xf32, #tpu.memory_space<vmem_shared>> -> memref<50176x32xf32, #tpu.memory_space<vmem_shared>>
        tpu.enqueue_indirect_dma source(%arg8 : memref<512x32xf32, #tpu.memory_space<vmem>>) target(%dma_start3A_178 : memref<50176x32xf32, #tpu.memory_space<vmem_shared>>) offsets(%dma_start3A_175 : memref<512xi32, #tpu.memory_space<vmem>>) semaphore(%run_scoped3A_168 : memref<!tpu.dma_semaphore, #tpu.memory_space<semaphore_mem>>) {add = true}
        %dma_wait3A_179 = arith.constant 0 : i32
        %dma_wait3A_180 = arith.constant 0 : i32
        %dma_wait3A_181 = tpu.memref_slice %arg7[%run_scoped3A_70, %dma_wait3A_179, %dma_wait3A_180] : memref<2x2x512xi32, #tpu.memory_space<vmem>> -> memref<1x2x512xi32, #tpu.memory_space<vmem>>
        %dma_wait3A_182 = tpu.memref_squeeze %dma_wait3A_181 : memref<1x2x512xi32, #tpu.memory_space<vmem>> -> memref<2x512xi32, #tpu.memory_space<vmem>>
        %dma_wait3A_183 = arith.constant 0 : i32
        %dma_wait3A_184 = tpu.memref_slice %dma_wait3A_182[%run_scoped3A_71, %dma_wait3A_183] : memref<2x512xi32, #tpu.memory_space<vmem>> -> memref<1x512xi32, #tpu.memory_space<vmem>>
        %dma_wait3A_185 = tpu.memref_squeeze %dma_wait3A_184 : memref<1x512xi32, #tpu.memory_space<vmem>> -> memref<512xi32, #tpu.memory_space<vmem>>
        %dma_wait3A_186 = arith.constant 0 : i32
        %dma_wait3A_187 = arith.constant 0 : i32
        %dma_wait3A_188 = tpu.memref_slice %arg6[%dma_wait3A_186, %dma_wait3A_187] : memref<50176x32xf32, #tpu.memory_space<vmem_shared>> -> memref<50176x32xf32, #tpu.memory_space<vmem_shared>>
        tpu.wait_indirect_dma semaphore(%run_scoped3A_168 : memref<!tpu.dma_semaphore, #tpu.memory_space<semaphore_mem>>) src(%arg8 : memref<512x32xf32, #tpu.memory_space<vmem>>) dst(%dma_wait3A_188 : memref<50176x32xf32, #tpu.memory_space<vmem_shared>>)
        tpu.yield
      }) : () -> ()
      %dma_wait3A_72 = arith.constant 1 : i32
      %dma_wait3A_73 = arith.constant 0 : i32
      %dma_wait3A_74 = arith.constant 0 : i32
      %dma_wait3A_75 = tpu.memref_slice %arg7[%dma_wait3A_72, %dma_wait3A_73, %dma_wait3A_74] : memref<2x2x512xi32, #tpu.memory_space<vmem>> -> memref<1x2x512xi32, #tpu.memory_space<vmem>>
      %dma_wait3A_76 = tpu.memref_squeeze %dma_wait3A_75 : memref<1x2x512xi32, #tpu.memory_space<vmem>> -> memref<2x512xi32, #tpu.memory_space<vmem>>
      %dma_wait3A_77 = arith.constant 0 : i32
      %dma_wait3A_78 = arith.constant 0 : i32
      %dma_wait3A_79 = tpu.memref_slice %arg3[%add3A_22, %dma_wait3A_77, %dma_wait3A_78] : memref<1600x2x512xi32, #tpu.memory_space<hbm>> -> memref<1x2x512xi32, #tpu.memory_space<hbm>>
      %dma_wait3A_80 = tpu.memref_squeeze %dma_wait3A_79 : memref<1x2x512xi32, #tpu.memory_space<hbm>> -> memref<2x512xi32, #tpu.memory_space<hbm>>
      %dma_wait3A_81 = arith.constant 0 : i32
      %dma_wait3A_82 = arith.constant 0 : i32
      %dma_wait3A_83 = tpu.memref_slice %arg7[%dma_wait3A_72, %dma_wait3A_81, %dma_wait3A_82] : memref<2x2x512xi32, #tpu.memory_space<vmem>> -> memref<1x2x512xi32, #tpu.memory_space<vmem>>
      %dma_wait3A_84 = tpu.memref_squeeze %dma_wait3A_83 : memref<1x2x512xi32, #tpu.memory_space<vmem>> -> memref<2x512xi32, #tpu.memory_space<vmem>>
      %dma_wait3A_85 = arith.constant 0 : i32
      %dma_wait3A_86 = arith.constant 0 : i32
      %dma_wait3A_87 = tpu.memref_slice %arg3[%add3A_22, %dma_wait3A_85, %dma_wait3A_86] : memref<1600x2x512xi32, #tpu.memory_space<hbm>> -> memref<1x2x512xi32, #tpu.memory_space<hbm>>
      %dma_wait3A_88 = tpu.memref_squeeze %dma_wait3A_87 : memref<1x2x512xi32, #tpu.memory_space<hbm>> -> memref<2x512xi32, #tpu.memory_space<hbm>>
      tpu.wait_dma2 semaphore(%arg10 : memref<!tpu.dma_semaphore, #tpu.memory_space<semaphore_mem>>) src(%dma_wait3A_88 : memref<2x512xi32, #tpu.memory_space<hbm>>) dst(%dma_wait3A_84 : memref<2x512xi32, #tpu.memory_space<vmem>>)
      %mul3A_89 = arith.constant 2 : i32
      %mul3A_90 = arith.muli %mul3A_89, %scan3A_13 : i32
      %add3A_91 = arith.constant 1 : i32
      %add3A_92 = arith.addi %mul3A_90, %add3A_91 : i32
      %mul3A_93 = arith.constant 100 : i32
      %mul3A_94 = arith.muli %arg1, %mul3A_93 : i32
      %add3A_95 = arith.constant 1 : i32
      %add3A_96 = arith.addi %add3A_92, %add3A_95 : i32
      %min3A_97 = arith.constant 99 : i32
      %min3A_98 = arith.minsi %add3A_96, %min3A_97 : i32
      %add3A_99 = arith.addi %mul3A_94, %min3A_98 : i32
      %dma_start3A_100 = arith.constant 0 : i32
      %dma_start3A_101 = arith.constant 0 : i32
      %dma_start3A_102 = arith.constant 0 : i32
      %dma_start3A_103 = tpu.memref_slice %arg7[%dma_start3A_100, %dma_start3A_101, %dma_start3A_102] : memref<2x2x512xi32, #tpu.memory_space<vmem>> -> memref<1x2x512xi32, #tpu.memory_space<vmem>>
      %dma_start3A_104 = tpu.memref_squeeze %dma_start3A_103 : memref<1x2x512xi32, #tpu.memory_space<vmem>> -> memref<2x512xi32, #tpu.memory_space<vmem>>
      %dma_start3A_105 = arith.constant 0 : i32
      %dma_start3A_106 = arith.constant 0 : i32
      %dma_start3A_107 = tpu.memref_slice %arg3[%add3A_99, %dma_start3A_105, %dma_start3A_106] : memref<1600x2x512xi32, #tpu.memory_space<hbm>> -> memref<1x2x512xi32, #tpu.memory_space<hbm>>
      %dma_start3A_108 = tpu.memref_squeeze %dma_start3A_107 : memref<1x2x512xi32, #tpu.memory_space<hbm>> -> memref<2x512xi32, #tpu.memory_space<hbm>>
      %dma_start3A_109 = arith.constant 0 : i32
      %dma_start3A_110 = arith.constant 0 : i32
      %dma_start3A_111 = tpu.memref_slice %arg7[%dma_start3A_100, %dma_start3A_109, %dma_start3A_110] : memref<2x2x512xi32, #tpu.memory_space<vmem>> -> memref<1x2x512xi32, #tpu.memory_space<vmem>>
      %dma_start3A_112 = tpu.memref_squeeze %dma_start3A_111 : memref<1x2x512xi32, #tpu.memory_space<vmem>> -> memref<2x512xi32, #tpu.memory_space<vmem>>
      %dma_start3A_113 = arith.constant 0 : i32
      %dma_start3A_114 = arith.constant 0 : i32
      %dma_start3A_115 = tpu.memref_slice %arg3[%add3A_99, %dma_start3A_113, %dma_start3A_114] : memref<1600x2x512xi32, #tpu.memory_space<hbm>> -> memref<1x2x512xi32, #tpu.memory_space<hbm>>
      %dma_start3A_116 = tpu.memref_squeeze %dma_start3A_115 : memref<1x2x512xi32, #tpu.memory_space<hbm>> -> memref<2x512xi32, #tpu.memory_space<hbm>>
      tpu.enqueue_dma source(%dma_start3A_116 : memref<2x512xi32, #tpu.memory_space<hbm>>) target(%dma_start3A_112 : memref<2x512xi32, #tpu.memory_space<vmem>>) target_semaphore(%arg10 : memref<!tpu.dma_semaphore, #tpu.memory_space<semaphore_mem>>)
      %dma_start3A_117 = arith.constant 1 : i32
      %dma_start3A_118 = arith.constant 0 : i32
      %dma_start3A_119 = arith.constant 0 : i32
      %dma_start3A_120 = arith.constant 0 : i32
      %dma_start3A_121 = tpu.memref_slice %arg7[%dma_start3A_117, %dma_start3A_119, %dma_start3A_120] : memref<2x2x512xi32, #tpu.memory_space<vmem>> -> memref<1x2x512xi32, #tpu.memory_space<vmem>>
      %dma_start3A_122 = tpu.memref_squeeze %dma_start3A_121 : memref<1x2x512xi32, #tpu.memory_space<vmem>> -> memref<2x512xi32, #tpu.memory_space<vmem>>
      %dma_start3A_123 = arith.constant 0 : i32
      %dma_start3A_124 = tpu.memref_slice %dma_start3A_122[%dma_start3A_118, %dma_start3A_123] : memref<2x512xi32, #tpu.memory_space<vmem>> -> memref<1x512xi32, #tpu.memory_space<vmem>>
      %dma_start3A_125 = tpu.memref_squeeze %dma_start3A_124 : memref<1x512xi32, #tpu.memory_space<vmem>> -> memref<512xi32, #tpu.memory_space<vmem>>
      %dma_start3A_126 = arith.constant 0 : i32
      %dma_start3A_127 = arith.constant 0 : i32
      %dma_start3A_128 = tpu.memref_slice %arg2[%arg0, %dma_start3A_126, %dma_start3A_127] : memref<2x50000x32xf32, #tpu.memory_space<hbm>> -> memref<1x50000x32xf32, #tpu.memory_space<hbm>>
      %dma_start3A_129 = tpu.memref_squeeze %dma_start3A_128 : memref<1x50000x32xf32, #tpu.memory_space<hbm>> -> memref<50000x32xf32, #tpu.memory_space<hbm>>
      %dma_start3A_130 = arith.constant 0 : i32
      %dma_start3A_131 = arith.constant 0 : i32
      %dma_start3A_132 = tpu.memref_slice %dma_start3A_129[%dma_start3A_130, %dma_start3A_131] : memref<50000x32xf32, #tpu.memory_space<hbm>> -> memref<50000x32xf32, #tpu.memory_space<hbm>>
      tpu.enqueue_indirect_dma source(%dma_start3A_132 : memref<50000x32xf32, #tpu.memory_space<hbm>>) target(%arg8 : memref<512x32xf32, #tpu.memory_space<vmem>>) offsets(%dma_start3A_125 : memref<512xi32, #tpu.memory_space<vmem>>) semaphore(%arg9 : memref<!tpu.dma_semaphore, #tpu.memory_space<semaphore_mem>>)
      %dma_wait3A_133 = arith.constant 1 : i32
      %dma_wait3A_134 = arith.constant 0 : i32
      %dma_wait3A_135 = arith.constant 0 : i32
      %dma_wait3A_136 = arith.constant 0 : i32
      %dma_wait3A_137 = tpu.memref_slice %arg7[%dma_wait3A_133, %dma_wait3A_135, %dma_wait3A_136] : memref<2x2x512xi32, #tpu.memory_space<vmem>> -> memref<1x2x512xi32, #tpu.memory_space<vmem>>
      %dma_wait3A_138 = tpu.memref_squeeze %dma_wait3A_137 : memref<1x2x512xi32, #tpu.memory_space<vmem>> -> memref<2x512xi32, #tpu.memory_space<vmem>>
      %dma_wait3A_139 = arith.constant 0 : i32
      %dma_wait3A_140 = tpu.memref_slice %dma_wait3A_138[%dma_wait3A_134, %dma_wait3A_139] : memref<2x512xi32, #tpu.memory_space<vmem>> -> memref<1x512xi32, #tpu.memory_space<vmem>>
      %dma_wait3A_141 = tpu.memref_squeeze %dma_wait3A_140 : memref<1x512xi32, #tpu.memory_space<vmem>> -> memref<512xi32, #tpu.memory_space<vmem>>
      %dma_wait3A_142 = arith.constant 0 : i32
      %dma_wait3A_143 = arith.constant 0 : i32
      %dma_wait3A_144 = tpu.memref_slice %arg2[%arg0, %dma_wait3A_142, %dma_wait3A_143] : memref<2x50000x32xf32, #tpu.memory_space<hbm>> -> memref<1x50000x32xf32, #tpu.memory_space<hbm>>
      %dma_wait3A_145 = tpu.memref_squeeze %dma_wait3A_144 : memref<1x50000x32xf32, #tpu.memory_space<hbm>> -> memref<50000x32xf32, #tpu.memory_space<hbm>>
      %dma_wait3A_146 = arith.constant 0 : i32
      %dma_wait3A_147 = arith.constant 0 : i32
      %dma_wait3A_148 = tpu.memref_slice %dma_wait3A_145[%dma_wait3A_146, %dma_wait3A_147] : memref<50000x32xf32, #tpu.memory_space<hbm>> -> memref<50000x32xf32, #tpu.memory_space<hbm>>
      tpu.wait_indirect_dma semaphore(%arg9 : memref<!tpu.dma_semaphore, #tpu.memory_space<semaphore_mem>>) src(%dma_wait3A_148 : memref<50000x32xf32, #tpu.memory_space<hbm>>) dst(%arg8 : memref<512x32xf32, #tpu.memory_space<vmem>>)
      %run_scoped3A_149 = arith.constant 1 : i32
      %run_scoped3A_150 = arith.constant 1 : i32
      "tpu.region"() ({
        %run_scoped3A_168 = tpu.sem_alloc : memref<!tpu.dma_semaphore, #tpu.memory_space<semaphore_mem>>
        %dma_start3A_169 = arith.constant 0 : i32
        %dma_start3A_170 = arith.constant 0 : i32
        %dma_start3A_171 = tpu.memref_slice %arg7[%run_scoped3A_149, %dma_start3A_169, %dma_start3A_170] : memref<2x2x512xi32, #tpu.memory_space<vmem>> -> memref<1x2x512xi32, #tpu.memory_space<vmem>>
        %dma_start3A_172 = tpu.memref_squeeze %dma_start3A_171 : memref<1x2x512xi32, #tpu.memory_space<vmem>> -> memref<2x512xi32, #tpu.memory_space<vmem>>
        %dma_start3A_173 = arith.constant 0 : i32
        %dma_start3A_174 = tpu.memref_slice %dma_start3A_172[%run_scoped3A_150, %dma_start3A_173] : memref<2x512xi32, #tpu.memory_space<vmem>> -> memref<1x512xi32, #tpu.memory_space<vmem>>
        %dma_start3A_175 = tpu.memref_squeeze %dma_start3A_174 : memref<1x512xi32, #tpu.memory_space<vmem>> -> memref<512xi32, #tpu.memory_space<vmem>>
        %dma_start3A_176 = arith.constant 0 : i32
        %dma_start3A_177 = arith.constant 0 : i32
        %dma_start3A_178 = tpu.memref_slice %arg6[%dma_start3A_176, %dma_start3A_177] : memref<50176x32xf32, #tpu.memory_space<vmem_shared>> -> memref<50176x32xf32, #tpu.memory_space<vmem_shared>>
        tpu.enqueue_indirect_dma source(%arg8 : memref<512x32xf32, #tpu.memory_space<vmem>>) target(%dma_start3A_178 : memref<50176x32xf32, #tpu.memory_space<vmem_shared>>) offsets(%dma_start3A_175 : memref<512xi32, #tpu.memory_space<vmem>>) semaphore(%run_scoped3A_168 : memref<!tpu.dma_semaphore, #tpu.memory_space<semaphore_mem>>) {add = true}
        %dma_wait3A_179 = arith.constant 0 : i32
        %dma_wait3A_180 = arith.constant 0 : i32
        %dma_wait3A_181 = tpu.memref_slice %arg7[%run_scoped3A_149, %dma_wait3A_179, %dma_wait3A_180] : memref<2x2x512xi32, #tpu.memory_space<vmem>> -> memref<1x2x512xi32, #tpu.memory_space<vmem>>
        %dma_wait3A_182 = tpu.memref_squeeze %dma_wait3A_181 : memref<1x2x512xi32, #tpu.memory_space<vmem>> -> memref<2x512xi32, #tpu.memory_space<vmem>>
        %dma_wait3A_183 = arith.constant 0 : i32
        %dma_wait3A_184 = tpu.memref_slice %dma_wait3A_182[%run_scoped3A_150, %dma_wait3A_183] : memref<2x512xi32, #tpu.memory_space<vmem>> -> memref<1x512xi32, #tpu.memory_space<vmem>>
        %dma_wait3A_185 = tpu.memref_squeeze %dma_wait3A_184 : memref<1x512xi32, #tpu.memory_space<vmem>> -> memref<512xi32, #tpu.memory_space<vmem>>
        %dma_wait3A_186 = arith.constant 0 : i32
        %dma_wait3A_187 = arith.constant 0 : i32
        %dma_wait3A_188 = tpu.memref_slice %arg6[%dma_wait3A_186, %dma_wait3A_187] : memref<50176x32xf32, #tpu.memory_space<vmem_shared>> -> memref<50176x32xf32, #tpu.memory_space<vmem_shared>>
        tpu.wait_indirect_dma semaphore(%run_scoped3A_168 : memref<!tpu.dma_semaphore, #tpu.memory_space<semaphore_mem>>) src(%arg8 : memref<512x32xf32, #tpu.memory_space<vmem>>) dst(%dma_wait3A_188 : memref<50176x32xf32, #tpu.memory_space<vmem_shared>>)
        tpu.yield
      }) : () -> ()
      %dma_wait3A_151 = arith.constant 0 : i32
      %dma_wait3A_152 = arith.constant 0 : i32
      %dma_wait3A_153 = arith.constant 0 : i32
      %dma_wait3A_154 = tpu.memref_slice %arg7[%dma_wait3A_151, %dma_wait3A_152, %dma_wait3A_153] : memref<2x2x512xi32, #tpu.memory_space<vmem>> -> memref<1x2x512xi32, #tpu.memory_space<vmem>>
      %dma_wait3A_155 = tpu.memref_squeeze %dma_wait3A_154 : memref<1x2x512xi32, #tpu.memory_space<vmem>> -> memref<2x512xi32, #tpu.memory_space<vmem>>
      %dma_wait3A_156 = arith.constant 0 : i32
      %dma_wait3A_157 = arith.constant 0 : i32
      %dma_wait3A_158 = tpu.memref_slice %arg3[%add3A_99, %dma_wait3A_156, %dma_wait3A_157] : memref<1600x2x512xi32, #tpu.memory_space<hbm>> -> memref<1x2x512xi32, #tpu.memory_space<hbm>>
      %dma_wait3A_159 = tpu.memref_squeeze %dma_wait3A_158 : memref<1x2x512xi32, #tpu.memory_space<hbm>> -> memref<2x512xi32, #tpu.memory_space<hbm>>
      %dma_wait3A_160 = arith.constant 0 : i32
      %dma_wait3A_161 = arith.constant 0 : i32
      %dma_wait3A_162 = tpu.memref_slice %arg7[%dma_wait3A_151, %dma_wait3A_160, %dma_wait3A_161] : memref<2x2x512xi32, #tpu.memory_space<vmem>> -> memref<1x2x512xi32, #tpu.memory_space<vmem>>
      %dma_wait3A_163 = tpu.memref_squeeze %dma_wait3A_162 : memref<1x2x512xi32, #tpu.memory_space<vmem>> -> memref<2x512xi32, #tpu.memory_space<vmem>>
      %dma_wait3A_164 = arith.constant 0 : i32
      %dma_wait3A_165 = arith.constant 0 : i32
      %dma_wait3A_166 = tpu.memref_slice %arg3[%add3A_99, %dma_wait3A_164, %dma_wait3A_165] : memref<1600x2x512xi32, #tpu.memory_space<hbm>> -> memref<1x2x512xi32, #tpu.memory_space<hbm>>
      %dma_wait3A_167 = tpu.memref_squeeze %dma_wait3A_166 : memref<1x2x512xi32, #tpu.memory_space<hbm>> -> memref<2x512xi32, #tpu.memory_space<hbm>>
      tpu.wait_dma2 semaphore(%arg10 : memref<!tpu.dma_semaphore, #tpu.memory_space<semaphore_mem>>) src(%dma_wait3A_167 : memref<2x512xi32, #tpu.memory_space<hbm>>) dst(%dma_wait3A_163 : memref<2x512xi32, #tpu.memory_space<vmem>>)
    }
    %scan3A_7 = arith.constant 50 : i32
    %barrier3A_8 = arith.constant 0 : index
    tpu.barrier barrier_id(%barrier3A_8)
    %mul3A_9 = arith.constant 3128 : i32
    %mul3A_10 = arith.muli %arg1, %mul3A_9 : i32
    %mul3A_11 = arith.constant 3128 : i32
    %mul3A_12 = arith.muli %arg1, %mul3A_11 : i32
    "tpu.region"() ({
      %run_scoped3A_13 = tpu.sem_alloc : memref<!tpu.dma_semaphore, #tpu.memory_space<semaphore_mem>>
      %dma_start3A = arith.constant 0 : i32
      %dma_start3A_14 = arith.constant 0 : i32
      %dma_start3A_15 = tpu.memref_slice %arg5[%arg0, %dma_start3A, %dma_start3A_14] : memref<2x50048x32xf32, #tpu.memory_space<hbm>> -> memref<1x50048x32xf32, #tpu.memory_space<hbm>>
      %dma_start3A_16 = tpu.memref_squeeze %dma_start3A_15 : memref<1x50048x32xf32, #tpu.memory_space<hbm>> -> memref<50048x32xf32, #tpu.memory_space<hbm>>
      %dma_start3A_17 = arith.constant 0 : i32
      %dma_start3A_18 = tpu.memref_slice %dma_start3A_16[%mul3A_12, %dma_start3A_17] : memref<50048x32xf32, #tpu.memory_space<hbm>> -> memref<3128x32xf32, #tpu.memory_space<hbm>>
      %dma_start3A_19 = arith.constant 0 : i32
      %dma_start3A_20 = tpu.memref_slice %arg6[%mul3A_10, %dma_start3A_19] : memref<50176x32xf32, #tpu.memory_space<vmem_shared>> -> memref<3128x32xf32, #tpu.memory_space<vmem_shared>>
      tpu.enqueue_dma source(%dma_start3A_20 : memref<3128x32xf32, #tpu.memory_space<vmem_shared>>) target(%dma_start3A_18 : memref<3128x32xf32, #tpu.memory_space<hbm>>) target_semaphore(%run_scoped3A_13 : memref<!tpu.dma_semaphore, #tpu.memory_space<semaphore_mem>>)
      %dma_wait3A = arith.constant 0 : i32
      %dma_wait3A_21 = arith.constant 0 : i32
      %dma_wait3A_22 = tpu.memref_slice %arg5[%arg0, %dma_wait3A, %dma_wait3A_21] : memref<2x50048x32xf32, #tpu.memory_space<hbm>> -> memref<1x50048x32xf32, #tpu.memory_space<hbm>>
      %dma_wait3A_23 = tpu.memref_squeeze %dma_wait3A_22 : memref<1x50048x32xf32, #tpu.memory_space<hbm>> -> memref<50048x32xf32, #tpu.memory_space<hbm>>
      %dma_wait3A_24 = arith.constant 0 : i32
      %dma_wait3A_25 = tpu.memref_slice %dma_wait3A_23[%mul3A_12, %dma_wait3A_24] : memref<50048x32xf32, #tpu.memory_space<hbm>> -> memref<3128x32xf32, #tpu.memory_space<hbm>>
      %dma_wait3A_26 = arith.constant 0 : i32
      %dma_wait3A_27 = tpu.memref_slice %arg6[%mul3A_10, %dma_wait3A_26] : memref<50176x32xf32, #tpu.memory_space<vmem_shared>> -> memref<3128x32xf32, #tpu.memory_space<vmem_shared>>
      tpu.wait_dma2 semaphore(%run_scoped3A_13 : memref<!tpu.dma_semaphore, #tpu.memory_space<semaphore_mem>>) src(%dma_wait3A_27 : memref<3128x32xf32, #tpu.memory_space<vmem_shared>>) dst(%dma_wait3A_25 : memref<3128x32xf32, #tpu.memory_space<hbm>>)
      tpu.yield
    }) : () -> ()
    return
  }
}

module attributes {stable_mosaic.version = 14 : i64} {
  func.func @_h0_kernel(%arg0: i32, %arg1: memref<2000x7xf32, #tpu.memory_space<vmem>>, %arg2: memref<7x64xf32, #tpu.memory_space<vmem>>, %arg3: memref<7x64xf32, #tpu.memory_space<vmem>>, %arg4: memref<2x2000x32xf32, #tpu.memory_space<vmem>>) attributes {dimension_semantics = [#tpu.dimension_semantics<arbitrary>], iteration_bounds = array<i64: 25>, scalar_prefetch = 0 : i64, scratch_operands = 0 : i64, tpu.core_type = #tpu.core_type<tc>, window_params = [{transform_indices = @transform_0, window_bounds = array<i64: 2000, 7>}, {pipeline_mode = #tpu.pipeline_mode<synchronous>, transform_indices = @transform_1, window_bounds = array<i64: 7, 64>}, {pipeline_mode = #tpu.pipeline_mode<synchronous>, transform_indices = @transform_2, window_bounds = array<i64: 7, 64>}, {transform_indices = @transform_3, window_bounds = array<i64: 2, 2000, 32>}]} {
    %get3A = arith.constant 0 : index
    %get3A_0 = arith.constant 0 : index
    %get3A_1 = vector.load %arg1[%get3A, %get3A_0] : memref<2000x7xf32, #tpu.memory_space<vmem>>, vector<2000x7xf32>
    %get3A_2 = arith.constant 0 : index
    %get3A_3 = arith.constant 0 : index
    %get3A_4 = vector.load %arg2[%get3A_2, %get3A_3] : memref<7x64xf32, #tpu.memory_space<vmem>>, vector<7x64xf32>
    %dot_general3A = arith.constant dense<0.000000e+00> : vector<2000x64xf32>
    %dot_general3A_5 = tpu.matmul %get3A_1, %get3A_4, %dot_general3A {dimension_numbers = #tpu.dot_dimension_numbers<[1], [0], [0], [1], [0, 0, 1, 1], [], []>, transpose_lhs_hint = false} : vector<2000x7xf32>, vector<7x64xf32>, vector<2000x64xf32> -> vector<2000x64xf32>
    %get3A_6 = arith.constant 0 : index
    %get3A_7 = arith.constant 0 : index
    %get3A_8 = vector.load %arg3[%get3A_6, %get3A_7] : memref<7x64xf32, #tpu.memory_space<vmem>>, vector<7x64xf32>
    %reduce_sum3A = arith.constant dense<0.000000e+00> : vector<64xf32>
    %reduce_sum3A_9 = vector.multi_reduction <add>, %get3A_8, %reduce_sum3A [0] : vector<7x64xf32> to vector<64xf32>
    %broadcast_in_dim3A = vector.shape_cast %reduce_sum3A_9 : vector<64xf32> to vector<1x64xf32>
    %add3A = vector.broadcast %broadcast_in_dim3A : vector<1x64xf32> to vector<2000x64xf32>
    %add3A_10 = arith.addf %dot_general3A_5, %add3A : vector<2000x64xf32>
    %slice3A = vector.extract_strided_slice %add3A_10 {offsets = [0, 0], sizes = [2000, 32], strides = [1, 1]} : vector<2000x64xf32> to vector<2000x32xf32>
    %slice3A_11 = vector.extract_strided_slice %add3A_10 {offsets = [0, 32], sizes = [2000, 32], strides = [1, 1]} : vector<2000x64xf32> to vector<2000x32xf32>
    %stack3A = vector.shape_cast %slice3A : vector<2000x32xf32> to vector<1x2000x32xf32>
    %stack3A_12 = vector.shape_cast %slice3A_11 : vector<2000x32xf32> to vector<1x2000x32xf32>
    %stack3A_13 = tpu.concatenate %stack3A, %stack3A_12 in 0 : vector<1x2000x32xf32>, vector<1x2000x32xf32> -> vector<2x2000x32xf32>
    %swap3A = arith.constant 0 : index
    %swap3A_14 = arith.constant 0 : index
    %swap3A_15 = arith.constant 0 : index
    %swap3A_16 = vector.load %arg4[%swap3A, %swap3A_14, %swap3A_15] : memref<2x2000x32xf32, #tpu.memory_space<vmem>>, vector<2x2000x32xf32>
    tpu.vector_store %arg4[%swap3A, %swap3A_14, %swap3A_15], %stack3A_13 {strides = array<i32>} : memref<2x2000x32xf32, #tpu.memory_space<vmem>>, vector<2x2000x32xf32>,
    return
  }
  func.func @transform_0(%arg0: i32) -> (i32, i32) {
    %c0_i32 = arith.constant 0 : i32
    %c0_i32_0 = arith.constant 0 : i32
    return %arg0, %c0_i32 : i32, i32
  }
  func.func @transform_1(%arg0: i32) -> (i32, i32) {
    %c0_i32 = arith.constant 0 : i32
    %c0_i32_0 = arith.constant 0 : i32
    %c0_i32_1 = arith.constant 0 : i32
    return %c0_i32, %c0_i32_0 : i32, i32
  }
  func.func @transform_2(%arg0: i32) -> (i32, i32) {
    %c0_i32 = arith.constant 0 : i32
    %c0_i32_0 = arith.constant 0 : i32
    %c0_i32_1 = arith.constant 0 : i32
    return %c0_i32, %c0_i32_0 : i32, i32
  }
  func.func @transform_3(%arg0: i32) -> (i32, i32, i32) {
    %c0_i32 = arith.constant 0 : i32
    %c0_i32_0 = arith.constant 0 : i32
    %c0_i32_1 = arith.constant 0 : i32
    return %c0_i32, %arg0, %c0_i32_0 : i32, i32, i32
  }
}

module attributes {stable_mosaic.version = 14 : i64} {
  func.func @_upd_kernel(%arg0: i32, %arg1: memref<2x2000x32xf32, #tpu.memory_space<vmem>>, %arg2: memref<2x2000x8xf32, #tpu.memory_space<vmem>>, %arg3: memref<8x64xf32, #tpu.memory_space<vmem>>, %arg4: memref<64x128xf32, #tpu.memory_space<vmem>>, %arg5: memref<1x128xf32, #tpu.memory_space<vmem>>, %arg6: memref<128x64xf32, #tpu.memory_space<vmem>>, %arg7: memref<1x64xf32, #tpu.memory_space<vmem>>, %arg8: memref<2000x64xf32, #tpu.memory_space<vmem>>, %arg9: memref<8x64xf32, #tpu.memory_space<vmem>>) attributes {dimension_semantics = [#tpu.dimension_semantics<arbitrary>], iteration_bounds = array<i64: 25>, scalar_prefetch = 0 : i64, scratch_operands = 0 : i64, tpu.core_type = #tpu.core_type<tc>, window_params = [{transform_indices = @transform_0, window_bounds = array<i64: 2, 2000, 32>}, {transform_indices = @transform_1, window_bounds = array<i64: 2, 2000, 8>}, {pipeline_mode = #tpu.pipeline_mode<synchronous>, transform_indices = @transform_2, window_bounds = array<i64: 8, 64>}, {pipeline_mode = #tpu.pipeline_mode<synchronous>, transform_indices = @transform_3, window_bounds = array<i64: 64, 128>}, {pipeline_mode = #tpu.pipeline_mode<synchronous>, transform_indices = @transform_4, window_bounds = array<i64: 1, 128>}, {pipeline_mode = #tpu.pipeline_mode<synchronous>, transform_indices = @transform_5, window_bounds = array<i64: 128, 64>}, {pipeline_mode = #tpu.pipeline_mode<synchronous>, transform_indices = @transform_6, window_bounds = array<i64: 1, 64>}, {transform_indices = @transform_7, window_bounds = array<i64: 2000, 64>}, {pipeline_mode = #tpu.pipeline_mode<synchronous>, transform_indices = @transform_8, window_bounds = array<i64: 8, 64>}]} {
    %get3A = arith.constant 0 : index
    %get3A_0 = arith.constant 0 : index
    %get3A_1 = arith.constant 0 : index
    %get3A_2 = vector.load %arg1[%get3A, %get3A_0, %get3A_1] : memref<2x2000x32xf32, #tpu.memory_space<vmem>>, vector<2x2000x32xf32>
    %slice3A = vector.extract_strided_slice %get3A_2 {offsets = [0, 0, 0], sizes = [1, 2000, 32], strides = [1, 1, 1]} : vector<2x2000x32xf32> to vector<1x2000x32xf32>
    %squeeze3A = vector.shape_cast %slice3A : vector<1x2000x32xf32> to vector<2000x32xf32>
    %slice3A_3 = vector.extract_strided_slice %get3A_2 {offsets = [1, 0, 0], sizes = [1, 2000, 32], strides = [1, 1, 1]} : vector<2x2000x32xf32> to vector<1x2000x32xf32>
    %squeeze3A_4 = vector.shape_cast %slice3A_3 : vector<1x2000x32xf32> to vector<2000x32xf32>
    %concatenate3A = tpu.concatenate %squeeze3A, %squeeze3A_4 in 1 : vector<2000x32xf32>, vector<2000x32xf32> -> vector<2000x64xf32>
    %get3A_5 = arith.constant 0 : index
    %get3A_6 = arith.constant 0 : index
    %get3A_7 = arith.constant 0 : index
    %get3A_8 = vector.load %arg2[%get3A_5, %get3A_6, %get3A_7] : memref<2x2000x8xf32, #tpu.memory_space<vmem>>, vector<2x2000x8xf32>
    %slice3A_9 = vector.extract_strided_slice %get3A_8 {offsets = [0, 0, 0], sizes = [1, 2000, 8], strides = [1, 1, 1]} : vector<2x2000x8xf32> to vector<1x2000x8xf32>
    %squeeze3A_10 = vector.shape_cast %slice3A_9 : vector<1x2000x8xf32> to vector<2000x8xf32>
    %slice3A_11 = vector.extract_strided_slice %get3A_8 {offsets = [1, 0, 0], sizes = [1, 2000, 8], strides = [1, 1, 1]} : vector<2x2000x8xf32> to vector<1x2000x8xf32>
    %squeeze3A_12 = vector.shape_cast %slice3A_11 : vector<1x2000x8xf32> to vector<2000x8xf32>
    %add3A = arith.addf %squeeze3A_10, %squeeze3A_12 : vector<2000x8xf32>
    %get3A_13 = arith.constant 0 : index
    %get3A_14 = arith.constant 0 : index
    %get3A_15 = vector.load %arg3[%get3A_13, %get3A_14] : memref<8x64xf32, #tpu.memory_space<vmem>>, vector<8x64xf32>
    %slice3A_16 = vector.extract_strided_slice %add3A {offsets = [0, 0], sizes = [2000, 1], strides = [1, 1]} : vector<2000x8xf32> to vector<2000x1xf32>
    %slice3A_17 = vector.extract_strided_slice %get3A_15 {offsets = [0, 0], sizes = [1, 64], strides = [1, 1]} : vector<8x64xf32> to vector<1x64xf32>
    %mul3A = vector.broadcast %slice3A_16 : vector<2000x1xf32> to vector<2000x64xf32>
    %mul3A_18 = vector.broadcast %slice3A_17 : vector<1x64xf32> to vector<2000x64xf32>
    %mul3A_19 = arith.mulf %mul3A, %mul3A_18 : vector<2000x64xf32>
    %add3A_20 = arith.addf %concatenate3A, %mul3A_19 : vector<2000x64xf32>
    %slice3A_21 = vector.extract_strided_slice %add3A {offsets = [0, 1], sizes = [2000, 1], strides = [1, 1]} : vector<2000x8xf32> to vector<2000x1xf32>
    %slice3A_22 = vector.extract_strided_slice %get3A_15 {offsets = [1, 0], sizes = [1, 64], strides = [1, 1]} : vector<8x64xf32> to vector<1x64xf32>
    %mul3A_23 = vector.broadcast %slice3A_21 : vector<2000x1xf32> to vector<2000x64xf32>
    %mul3A_24 = vector.broadcast %slice3A_22 : vector<1x64xf32> to vector<2000x64xf32>
    %mul3A_25 = arith.mulf %mul3A_23, %mul3A_24 : vector<2000x64xf32>
    %add3A_26 = arith.addf %add3A_20, %mul3A_25 : vector<2000x64xf32>
    %slice3A_27 = vector.extract_strided_slice %add3A {offsets = [0, 2], sizes = [2000, 1], strides = [1, 1]} : vector<2000x8xf32> to vector<2000x1xf32>
    %slice3A_28 = vector.extract_strided_slice %get3A_15 {offsets = [2, 0], sizes = [1, 64], strides = [1, 1]} : vector<8x64xf32> to vector<1x64xf32>
    %mul3A_29 = vector.broadcast %slice3A_27 : vector<2000x1xf32> to vector<2000x64xf32>
    %mul3A_30 = vector.broadcast %slice3A_28 : vector<1x64xf32> to vector<2000x64xf32>
    %mul3A_31 = arith.mulf %mul3A_29, %mul3A_30 : vector<2000x64xf32>
    %add3A_32 = arith.addf %add3A_26, %mul3A_31 : vector<2000x64xf32>
    %slice3A_33 = vector.extract_strided_slice %add3A {offsets = [0, 3], sizes = [2000, 1], strides = [1, 1]} : vector<2000x8xf32> to vector<2000x1xf32>
    %slice3A_34 = vector.extract_strided_slice %get3A_15 {offsets = [3, 0], sizes = [1, 64], strides = [1, 1]} : vector<8x64xf32> to vector<1x64xf32>
    %mul3A_35 = vector.broadcast %slice3A_33 : vector<2000x1xf32> to vector<2000x64xf32>
    %mul3A_36 = vector.broadcast %slice3A_34 : vector<1x64xf32> to vector<2000x64xf32>
    %mul3A_37 = arith.mulf %mul3A_35, %mul3A_36 : vector<2000x64xf32>
    %add3A_38 = arith.addf %add3A_32, %mul3A_37 : vector<2000x64xf32>
    %slice3A_39 = vector.extract_strided_slice %add3A {offsets = [0, 4], sizes = [2000, 1], strides = [1, 1]} : vector<2000x8xf32> to vector<2000x1xf32>
    %slice3A_40 = vector.extract_strided_slice %get3A_15 {offsets = [4, 0], sizes = [1, 64], strides = [1, 1]} : vector<8x64xf32> to vector<1x64xf32>
    %mul3A_41 = vector.broadcast %slice3A_39 : vector<2000x1xf32> to vector<2000x64xf32>
    %mul3A_42 = vector.broadcast %slice3A_40 : vector<1x64xf32> to vector<2000x64xf32>
    %mul3A_43 = arith.mulf %mul3A_41, %mul3A_42 : vector<2000x64xf32>
    %add3A_44 = arith.addf %add3A_38, %mul3A_43 : vector<2000x64xf32>
    %slice3A_45 = vector.extract_strided_slice %add3A {offsets = [0, 5], sizes = [2000, 1], strides = [1, 1]} : vector<2000x8xf32> to vector<2000x1xf32>
    %slice3A_46 = vector.extract_strided_slice %get3A_15 {offsets = [5, 0], sizes = [1, 64], strides = [1, 1]} : vector<8x64xf32> to vector<1x64xf32>
    %mul3A_47 = vector.broadcast %slice3A_45 : vector<2000x1xf32> to vector<2000x64xf32>
    %mul3A_48 = vector.broadcast %slice3A_46 : vector<1x64xf32> to vector<2000x64xf32>
    %mul3A_49 = arith.mulf %mul3A_47, %mul3A_48 : vector<2000x64xf32>
    %add3A_50 = arith.addf %add3A_44, %mul3A_49 : vector<2000x64xf32>
    %get3A_51 = arith.constant 0 : index
    %get3A_52 = arith.constant 0 : index
    %get3A_53 = vector.load %arg4[%get3A_51, %get3A_52] : memref<64x128xf32, #tpu.memory_space<vmem>>, vector<64x128xf32>
    %dot_general3A = arith.constant dense<0.000000e+00> : vector<2000x128xf32>
    %dot_general3A_54 = tpu.matmul %add3A_50, %get3A_53, %dot_general3A {dimension_numbers = #tpu.dot_dimension_numbers<[1], [0], [0], [1], [0, 0, 1, 1], [], []>, transpose_lhs_hint = false} : vector<2000x64xf32>, vector<64x128xf32>, vector<2000x128xf32> -> vector<2000x128xf32>
    %get3A_55 = arith.constant 0 : index
    %get3A_56 = arith.constant 0 : index
    %get3A_57 = vector.load %arg5[%get3A_55, %get3A_56] : memref<1x128xf32, #tpu.memory_space<vmem>>, vector<1x128xf32>
    %add3A_58 = vector.broadcast %get3A_57 : vector<1x128xf32> to vector<2000x128xf32>
    %add3A_59 = arith.addf %dot_general3A_54, %add3A_58 : vector<2000x128xf32>
    %max3A = arith.constant 0.000000e+00 : f32
    %max3A_60 = vector.broadcast %max3A : f32 to vector<2000x128xf32>
    %max3A_61 = arith.maximumf %add3A_59, %max3A_60 : vector<2000x128xf32>
    %get3A_62 = arith.constant 0 : index
    %get3A_63 = arith.constant 0 : index
    %get3A_64 = vector.load %arg6[%get3A_62, %get3A_63] : memref<128x64xf32, #tpu.memory_space<vmem>>, vector<128x64xf32>
    %dot_general3A_65 = arith.constant dense<0.000000e+00> : vector<2000x64xf32>
    %dot_general3A_66 = tpu.matmul %max3A_61, %get3A_64, %dot_general3A_65 {dimension_numbers = #tpu.dot_dimension_numbers<[1], [0], [0], [1], [0, 0, 1, 1], [], []>, transpose_lhs_hint = false} : vector<2000x128xf32>, vector<128x64xf32>, vector<2000x64xf32> -> vector<2000x64xf32>
    %get3A_67 = arith.constant 0 : index
    %get3A_68 = arith.constant 0 : index
    %get3A_69 = vector.load %arg7[%get3A_67, %get3A_68] : memref<1x64xf32, #tpu.memory_space<vmem>>, vector<1x64xf32>
    %add3A_70 = vector.broadcast %get3A_69 : vector<1x64xf32> to vector<2000x64xf32>
    %add3A_71 = arith.addf %dot_general3A_66, %add3A_70 : vector<2000x64xf32>
    %swap3A = arith.constant 0 : index
    %swap3A_72 = arith.constant 0 : index
    %swap3A_73 = vector.load %arg8[%swap3A, %swap3A_72] : memref<2000x64xf32, #tpu.memory_space<vmem>>, vector<2000x64xf32>
    tpu.vector_store %arg8[%swap3A, %swap3A_72], %add3A_71 {strides = array<i32>} : memref<2000x64xf32, #tpu.memory_space<vmem>>, vector<2000x64xf32>,
    %eq3A = arith.constant 0 : i32
    %eq3A_74 = arith.cmpi eq, %arg0, %eq3A : i32
    %convert_element_type3A = arith.extui %eq3A_74 : i1 to i32
    %cond3A = arith.constant 0 : i32
    %cond3A_75 = arith.cmpi ne, %convert_element_type3A, %cond3A : i32
    scf.if %cond3A_75 {
      %broadcast_in_dim3A_91 = arith.constant 0.000000e+00 : f32
      %broadcast_in_dim3A_92 = vector.broadcast %broadcast_in_dim3A_91 : f32 to vector<8x64xf32>
      %swap3A_93 = arith.constant 0 : index
      %swap3A_94 = arith.constant 0 : index
      %swap3A_95 = vector.load %arg9[%swap3A_93, %swap3A_94] : memref<8x64xf32, #tpu.memory_space<vmem>>, vector<8x64xf32>
      tpu.vector_store %arg9[%swap3A_93, %swap3A_94], %broadcast_in_dim3A_92 {strides = array<i32>} : memref<8x64xf32, #tpu.memory_space<vmem>>, vector<8x64xf32>,
    } else {
    }
    %get3A_76 = arith.constant 0 : index
    %get3A_77 = arith.constant 0 : index
    %get3A_78 = vector.load %arg9[%get3A_76, %get3A_77] : memref<8x64xf32, #tpu.memory_space<vmem>>, vector<8x64xf32>
    %reduce_sum3A = arith.constant dense<0.000000e+00> : vector<64xf32>
    %reduce_sum3A_79 = vector.multi_reduction <add>, %add3A_71, %reduce_sum3A [0] : vector<2000x64xf32> to vector<64xf32>
    %broadcast_in_dim3A = vector.shape_cast %reduce_sum3A_79 : vector<64xf32> to vector<1x64xf32>
    %mul3A_80 = arith.mulf %add3A_71, %add3A_71 : vector<2000x64xf32>
    %reduce_sum3A_81 = arith.constant dense<0.000000e+00> : vector<64xf32>
    %reduce_sum3A_82 = vector.multi_reduction <add>, %mul3A_80, %reduce_sum3A_81 [0] : vector<2000x64xf32> to vector<64xf32>
    %broadcast_in_dim3A_83 = vector.shape_cast %reduce_sum3A_82 : vector<64xf32> to vector<1x64xf32>
    %broadcast_in_dim3A_84 = arith.constant 0.000000e+00 : f32
    %broadcast_in_dim3A_85 = vector.broadcast %broadcast_in_dim3A_84 : f32 to vector<6x64xf32>
    %concatenate3A_86 = tpu.concatenate %broadcast_in_dim3A, %broadcast_in_dim3A_83, %broadcast_in_dim3A_85 in 0 : vector<1x64xf32>, vector<1x64xf32>, vector<6x64xf32> -> vector<8x64xf32>
    %add3A_87 = arith.addf %get3A_78, %concatenate3A_86 : vector<8x64xf32>
    %swap3A_88 = arith.constant 0 : index
    %swap3A_89 = arith.constant 0 : index
    %swap3A_90 = vector.load %arg9[%swap3A_88, %swap3A_89] : memref<8x64xf32, #tpu.memory_space<vmem>>, vector<8x64xf32>
    tpu.vector_store %arg9[%swap3A_88, %swap3A_89], %add3A_87 {strides = array<i32>} : memref<8x64xf32, #tpu.memory_space<vmem>>, vector<8x64xf32>,
    return
  }
  func.func @transform_0(%arg0: i32) -> (i32, i32, i32) {
    %c0_i32 = arith.constant 0 : i32
    %c0_i32_0 = arith.constant 0 : i32
    %c0_i32_1 = arith.constant 0 : i32
    return %c0_i32, %arg0, %c0_i32_0 : i32, i32, i32
  }
  func.func @transform_1(%arg0: i32) -> (i32, i32, i32) {
    %c0_i32 = arith.constant 0 : i32
    %c0_i32_0 = arith.constant 0 : i32
    %c0_i32_1 = arith.constant 0 : i32
    return %c0_i32, %arg0, %c0_i32_0 : i32, i32, i32
  }
  func.func @transform_2(%arg0: i32) -> (i32, i32) {
    %c0_i32 = arith.constant 0 : i32
    %c0_i32_0 = arith.constant 0 : i32
    %c0_i32_1 = arith.constant 0 : i32
    return %c0_i32, %c0_i32_0 : i32, i32
  }
  func.func @transform_3(%arg0: i32) -> (i32, i32) {
    %c0_i32 = arith.constant 0 : i32
    %c0_i32_0 = arith.constant 0 : i32
    %c0_i32_1 = arith.constant 0 : i32
    return %c0_i32, %c0_i32_0 : i32, i32
  }
  func.func @transform_4(%arg0: i32) -> (i32, i32) {
    %c0_i32 = arith.constant 0 : i32
    %c0_i32_0 = arith.constant 0 : i32
    %c0_i32_1 = arith.constant 0 : i32
    return %c0_i32, %c0_i32_0 : i32, i32
  }
  func.func @transform_5(%arg0: i32) -> (i32, i32) {
    %c0_i32 = arith.constant 0 : i32
    %c0_i32_0 = arith.constant 0 : i32
    %c0_i32_1 = arith.constant 0 : i32
    return %c0_i32, %c0_i32_0 : i32, i32
  }
  func.func @transform_6(%arg0: i32) -> (i32, i32) {
    %c0_i32 = arith.constant 0 : i32
    %c0_i32_0 = arith.constant 0 : i32
    %c0_i32_1 = arith.constant 0 : i32
    return %c0_i32, %c0_i32_0 : i32, i32
  }
  func.func @transform_7(%arg0: i32) -> (i32, i32) {
    %c0_i32 = arith.constant 0 : i32
    %c0_i32_0 = arith.constant 0 : i32
    return %arg0, %c0_i32 : i32, i32
  }
  func.func @transform_8(%arg0: i32) -> (i32, i32) {
    %c0_i32 = arith.constant 0 : i32
    %c0_i32_0 = arith.constant 0 : i32
    %c0_i32_1 = arith.constant 0 : i32
    return %c0_i32, %c0_i32_0 : i32, i32
  }
}

module attributes {stable_mosaic.version = 14 : i64} {
  func.func @_bn_elu_kernel(%arg0: i32, %arg1: memref<2000x64xf32, #tpu.memory_space<vmem>>, %arg2: memref<8x64xf32, #tpu.memory_space<vmem>>, %arg3: memref<1x64xf32, #tpu.memory_space<vmem>>, %arg4: memref<1x64xf32, #tpu.memory_space<vmem>>, %arg5: memref<2x2000x32xf32, #tpu.memory_space<vmem>>) attributes {dimension_semantics = [#tpu.dimension_semantics<arbitrary>], iteration_bounds = array<i64: 25>, scalar_prefetch = 0 : i64, scratch_operands = 0 : i64, tpu.core_type = #tpu.core_type<tc>, window_params = [{transform_indices = @transform_0, window_bounds = array<i64: 2000, 64>}, {pipeline_mode = #tpu.pipeline_mode<synchronous>, transform_indices = @transform_1, window_bounds = array<i64: 8, 64>}, {pipeline_mode = #tpu.pipeline_mode<synchronous>, transform_indices = @transform_2, window_bounds = array<i64: 1, 64>}, {pipeline_mode = #tpu.pipeline_mode<synchronous>, transform_indices = @transform_3, window_bounds = array<i64: 1, 64>}, {transform_indices = @transform_4, window_bounds = array<i64: 2, 2000, 32>}]} {
    %get3A = arith.constant 0 : index
    %get3A_0 = arith.constant 0 : index
    %get3A_1 = vector.load %arg2[%get3A, %get3A_0] : memref<8x64xf32, #tpu.memory_space<vmem>>, vector<8x64xf32>
    %slice3A = vector.extract_strided_slice %get3A_1 {offsets = [0, 0], sizes = [1, 64], strides = [1, 1]} : vector<8x64xf32> to vector<1x64xf32>
    %div3A = arith.constant 5.000000e+04 : f32
    %div3A_2 = vector.broadcast %div3A : f32 to vector<1x64xf32>
    %div3A_3 = arith.divf %slice3A, %div3A_2 : vector<1x64xf32>
    %slice3A_4 = vector.extract_strided_slice %get3A_1 {offsets = [1, 0], sizes = [1, 64], strides = [1, 1]} : vector<8x64xf32> to vector<1x64xf32>
    %div3A_5 = arith.constant 5.000000e+04 : f32
    %div3A_6 = vector.broadcast %div3A_5 : f32 to vector<1x64xf32>
    %div3A_7 = arith.divf %slice3A_4, %div3A_6 : vector<1x64xf32>
    %mul3A = arith.mulf %div3A_3, %div3A_3 : vector<1x64xf32>
    %sub3A = arith.subf %div3A_7, %mul3A : vector<1x64xf32>
    %get3A_8 = arith.constant 0 : index
    %get3A_9 = arith.constant 0 : index
    %get3A_10 = vector.load %arg1[%get3A_8, %get3A_9] : memref<2000x64xf32, #tpu.memory_space<vmem>>, vector<2000x64xf32>
    %sub3A_11 = vector.broadcast %div3A_3 : vector<1x64xf32> to vector<2000x64xf32>
    %sub3A_12 = arith.subf %get3A_10, %sub3A_11 : vector<2000x64xf32>
    %add3A = arith.constant 9.99999974E-6 : f32
    %add3A_13 = vector.broadcast %add3A : f32 to vector<1x64xf32>
    %add3A_14 = arith.addf %sub3A, %add3A_13 : vector<1x64xf32>
    %rsqrt3A = math.rsqrt %add3A_14 : vector<1x64xf32>
    %mul3A_15 = vector.broadcast %rsqrt3A : vector<1x64xf32> to vector<2000x64xf32>
    %mul3A_16 = arith.mulf %sub3A_12, %mul3A_15 : vector<2000x64xf32>
    %get3A_17 = arith.constant 0 : index
    %get3A_18 = arith.constant 0 : index
    %get3A_19 = vector.load %arg3[%get3A_17, %get3A_18] : memref<1x64xf32, #tpu.memory_space<vmem>>, vector<1x64xf32>
    %mul3A_20 = vector.broadcast %get3A_19 : vector<1x64xf32> to vector<2000x64xf32>
    %mul3A_21 = arith.mulf %mul3A_16, %mul3A_20 : vector<2000x64xf32>
    %get3A_22 = arith.constant 0 : index
    %get3A_23 = arith.constant 0 : index
    %get3A_24 = vector.load %arg4[%get3A_22, %get3A_23] : memref<1x64xf32, #tpu.memory_space<vmem>>, vector<1x64xf32>
    %add3A_25 = vector.broadcast %get3A_24 : vector<1x64xf32> to vector<2000x64xf32>
    %add3A_26 = arith.addf %mul3A_21, %add3A_25 : vector<2000x64xf32>
    %gt3A = arith.constant 0.000000e+00 : f32
    %gt3A_27 = vector.broadcast %gt3A : f32 to vector<2000x64xf32>
    %gt3A_28 = arith.cmpf ogt, %add3A_26, %gt3A_27 : vector<2000x64xf32>
    %min3A = arith.constant 0.000000e+00 : f32
    %min3A_29 = vector.broadcast %min3A : f32 to vector<2000x64xf32>
    %min3A_30 = arith.minimumf %add3A_26, %min3A_29 : vector<2000x64xf32>
    %exp3A = math.exp %min3A_30 : vector<2000x64xf32>
    %sub3A_31 = arith.constant 1.000000e+00 : f32
    %sub3A_32 = vector.broadcast %sub3A_31 : f32 to vector<2000x64xf32>
    %sub3A_33 = arith.subf %exp3A, %sub3A_32 : vector<2000x64xf32>
    %select_n3A = arith.select %gt3A_28, %add3A_26, %sub3A_33 : vector<2000x64xi1>, vector<2000x64xf32>
    %slice3A_34 = vector.extract_strided_slice %select_n3A {offsets = [0, 0], sizes = [2000, 32], strides = [1, 1]} : vector<2000x64xf32> to vector<2000x32xf32>
    %slice3A_35 = vector.extract_strided_slice %select_n3A {offsets = [0, 32], sizes = [2000, 32], strides = [1, 1]} : vector<2000x64xf32> to vector<2000x32xf32>
    %stack3A = vector.shape_cast %slice3A_34 : vector<2000x32xf32> to vector<1x2000x32xf32>
    %stack3A_36 = vector.shape_cast %slice3A_35 : vector<2000x32xf32> to vector<1x2000x32xf32>
    %stack3A_37 = tpu.concatenate %stack3A, %stack3A_36 in 0 : vector<1x2000x32xf32>, vector<1x2000x32xf32> -> vector<2x2000x32xf32>
    %swap3A = arith.constant 0 : index
    %swap3A_38 = arith.constant 0 : index
    %swap3A_39 = arith.constant 0 : index
    %swap3A_40 = vector.load %arg5[%swap3A, %swap3A_38, %swap3A_39] : memref<2x2000x32xf32, #tpu.memory_space<vmem>>, vector<2x2000x32xf32>
    tpu.vector_store %arg5[%swap3A, %swap3A_38, %swap3A_39], %stack3A_37 {strides = array<i32>} : memref<2x2000x32xf32, #tpu.memory_space<vmem>>, vector<2x2000x32xf32>,
    return
  }
  func.func @transform_0(%arg0: i32) -> (i32, i32) {
    %c0_i32 = arith.constant 0 : i32
    %c0_i32_0 = arith.constant 0 : i32
    return %arg0, %c0_i32 : i32, i32
  }
  func.func @transform_1(%arg0: i32) -> (i32, i32) {
    %c0_i32 = arith.constant 0 : i32
    %c0_i32_0 = arith.constant 0 : i32
    %c0_i32_1 = arith.constant 0 : i32
    return %c0_i32, %c0_i32_0 : i32, i32
  }
  func.func @transform_2(%arg0: i32) -> (i32, i32) {
    %c0_i32 = arith.constant 0 : i32
    %c0_i32_0 = arith.constant 0 : i32
    %c0_i32_1 = arith.constant 0 : i32
    return %c0_i32, %c0_i32_0 : i32, i32
  }
  func.func @transform_3(%arg0: i32) -> (i32, i32) {
    %c0_i32 = arith.constant 0 : i32
    %c0_i32_0 = arith.constant 0 : i32
    %c0_i32_1 = arith.constant 0 : i32
    return %c0_i32, %c0_i32_0 : i32, i32
  }
  func.func @transform_4(%arg0: i32) -> (i32, i32, i32) {
    %c0_i32 = arith.constant 0 : i32
    %c0_i32_0 = arith.constant 0 : i32
    %c0_i32_1 = arith.constant 0 : i32
    return %c0_i32, %arg0, %c0_i32_0 : i32, i32, i32
  }
}

module attributes {stable_mosaic.version = 14 : i64} {
  func.func @_bn_last_kernel(%arg0: i32, %arg1: memref<2000x64xf32, #tpu.memory_space<vmem>>, %arg2: memref<8x64xf32, #tpu.memory_space<vmem>>, %arg3: memref<1x64xf32, #tpu.memory_space<vmem>>, %arg4: memref<1x64xf32, #tpu.memory_space<vmem>>, %arg5: memref<2000x64xf32, #tpu.memory_space<vmem>>) attributes {dimension_semantics = [#tpu.dimension_semantics<arbitrary>], iteration_bounds = array<i64: 25>, scalar_prefetch = 0 : i64, scratch_operands = 0 : i64, tpu.core_type = #tpu.core_type<tc>, window_params = [{transform_indices = @transform_0, window_bounds = array<i64: 2000, 64>}, {pipeline_mode = #tpu.pipeline_mode<synchronous>, transform_indices = @transform_1, window_bounds = array<i64: 8, 64>}, {pipeline_mode = #tpu.pipeline_mode<synchronous>, transform_indices = @transform_2, window_bounds = array<i64: 1, 64>}, {pipeline_mode = #tpu.pipeline_mode<synchronous>, transform_indices = @transform_3, window_bounds = array<i64: 1, 64>}, {transform_indices = @transform_4, window_bounds = array<i64: 2000, 64>}]} {
    %get3A = arith.constant 0 : index
    %get3A_0 = arith.constant 0 : index
    %get3A_1 = vector.load %arg2[%get3A, %get3A_0] : memref<8x64xf32, #tpu.memory_space<vmem>>, vector<8x64xf32>
    %slice3A = vector.extract_strided_slice %get3A_1 {offsets = [0, 0], sizes = [1, 64], strides = [1, 1]} : vector<8x64xf32> to vector<1x64xf32>
    %div3A = arith.constant 5.000000e+04 : f32
    %div3A_2 = vector.broadcast %div3A : f32 to vector<1x64xf32>
    %div3A_3 = arith.divf %slice3A, %div3A_2 : vector<1x64xf32>
    %slice3A_4 = vector.extract_strided_slice %get3A_1 {offsets = [1, 0], sizes = [1, 64], strides = [1, 1]} : vector<8x64xf32> to vector<1x64xf32>
    %div3A_5 = arith.constant 5.000000e+04 : f32
    %div3A_6 = vector.broadcast %div3A_5 : f32 to vector<1x64xf32>
    %div3A_7 = arith.divf %slice3A_4, %div3A_6 : vector<1x64xf32>
    %mul3A = arith.mulf %div3A_3, %div3A_3 : vector<1x64xf32>
    %sub3A = arith.subf %div3A_7, %mul3A : vector<1x64xf32>
    %get3A_8 = arith.constant 0 : index
    %get3A_9 = arith.constant 0 : index
    %get3A_10 = vector.load %arg1[%get3A_8, %get3A_9] : memref<2000x64xf32, #tpu.memory_space<vmem>>, vector<2000x64xf32>
    %sub3A_11 = vector.broadcast %div3A_3 : vector<1x64xf32> to vector<2000x64xf32>
    %sub3A_12 = arith.subf %get3A_10, %sub3A_11 : vector<2000x64xf32>
    %add3A = arith.constant 9.99999974E-6 : f32
    %add3A_13 = vector.broadcast %add3A : f32 to vector<1x64xf32>
    %add3A_14 = arith.addf %sub3A, %add3A_13 : vector<1x64xf32>
    %rsqrt3A = math.rsqrt %add3A_14 : vector<1x64xf32>
    %mul3A_15 = vector.broadcast %rsqrt3A : vector<1x64xf32> to vector<2000x64xf32>
    %mul3A_16 = arith.mulf %sub3A_12, %mul3A_15 : vector<2000x64xf32>
    %get3A_17 = arith.constant 0 : index
    %get3A_18 = arith.constant 0 : index
    %get3A_19 = vector.load %arg3[%get3A_17, %get3A_18] : memref<1x64xf32, #tpu.memory_space<vmem>>, vector<1x64xf32>
    %mul3A_20 = vector.broadcast %get3A_19 : vector<1x64xf32> to vector<2000x64xf32>
    %mul3A_21 = arith.mulf %mul3A_16, %mul3A_20 : vector<2000x64xf32>
    %get3A_22 = arith.constant 0 : index
    %get3A_23 = arith.constant 0 : index
    %get3A_24 = vector.load %arg4[%get3A_22, %get3A_23] : memref<1x64xf32, #tpu.memory_space<vmem>>, vector<1x64xf32>
    %add3A_25 = vector.broadcast %get3A_24 : vector<1x64xf32> to vector<2000x64xf32>
    %add3A_26 = arith.addf %mul3A_21, %add3A_25 : vector<2000x64xf32>
    %swap3A = arith.constant 0 : index
    %swap3A_27 = arith.constant 0 : index
    %swap3A_28 = vector.load %arg5[%swap3A, %swap3A_27] : memref<2000x64xf32, #tpu.memory_space<vmem>>, vector<2000x64xf32>
    tpu.vector_store %arg5[%swap3A, %swap3A_27], %add3A_26 {strides = array<i32>} : memref<2000x64xf32, #tpu.memory_space<vmem>>, vector<2000x64xf32>,
    return
  }
  func.func @transform_0(%arg0: i32) -> (i32, i32) {
    %c0_i32 = arith.constant 0 : i32
    %c0_i32_0 = arith.constant 0 : i32
    return %arg0, %c0_i32 : i32, i32
  }
  func.func @transform_1(%arg0: i32) -> (i32, i32) {
    %c0_i32 = arith.constant 0 : i32
    %c0_i32_0 = arith.constant 0 : i32
    %c0_i32_1 = arith.constant 0 : i32
    return %c0_i32, %c0_i32_0 : i32, i32
  }
  func.func @transform_2(%arg0: i32) -> (i32, i32) {
    %c0_i32 = arith.constant 0 : i32
    %c0_i32_0 = arith.constant 0 : i32
    %c0_i32_1 = arith.constant 0 : i32
    return %c0_i32, %c0_i32_0 : i32, i32
  }
  func.func @transform_3(%arg0: i32) -> (i32, i32) {
    %c0_i32 = arith.constant 0 : i32
    %c0_i32_0 = arith.constant 0 : i32
    %c0_i32_1 = arith.constant 0 : i32
    return %c0_i32, %c0_i32_0 : i32, i32
  }
  func.func @transform_4(%arg0: i32) -> (i32, i32) {
    %c0_i32 = arith.constant 0 : i32
    %c0_i32_0 = arith.constant 0 : i32
    return %arg0, %c0_i32 : i32, i32
  }
}

</mosaic_0001>

<sc_bundles>
// kernel: kernel.13.cloned.1.call-start
scs
__scs_entry_jumppad:
0x0: {  	(pc) =	sbr.rel $0x88, $3  }
0x1: {  	(tag) =	ssettag $0x0;
	lr =	simm.s32 $0x1  }
0x2: {  	[smem:$0x3F94] =	sst lr;
	_ =	strace $0xD0000000  }
0x3: {  	_ = 	snop  }
0x4: {  	_ = 	snop  }
0x5: {  	_ = 	snop  }
0x6: {  	_ = 	snop  }
0x7: {  	_ = 	snop  }
__scs_overlays_trampoline_lowered:
0x8: {  	[smem:$0x3FA3] =	sst s0  }
0x9: {  	[smem:$0x3FA4] =	sst s1  }
0xa: {  	[smem:$0x3FA5] =	sst s2  }
0xb: {  	[smem:$0x3FA6] =	sst s3  }
0xc: {  	[smem:$0x3FA7] =	sst s4  }
0xd: {  	[smem:$0x3FA8] =	sst s5  }
0xe: {  	[smem:$0x3FA9] =	sst s6  }
0xf: {  	[smem:$0x3FAA] =	sst s7  }
0x10: {  	[smem:$0x3FAB] =	sst s8  }
0x11: {  	[smem:$0x3FAC] =	sst s9;
	s0 =	simm.s32 @!p0 $0x0  }
0x12: {  	s1 =	sld [smem:$0x3F92];
	s0 =	simm.s32 @p0 $0x1  }
0x13: {  	[smem:$0x3FAD] =	sst s0;
	s0 =	simm.s32 @!p1 $0x0  }
0x14: {  	s2 =	sld [smem:$0x3F91];
	s0 =	simm.s32 @p1 $0x1  }
0x15: {  	[smem:$0x3FAE] =	sst s0;
	s0 =	simm.s32 @!p2 $0x0  }
0x16: {  	s3 =	sld [smem:$0x3FDB];
	s0 =	simm.s32 @p2 $0x1  }
0x17: {  	s4 =	simm.s32 $0x1BF5;
	[smem:$0x3FB0] =	sst s0  }
0x18: {  	s0 =	sld [smem:$0x3F93];
	_ =	swait.ge [sflag:s4], $0x0  }
0x19: {  	s7 =	sld [smem:$0x3F94]  }
0x1a: {  	s8 =	sadd.s32 $0xFFFFE003, lr  }
0x1b: {  	s9 =	sadd.s32 $0xFFFFFEF7, lr;
	s5 =	simm.s32 $0xFFFFFFFF;
	p2 =	slt.u32 s8, $0xFFFFF086  }
0x1c: {  	p1 =	slt.u32 s9, $0xF7A;
	s5 =	simm.s32 @!p2 $0x0  }
0x1d: {  	s5 =	simm.s32 @p1 $0x1;
	p0 =	seq.s32 s7, s2  }
0x1e: {  	s7 =	smul.u32 @!p0 $0xF7A, s2;
	p2 =	seq.s32 @!p0 s5, $0x0  }
0x1f: {  	s9 =	smul.u32 $0xF7A, s1;
	s8 =	simm.s32 @!p0 $0x1BF5;
	p2 =	por !p2, p0  }
0x20: {  	[sflag:s8] =	ssyncset.s32 @!p0 $0xFFFFF086;
	s6 =	sadd.s32 @!p0 s3, s7;
	s7 =	simm.s32 @!p0 $0x108  }
0x21: {  	s3 =	sadd.s32 s3, s9;
	s6 =	sadd.s32 @!p0 $0x88, s6;
	s7 =	simm.s32 @p2 $0x1082  }
0x22: {  	[simem:s7], [sflag:s8] =	dma.local @!p0 [hbm:s6], $0xF7A  }
0x23: {  	s9 =	sor.u32 $0xD0000000, s2;
	s6 =	simm.s32 $0x108;
	_ =	swait.ge @!p0 [sflag:s8], $0x0  }
0x24: {  	s3 =	sadd.s32 $0x88, s3;
	s6 =	simm.s32 @!p1 $0x1082;
	[sflag:s4] =	ssyncset.s32 $0xFFFFF086  }
0x25: {  	[simem:s6], [sflag:s4] =	dma.local [hbm:s3], $0xF7A  }
0x26: {  	[smem:$0x3F94] =	sst s1;
	(tag) =	ssettag s2;
	_ =	strace s9  }
0x27: {  	s1 =	sld [smem:$0x3FA4]  }
0x28: {  	s2 =	sld [smem:$0x3FA5]  }
0x29: {  	s4 =	sld [smem:$0x3FA7]  }
0x2a: {  	p0 =	seq.s32 s5, $0x0;
	s5 =	sld [smem:$0x3FA8]  }
0x2b: {  	s6 =	sld [smem:$0x3FA9]  }
0x2c: {  	s7 =	sld [smem:$0x3FAA]  }
0x2d: {  	s3 =	simm.s32 $0x108;
	s8 =	sld [smem:$0x3FAB]  }
0x2e: {  	s3 =	simm.s32 @!p0 $0x1082;
	s9 =	sld [smem:$0x3FAC]  }
0x2f: {  	lr =	sadd.s32 s0, s3;
	s0 =	sld [smem:$0x3FA3]  }
0x30: {  	s3 =	sld [smem:$0x3FA6]  }
0x31: {  	[smem:$0x3FAF] =	sst s10  }
0x32: {  	s10 =	sld [smem:$0x3FAD];
	_ =	sdelay $0x3  }
0x33: {  	p0 =	seq.s32 s10, $0x1;
	s10 =	sld [smem:$0x3FAF];
	_ =	sdelay $0x3  }
0x34: {  	[smem:$0x3FAF] =	sst s10  }
0x35: {  	s10 =	sld [smem:$0x3FAE];
	_ =	sdelay $0x3  }
0x36: {  	p1 =	seq.s32 s10, $0x1;
	s10 =	sld [smem:$0x3FAF];
	_ =	sdelay $0x3  }
0x37: {  	[smem:$0x3FAF] =	sst s10  }
0x38: {  	s10 =	sld [smem:$0x3FB0]  }
0x39: {  	_ = 	snop;
	(pc) =	sbr.ind lr, $3  }
0x3a: {  	_ = 	snop  }
0x3b: {  	_ = 	snop  }
0x3c: {  	p2 =	seq.s32 s10, $0x1;
	s10 =	sld [smem:$0x3FAF]  }
0x3d: {  	_ =	shalt  }
0x3e: {  	_ =	shalt  }
0x3f: {  	_ =	shalt  }
0x40: {  	_ =	shalt  }
0x41: {  	_ =	shalt  }
0x42: {  	_ =	shalt  }
0x43: {  	_ =	shalt  }
0x44: {  	_ =	shalt  }
0x45: {  	_ =	shalt  }
0x46: {  	_ =	shalt  }
0x47: {  	_ =	shalt  }
0x48: {  	_ =	shalt  }
0x49: {  	_ =	shalt  }
0x4a: {  	_ =	shalt  }
0x4b: {  	_ =	shalt  }
0x4c: {  	_ =	shalt  }
0x4d: {  	_ =	shalt  }
0x4e: {  	_ =	shalt  }
0x4f: {  	_ =	shalt  }
0x50: {  	_ =	shalt  }
0x51: {  	_ =	shalt  }
0x52: {  	_ =	shalt  }
0x53: {  	_ =	shalt  }
0x54: {  	_ =	shalt  }
0x55: {  	_ =	shalt  }
0x56: {  	_ =	shalt  }
0x57: {  	_ =	shalt  }
0x58: {  	_ =	shalt  }
0x59: {  	_ =	shalt  }
0x5a: {  	_ =	shalt  }
0x5b: {  	_ =	shalt  }
0x5c: {  	_ =	shalt  }
0x5d: {  	_ =	shalt  }
0x5e: {  	_ =	shalt  }
0x5f: {  	_ =	shalt  }
0x60: {  	_ =	shalt  }
0x61: {  	_ =	shalt  }
0x62: {  	_ =	shalt  }
0x63: {  	_ =	shalt  }
0x64: {  	_ =	shalt  }
0x65: {  	_ =	shalt  }
0x66: {  	_ =	shalt  }
0x67: {  	_ =	shalt  }
0x68: {  	_ =	shalt  }
0x69: {  	_ =	shalt  }
0x6a: {  	_ =	shalt  }
0x6b: {  	_ =	shalt  }
0x6c: {  	_ =	shalt  }
0x6d: {  	_ =	shalt  }
0x6e: {  	_ =	shalt  }
0x6f: {  	_ =	shalt  }
0x70: {  	_ =	shalt  }
0x71: {  	_ =	shalt  }
0x72: {  	_ =	shalt  }
0x73: {  	_ =	shalt  }
0x74: {  	_ =	shalt  }
0x75: {  	_ =	shalt  }
0x76: {  	_ =	shalt  }
0x77: {  	_ =	shalt  }
0x78: {  	_ =	shalt  }
0x79: {  	_ =	shalt  }
0x7a: {  	_ =	shalt  }
0x7b: {  	_ =	shalt  }
0x7c: {  	_ =	shalt  }
0x7d: {  	_ =	shalt  }
0x7e: {  	_ =	shalt  }
0x7f: {  	_ =	shalt  }
0x80: {  	_ =	shalt  }
0x81: {  	_ =	shalt  }
0x82: {  	_ =	shalt  }
0x83: {  	_ =	shalt  }
0x84: {  	_ =	shalt  }
0x85: {  	_ =	shalt  }
0x86: {  	_ =	shalt  }
0x87: {  	_ =	shalt  }
.Lfunc_end0:
.L_simem_size_0:
called_computation_lowered:
.L_overlay_start_0:
0x88: {  	s2 =	sld [smem:$0x3FD9]  }
0x89: {  	s3 =	sld [smem:$0x3FFE];
	_ =	sdelay $0x1  }
0x8a: {  	s1 =	srdreg.scid  }
0x8b: {  	s0 =	sand.u32 $0x1, s1  }
0x8c: {  	s17 =	sshll.u32 s0, $0xA;
	s2 =	sadd.s32 s3, s2  }
0x8d: {  	s2 =	sadd.s32 s2, s17  }
0x8e: {  	[smem:$0x3FBB] =	sst s2  }
0x8f: {  	_ = 	snop  }
0x90: {  	(tm) =	ssettm $0x1  }
0x91: {  	s18 =	sld [smem:$0x3FFB];
	_ =	sdelay $0x3  }
0x92: {  	_ =	strace s18  }
0x93: {  	s2 =	sld [smem:$0x3FFC];
	_ =	sdelay $0x3  }
0x94: {  	_ =	strace s2  }
0x95: {  	s2 =	sld [smem:$0x3FFD];
	_ =	sdelay $0x3  }
0x96: {  	_ =	strace s2  }
0x97: {  	_ =	strace $0x8FFFFFFF  }
0x98: {  	s19 =	sld [smem:$0x3FDB];
	_ =	sdelay $0x1  }
0x99: {  	s20 =	simm.s32 $_scs_section_size  }
0x9a: {  	s4 =	simm.s32 $_size__tile_overlayer_lowered;
	s5 =	simm.s32 $_tile_overlayer_lowered  }
0x9b: {  	s6 =	simm.s32 $0x1BFF;
	s21 =	sshll.u32 s5, $0x1;
	s3 =	sadd.s32 s20, s19  }
0x9c: {  	s22 =	simm.s32 $0x0;
	s4 =	sshll.u32 s4, $0x1;
	s5 =	sadd.s32 s21, s3  }
0x9d: {  	[timem:s22], [sflag:s6] =	dma.local [hbm:s5], s4  }
0x9e: {  	_ =	swait.ge [sflag:s6], s4  }
0x9f: {  	s4 =	ssub.s32 $0x0, s4;
	[sflag:s6] =	ssyncset.done $0x0  }
0xa0: {  	[sflag:s6] =	ssyncadd.s32 s4;
	_ =	sdelay $0x1  }
0xa1: {  	s23 =	simm.s32 $0x1B8B  }
0xa2: {  	_ =	swait.ge [sflag:s23], $0x1  }
0xa3: {  	[sflag:s23] =	ssyncset.done $0x0  }
0xa4: {  	[sflag:s23] =	ssyncadd.s32 $0xFFFFFFFF  }
0xa5: {  	s4 =	sld [smem:$0x0]  }
0xa6: {  	s5 =	sand.u32 $0xFFFFFFFE, s1  }
0xa7: {  	p0 =	sne.s32 s1, s5  }
0xa8: {  	s5 =	sshll.u32 @p0 s5, $0xE  }
0xa9: {  	s5 =	sadd.s32 @p0 $0x11B8D, s5;
	s6 =	sshll.u32 @p0 s4, $0x11  }
0xaa: {  	s5 =	sor.u32 @p0 s6, s5  }
0xab: {  	[sflag:s5] =	ssyncadd.remote.s32 @p0 $0x1;
	_ =	sdelay $0x1  }
0xac: {  	s5 =	simm.s32 @p0 $0x1B8D  }
0xad: {  	_ =	swait.eq @p0 [sflag:s5], $0x1  }
0xae: {  	[sflag:s5] =	ssyncadd.s32 @p0 $0xFFFFFFFF  }
0xaf: {  	s6 =	sshll.u32 @!p0 s1, $0xE  }
0xb0: {  	s6 =	sor.u32 @!p0 $0x4000, s6;
	s5 =	simm.s32 @!p0 $0x1B8D  }
0xb1: {  	s4 =	sshll.u32 @!p0 s4, $0x11;
	s6 =	sadd.s32 @!p0 $0x11B8D, s6;
	_ =	swait.eq @!p0 [sflag:s5], $0x1  }
0xb2: {  	s4 =	sor.u32 @!p0 s4, s6;
	[sflag:s5] =	ssyncadd.s32 @!p0 $0xFFFFFFFF  }
0xb3: {  	s25 =	simm.s32 $0x1B8E;
	s24 =	sld [smem:$0x3FFE];
	[sflag:s4] =	ssyncadd.remote.s32 @!p0 $0x1  }
0xb4: {  	s26 =	simm.s32 $execute0_lowered;
	[smem:$0x3FD2] =	sst s25  }
0xb5: {  	s5 =	sshll.u32 s26, $0x1;
	_ =	strace $0x80000049;
	[dreg:$0x1] =	wrdreg $0xFFFFFFFF  }
0xb6: {  	s28 =	simm.s32 $_size_execute0_lowered;
	s3 =	sadd.s32 s3, s5;
	[dreg:$0x0] =	wrdreg $0x0  }
0xb7: {  	s5 =	sshll.u32 s28, $0x1;
	[dreg:$0x2] =	wrdreg s3  }
0xb8: {  	[dreg:$0x3] =	wrdreg s5  }
0xb9: {  	[dreg:$0x4] =	wrdreg $0xC0  }
0xba: {  	_ =	task [dreg:s22], $0x5FFFF  }
0xbb: {  	[dreg:$0x1] =	wrdreg $0xFFFFFFFF  }
0xbc: {  	[dreg:$0x0] =	wrdreg $0x60  }
0xbd: {  	[dreg:$0x2] =	wrdreg s24  }
0xbe: {  	[dreg:$0x3] =	wrdreg $0x0  }
0xbf: {  	[dreg:$0x4] =	wrdreg $0x9  }
0xc0: {  	_ =	task.clear_ibuf [dreg:s22], $0x5FFFF;
	_ =	strace $0x90000049  }
0xc1: {  	s29 =	simm.s32 $0x9;
	_ =	strace $0x8000004B  }
0xc2: {  	_ =	swait.ge [sflag:s29], $0x1  }
0xc3: {  	[sflag:s29] =	ssyncadd.s32 $0xFFFFFFFF  }
0xc4: {  	_ =	strace $0x9000004B  }
0xc5: {  	_ =	sfence  }
0xc6: {  	s30 =	sld [smem:$0x0];
	_ =	sdelay $0x2  }
0xc7: {  	s31 =	sshll.u32 s1, $0xD;
	s1 =	sshrl.u32 s1, $0x2  }
0xc8: {  	s4 =	sand.u32 $0x4000, s31;
	s1 =	sadd.s32 s1, s30  }
0xc9: {  	s0 =	sor.u32 s4, s0;
	s1 =	sshll.u32 s1, $0x11  }
0xca: {  	s0 =	sor.u32 s1, s0  }
0xcb: {  	s0 =	sadd.s32 $0x8F2B, s0  }
0xcc: {  	[sflag:s0] =	ssyncadd.remote.s32 $0x1  }
0xcd: {  	_ =	sfence.sel $0xFFFF  }
0xce: {  	[dreg:$0x0] =	wrdreg $0xFFFFFFFF;
	(pc) =	sbr.abs _section_cstart, $3  }
0xcf: {  	[dreg:$0x1] =	wrdreg $0xFFFFFFFF  }
0xd0: {  	_ =	task.clear_ibuf [dreg:s22], $0x2FFFF;
	_ =	strace $0x9FFFFFFF  }
0xd1: {  	(tm) =	ssettm $0x7FFFFFFF  }
tec
execute0_lowered:
.L_overlay_start_1:
0x0: {  	(tag) =	ssettag $0x1  }
0x1: {  	s0 =	srdreg.scid;
	s1 =	rddreg [dreg:$0x0]  }
0x2: {  	s9 =	stileid.u32;
	s2 =	rddreg [dreg:$0x1];
	s3 =	simm.s32 $0x0  }
0x3: {  	s10 =	simm.s32 $0x2;
	s11 =	simm.s32 $0x6200;
	s12 =	simm.s32 $0x6600  }
0x4: {  	s13 =	simm.s32 $0x1;
	s14 =	simm.s32 $0x80;
	s15 =	simm.s32 $0x6280  }
0x5: {  	s16 =	simm.s32 $0x6A00;
	s17 =	simm.s32 $0x6300;
	s28 =	simm.s32 $0x6500  }
0x6: {  	s29 =	simm.s32 $0x7E00;
	s30 =	simm.s32 $0x6580;
	s5 =	smul.u32 $0x6400, s9  }
0x7: {  	s31 =	simm.s32 $0x8200;
	s0 =	sand.u32 $0x1, s0;
	s18 =	smul.u32 $0x18800, s9  }
0x8: {  	[smem:$0x7FF] =	sst s3;
	s7 =	sadd.s32 $0x17F800, s1;
	s20 =	smul.u32 $0x61C0, s9  }
0x9: {  	s22 =	sshll.u32 s9, $0x6;
	s4 =	smul.u32 $0x64000, s0;
	_ =	strace $0x8000004A  }
0xa: {  	s6 =	smul.u32 $0xC380, s0;
	[dreg:$0x3] =	wrdreg s7;
	s0 =	ssub.s32 $0x2, s0  }
0xb: {  	s19 =	sshrl.u32 s0, $0x1;
	s23 =	sshrl.u32 s20, $0x3;
	s25 =	sadd.s32 s20, s2  }
0xc: {  	s20 =	simm.s32 $0x7200;
	s4 =	sadd.s32 s5, s4;
	s0 =	ssub.s32 s0, s19  }
0xd: {  	s19 =	simm.s32 $0x6380;
	s25 =	sshrl.u32 s25, $0x3;
	s5 =	sshrl.u32 s4, $0x3  }
0xe: {  	s4 =	sadd.s32 s4, s1;
	s0 =	smax.u32 s0, $0x1;
	s8 =	sadd.s32 s5, s1  }
0xf: {  	s1 =	sadd.s32 s6, s1;
	s5 =	sshrl.u32 s18, $0x2;
	[dreg:$0x4] =	wrdreg s0  }
0x10: {  	s7 =	sadd.s32 $0xB7800, s4;
	s18 =	simm.s32 $0x6E00;
	s21 =	sadd.s32 s5, s2  }
0x11: {  	s5 =	sor.u32 $0x1C02, s22;
	s1 =	sadd.s32 $0x180600, s1;
	s8 =	sadd.s32 $0x69400, s8  }
0x12: {  	s22 =	simm.s32 $0x7600;
	s24 =	sshrl.u32 s21, $0x3;
	s21 =	simm.s32 $0x6400  }
0x13: {  	s26 =	sadd.s32 s23, s1;
	s1 =	simm.s32 $0x0;
	[dreg:$0x5] =	wrdreg s24  }
0x14: {  	[dreg:$0x6] =	wrdreg s26;
	s24 =	simm.s32 $0x6480;
	s26 =	simm.s32 $0x7A00  }
.LBB2_1:
0x15: {  	s0 =	rddreg [dreg:$0x3]  }
0x16: {  	s4 =	rddreg [dreg:$0x5]  }
0x17: {  	[spmem:s4], [sflag:s5] =	dma.local [hbm:s0], $0xC40  }
0x18: {  	_ =	swait.ge [sflag:s10], $0xC40  }
0x19: {  	[sflag:s10] =	ssyncset.done $0x0  }
0x1a: {  	[sflag:s10] =	ssyncadd.s32 $0xFFFFF3C0  }
0x1b: {  	s23 =	sadd.s32 $0x0, s8;
	[bflag:$0x0] =	sbarrier.arrive $0xFFFF  }
0x1c: {  	[tilespmem:s11], [sflag:$0x2] =	stream.linear.gather [hbm4b:s23+s3], $0x400, $0x38;
	[tilespmem:$0x8600] =	vst v63  }
0x1d: {  	_ =	swait.ge [sflag:s10], $0x400  }
0x1e: {  	[sflag:s10] =	ssyncset.done $0x0  }
0x1f: {  	[sflag:s10] =	ssyncadd.s32 $0xFFFFFC00  }
0x20: {  	[tilespmem:s12], [sflag:$0x1] =	stream.linear.gather [hbm4b:s7+s3], $0x2000, $0x38;
	[tilespmem:$0x8600] =	vst v63  }
0x21: {  	_ =	swait.ge [sflag:s13], $0x2000  }
0x22: {  	[sflag:s13] =	ssyncset.done $0x0  }
0x23: {  	[sflag:s13] =	ssyncadd.s32 $0xFFFFE000  }
0x24: {  	[spmem:s2] =	stream.indirect.scatter.add.f32 [tilespmem:s12], [sflag:$0x2], $0x8, s11, s14, $0xb8;
	[tilespmem:$0x8600] =	vst v63  }
0x25: {  	_ =	swait.ge [sflag:s10], $0x400  }
0x26: {  	[sflag:s10] =	ssyncset.done $0x0  }
0x27: {  	[sflag:s10] =	ssyncadd.s32 $0xFFFFFC00  }
0x28: {  	[spmem:s2] =	stream.indirect.scatter.add.f32 [tilespmem:s16], [sflag:$0x2], $0x8, s15, s14, $0xb8;
	[tilespmem:$0x8600] =	vst v63  }
0x29: {  	_ =	swait.ge [sflag:s10], $0x400  }
0x2a: {  	[sflag:s10] =	ssyncset.done $0x0  }
0x2b: {  	[sflag:s10] =	ssyncadd.s32 $0xFFFFFC00  }
0x2c: {  	[spmem:s2] =	stream.indirect.scatter.add.f32 [tilespmem:s18], [sflag:$0x2], $0x8, s17, s14, $0xb8;
	[tilespmem:$0x8600] =	vst v63  }
0x2d: {  	_ =	swait.ge [sflag:s10], $0x400  }
0x2e: {  	[sflag:s10] =	ssyncset.done $0x0  }
0x2f: {  	[sflag:s10] =	ssyncadd.s32 $0xFFFFFC00  }
0x30: {  	[spmem:s2] =	stream.indirect.scatter.add.f32 [tilespmem:s20], [sflag:$0x2], $0x8, s19, s14, $0xb8;
	[tilespmem:$0x8600] =	vst v63  }
0x31: {  	_ =	swait.ge [sflag:s10], $0x400  }
0x32: {  	[sflag:s10] =	ssyncset.done $0x0  }
0x33: {  	[sflag:s10] =	ssyncadd.s32 $0xFFFFFC00  }
0x34: {  	[spmem:s2] =	stream.indirect.scatter.add.f32 [tilespmem:s22], [sflag:$0x2], $0x8, s21, s14, $0xb8;
	[tilespmem:$0x8600] =	vst v63  }
0x35: {  	_ =	swait.ge [sflag:s10], $0x400  }
0x36: {  	[sflag:s10] =	ssyncset.done $0x0  }
0x37: {  	[sflag:s10] =	ssyncadd.s32 $0xFFFFFC00  }
0x38: {  	[spmem:s2] =	stream.indirect.scatter.add.f32 [tilespmem:s26], [sflag:$0x2], $0x8, s24, s14, $0xb8;
	[tilespmem:$0x8600] =	vst v63  }
0x39: {  	_ =	swait.ge [sflag:s10], $0x400  }
0x3a: {  	[sflag:s10] =	ssyncset.done $0x0  }
0x3b: {  	[sflag:s10] =	ssyncadd.s32 $0xFFFFFC00  }
0x3c: {  	[spmem:s2] =	stream.indirect.scatter.add.f32 [tilespmem:s29], [sflag:$0x2], $0x8, s28, s14, $0xb8;
	[tilespmem:$0x8600] =	vst v63  }
0x3d: {  	_ =	swait.ge [sflag:s10], $0x400  }
0x3e: {  	[sflag:s10] =	ssyncset.done $0x0  }
0x3f: {  	[sflag:s10] =	ssyncadd.s32 $0xFFFFFC00  }
0x40: {  	[spmem:s2] =	stream.indirect.scatter.add.f32 [tilespmem:s31], [sflag:$0x2], $0x8, s30, s14, $0xb8;
	[tilespmem:$0x8600] =	vst v63  }
0x41: {  	s6 =	simm.s32 $0x100;
	_ =	swait.ge [sflag:s10], $0x400  }
0x42: {  	s4 =	simm.s32 $0x80;
	s0 =	sadd.s32 $0x400, s7;
	[sflag:s10] =	ssyncset.done $0x0  }
.LBB2_2:
0x43: {  	s23 =	sadd.s32 s4, s8  }
0x44: {  	[sflag:s10] =	ssyncadd.s32 $0xFFFFFC00;
	s4 =	smov.u32 s6;
	s9 =	sadd.s32 $0x80, s6  }
0x45: {  	[tilespmem:s11], [sflag:$0x2] =	stream.linear.gather [hbm4b:s23+s3], $0x400, $0x38;
	[tilespmem:$0x8600] =	vst v63  }
0x46: {  	p0 =	sne.s32 s6, $0xC00;
	_ =	swait.ge [sflag:s10], $0x400  }
0x47: {  	[sflag:s10] =	ssyncset.done $0x0  }
0x48: {  	[sflag:s10] =	ssyncadd.s32 $0xFFFFFC00  }
0x49: {  	[tilespmem:s12], [sflag:$0x1] =	stream.linear.gather [hbm4b:s0+s3], $0x2000, $0x38;
	[tilespmem:$0x8600] =	vst v63  }
0x4a: {  	_ =	swait.ge [sflag:s13], $0x2000  }
0x4b: {  	[sflag:s13] =	ssyncset.done $0x0  }
0x4c: {  	[sflag:s13] =	ssyncadd.s32 $0xFFFFE000  }
0x4d: {  	[spmem:s2] =	stream.indirect.scatter.add.f32 [tilespmem:s12], [sflag:$0x2], $0x8, s11, s14, $0xb8;
	[tilespmem:$0x8600] =	vst v63  }
0x4e: {  	_ =	swait.ge [sflag:s10], $0x400  }
0x4f: {  	[sflag:s10] =	ssyncset.done $0x0  }
0x50: {  	[sflag:s10] =	ssyncadd.s32 $0xFFFFFC00  }
0x51: {  	[spmem:s2] =	stream.indirect.scatter.add.f32 [tilespmem:s16], [sflag:$0x2], $0x8, s15, s14, $0xb8;
	[tilespmem:$0x8600] =	vst v63  }
0x52: {  	_ =	swait.ge [sflag:s10], $0x400  }
0x53: {  	[sflag:s10] =	ssyncset.done $0x0  }
0x54: {  	[sflag:s10] =	ssyncadd.s32 $0xFFFFFC00  }
0x55: {  	[spmem:s2] =	stream.indirect.scatter.add.f32 [tilespmem:s18], [sflag:$0x2], $0x8, s17, s14, $0xb8;
	[tilespmem:$0x8600] =	vst v63  }
0x56: {  	_ =	swait.ge [sflag:s10], $0x400  }
0x57: {  	[sflag:s10] =	ssyncset.done $0x0  }
0x58: {  	[sflag:s10] =	ssyncadd.s32 $0xFFFFFC00  }
0x59: {  	[spmem:s2] =	stream.indirect.scatter.add.f32 [tilespmem:s20], [sflag:$0x2], $0x8, s19, s14, $0xb8;
	[tilespmem:$0x8600] =	vst v63  }
0x5a: {  	_ =	swait.ge [sflag:s10], $0x400  }
0x5b: {  	[sflag:s10] =	ssyncset.done $0x0  }
0x5c: {  	[sflag:s10] =	ssyncadd.s32 $0xFFFFFC00  }
0x5d: {  	[spmem:s2] =	stream.indirect.scatter.add.f32 [tilespmem:s22], [sflag:$0x2], $0x8, s21, s14, $0xb8;
	[tilespmem:$0x8600] =	vst v63  }
0x5e: {  	_ =	swait.ge [sflag:s10], $0x400  }
0x5f: {  	[sflag:s10] =	ssyncset.done $0x0  }
0x60: {  	[sflag:s10] =	ssyncadd.s32 $0xFFFFFC00  }
0x61: {  	[spmem:s2] =	stream.indirect.scatter.add.f32 [tilespmem:s26], [sflag:$0x2], $0x8, s24, s14, $0xb8;
	[tilespmem:$0x8600] =	vst v63  }
0x62: {  	_ =	swait.ge [sflag:s10], $0x400  }
0x63: {  	[sflag:s10] =	ssyncset.done $0x0  }
0x64: {  	[sflag:s10] =	ssyncadd.s32 $0xFFFFFC00  }
0x65: {  	[spmem:s2] =	stream.indirect.scatter.add.f32 [tilespmem:s29], [sflag:$0x2], $0x8, s28, s14, $0xb8;
	[tilespmem:$0x8600] =	vst v63  }
0x66: {  	_ =	swait.ge [sflag:s10], $0x400  }
.Ltmp0:
0x67: {  	[sflag:s10] =	ssyncset.done $0x0;
	(pc) =	sbr.rel @p0 .LBB2_2-.Ltmp0, $4  }
0x68: {  	[sflag:s10] =	ssyncadd.s32 $0xFFFFFC00  }
0x69: {  	[spmem:s2] =	stream.indirect.scatter.add.f32 [tilespmem:s31], [sflag:$0x2], $0x8, s30, s14, $0xb8;
	[tilespmem:$0x8600] =	vst v63  }
0x6a: {  	_ =	swait.ge [sflag:s10], $0x400  }
0x6b: {  	s6 =	smov.u32 s9;
	s0 =	sadd.s32 $0x400, s0;
	[sflag:s10] =	ssyncset.done $0x0  }
0x6c: {  	s4 =	sadd.s32 s4, s8;
	[sflag:s10] =	ssyncadd.s32 $0xFFFFFC00  }
0x6d: {  	[tilespmem:s11], [sflag:$0x2] =	stream.linear.gather [hbm4b:s4+s3], $0x400, $0x38;
	[tilespmem:$0x8600] =	vst v63  }
0x6e: {  	_ =	swait.ge [sflag:s10], $0x400  }
0x6f: {  	[sflag:s10] =	ssyncset.done $0x0  }
0x70: {  	[sflag:s10] =	ssyncadd.s32 $0xFFFFFC00  }
0x71: {  	[tilespmem:s12], [sflag:$0x1] =	stream.linear.gather [hbm4b:s0+s3], $0x2000, $0x38;
	[tilespmem:$0x8600] =	vst v63  }
0x72: {  	_ =	swait.ge [sflag:s13], $0x2000  }
0x73: {  	[sflag:s13] =	ssyncset.done $0x0  }
0x74: {  	[sflag:s13] =	ssyncadd.s32 $0xFFFFE000  }
0x75: {  	[spmem:s2] =	stream.indirect.scatter.add.f32 [tilespmem:s12], [sflag:$0x2], $0x8, s11, s14, $0xb8;
	[tilespmem:$0x8600] =	vst v63  }
0x76: {  	_ =	swait.ge [sflag:s10], $0x400  }
0x77: {  	[sflag:s10] =	ssyncset.done $0x0  }
0x78: {  	[sflag:s10] =	ssyncadd.s32 $0xFFFFFC00  }
0x79: {  	[spmem:s2] =	stream.indirect.scatter.add.f32 [tilespmem:s16], [sflag:$0x2], $0x8, s15, s14, $0xb8;
	[tilespmem:$0x8600] =	vst v63  }
0x7a: {  	_ =	swait.ge [sflag:s10], $0x400  }
0x7b: {  	[sflag:s10] =	ssyncset.done $0x0  }
0x7c: {  	[sflag:s10] =	ssyncadd.s32 $0xFFFFFC00  }
0x7d: {  	[spmem:s2] =	stream.indirect.scatter.add.f32 [tilespmem:s18], [sflag:$0x2], $0x8, s17, s14, $0xb8;
	[tilespmem:$0x8600] =	vst v63  }
0x7e: {  	_ =	swait.ge [sflag:s10], $0x400  }
0x7f: {  	[sflag:s10] =	ssyncset.done $0x0  }
0x80: {  	[sflag:s10] =	ssyncadd.s32 $0xFFFFFC00  }
0x81: {  	[spmem:s2] =	stream.indirect.scatter.add.f32 [tilespmem:s20], [sflag:$0x2], $0x8, s19, s14, $0xb8;
	[tilespmem:$0x8600] =	vst v63  }
0x82: {  	_ =	swait.ge [sflag:s10], $0x400  }
0x83: {  	[sflag:s10] =	ssyncset.done $0x0  }
0x84: {  	[sflag:s10] =	ssyncadd.s32 $0xFFFFFC00  }
0x85: {  	[spmem:s2] =	stream.indirect.scatter.add.f32 [tilespmem:s22], [sflag:$0x2], $0x8, s21, s14, $0xb8;
	[tilespmem:$0x8600] =	vst v63  }
0x86: {  	_ =	swait.ge [sflag:s10], $0x400  }
0x87: {  	[sflag:s10] =	ssyncset.done $0x0  }
0x88: {  	[sflag:s10] =	ssyncadd.s32 $0xFFFFFC00  }
0x89: {  	[spmem:s2] =	stream.indirect.scatter.add.f32 [tilespmem:s26], [sflag:$0x2], $0x8, s24, s14, $0xb8;
	[tilespmem:$0x8600] =	vst v63  }
0x8a: {  	_ =	swait.ge [sflag:s10], $0x400  }
0x8b: {  	[sflag:s10] =	ssyncset.done $0x0  }
0x8c: {  	[sflag:s10] =	ssyncadd.s32 $0xFFFFFC00  }
0x8d: {  	[spmem:s2] =	stream.indirect.scatter.add.f32 [tilespmem:s29], [sflag:$0x2], $0x8, s28, s14, $0xb8;
	[tilespmem:$0x8600] =	vst v63  }
0x8e: {  	_ =	swait.ge [sflag:s10], $0x400  }
0x8f: {  	[sflag:s10] =	ssyncset.done $0x0  }
0x90: {  	[sflag:s10] =	ssyncadd.s32 $0xFFFFFC00  }
0x91: {  	[spmem:s2] =	stream.indirect.scatter.add.f32 [tilespmem:s31], [sflag:$0x2], $0x8, s30, s14, $0xb8;
	[tilespmem:$0x8600] =	vst v63  }
0x92: {  	_ =	swait.ge [sflag:s10], $0x400  }
0x93: {  	[sflag:s10] =	ssyncset.done $0x0  }
0x94: {  	[sflag:s10] =	ssyncadd.s32 $0xFFFFFC00  }
0x95: {  	[bflag:$0x0] =	sbarrier.arrive $0xFFFF  }
0x96: {  	s9 =	rddreg [dreg:$0x6]  }
0x97: {  	[hbm:s9], [sflag:s5] =	dma.local [spmem:s25], $0xC38  }
0x98: {  	_ =	swait.ge [sflag:s10], $0xC38  }
0x99: {  	s1 =	sadd.s32 $0x1, s1;
	s23 =	rddreg [dreg:$0x4]  }
0x9a: {  	p0 =	sne.s32 s1, s23  }
.Ltmp1:
0x9b: {  	_ = 	snop;
	(pc) =	sbr.rel @p0 .LBB2_1-.Ltmp1, $3  }
0x9c: {  	_ =	sdelay $0x1  }
0x9d: {  	[sflag:s10] =	ssyncset.done $0x0  }
0x9e: {  	[sflag:s10] =	ssyncadd.s32 $0xFFFFF3C8  }
0x9f: {  	_ =	sfence.sel $0x180000  }
0xa0: {  	[bflag:$0x0] =	sbarrier.arrive $0xFFFF  }
0xa1: {  	_ =	strace $0x9000004A  }
0xa2: {  	s0 =	stileid.u32;
	[bflag:$0x2] =	sbarrier.arrive $0xFFFF  }
0xa3: {  	p0 =	sne.s32 s0, $0x0;
	s0 =	rddreg [dreg:$0x2]  }
0xa4: {  	s0 =	sadd.s32 @!p0 $0x100000, s0  }
0xa5: {  	[sflag:s0] =	ssyncadd.tile.s32 @!p0 $0x1;
	_ =	shalt  }
.Lfunc_end2:
_tile_overlayer_lowered:
.L_overlay_start_2:
0xa6: {  	(tag) =	ssettag $0x2  }
0xa7: {  	s0 =	rddreg [dreg:$0x0];
	s2 =	stileid.u32  }
0xa8: {  	s1 =	rddreg [dreg:$0x1];
	p0 =	sne.s32 s2, $0x0  }
0xa9: {  	s3 =	rddreg [dreg:$0x2];
	[bflag:$0x3] =	sbarrier.arrive $0xFFFF;
	s2 =	simm.s32 @!p0 $0x1C02  }
0xaa: {  	[timem:s3], [sflag:s2] =	dma.local @!p0 [hbm:s0], s1  }
0xab: {  	s0 =	simm.s32 @!p0 $0x2  }
0xac: {  	_ =	swait.ge @!p0 [sflag:s0], s1  }
0xad: {  	s1 =	ssub.s32 @!p0 $0x0, s1;
	[sflag:s0] =	ssyncset.done @!p0 $0x0  }
0xae: {  	[sflag:s0] =	ssyncadd.s32 @!p0 s1  }
0xaf: {  	[bflag:$0x3] =	sbarrier.arrive $0xFFFF  }
0xb0: {  	_ =	shalt  }

// kernel: kernel.16.cloned.1.call-start
scs
__scs_entry_jumppad:
0x0: {  	(pc) =	sbr.rel $0x88, $3  }
0x1: {  	(tag) =	ssettag $0x0;
	lr =	simm.s32 $0x1  }
0x2: {  	[smem:$0x3F94] =	sst lr;
	_ =	strace $0xD0000000  }
0x3: {  	_ = 	snop  }
0x4: {  	_ = 	snop  }
0x5: {  	_ = 	snop  }
0x6: {  	_ = 	snop  }
0x7: {  	_ = 	snop  }
__scs_overlays_trampoline_lowered:
0x8: {  	[smem:$0x3FA3] =	sst s0  }
0x9: {  	[smem:$0x3FA4] =	sst s1  }
0xa: {  	[smem:$0x3FA5] =	sst s2  }
0xb: {  	[smem:$0x3FA6] =	sst s3  }
0xc: {  	[smem:$0x3FA7] =	sst s4  }
0xd: {  	[smem:$0x3FA8] =	sst s5  }
0xe: {  	[smem:$0x3FA9] =	sst s6  }
0xf: {  	[smem:$0x3FAA] =	sst s7  }
0x10: {  	[smem:$0x3FAB] =	sst s8  }
0x11: {  	[smem:$0x3FAC] =	sst s9;
	s0 =	simm.s32 @!p0 $0x0  }
0x12: {  	s1 =	sld [smem:$0x3F92];
	s0 =	simm.s32 @p0 $0x1  }
0x13: {  	[smem:$0x3FAD] =	sst s0;
	s0 =	simm.s32 @!p1 $0x0  }
0x14: {  	s2 =	sld [smem:$0x3F91];
	s0 =	simm.s32 @p1 $0x1  }
0x15: {  	[smem:$0x3FAE] =	sst s0;
	s0 =	simm.s32 @!p2 $0x0  }
0x16: {  	s3 =	sld [smem:$0x3FDB];
	s0 =	simm.s32 @p2 $0x1  }
0x17: {  	s4 =	simm.s32 $0x1BF5;
	[smem:$0x3FB0] =	sst s0  }
0x18: {  	s0 =	sld [smem:$0x3F93];
	_ =	swait.ge [sflag:s4], $0x0  }
0x19: {  	s7 =	sld [smem:$0x3F94]  }
0x1a: {  	s8 =	sadd.s32 $0xFFFFE003, lr  }
0x1b: {  	s9 =	sadd.s32 $0xFFFFFEF7, lr;
	s5 =	simm.s32 $0xFFFFFFFF;
	p2 =	slt.u32 s8, $0xFFFFF086  }
0x1c: {  	p1 =	slt.u32 s9, $0xF7A;
	s5 =	simm.s32 @!p2 $0x0  }
0x1d: {  	s5 =	simm.s32 @p1 $0x1;
	p0 =	seq.s32 s7, s2  }
0x1e: {  	s7 =	smul.u32 @!p0 $0xF7A, s2;
	p2 =	seq.s32 @!p0 s5, $0x0  }
0x1f: {  	s9 =	smul.u32 $0xF7A, s1;
	s8 =	simm.s32 @!p0 $0x1BF5;
	p2 =	por !p2, p0  }
0x20: {  	[sflag:s8] =	ssyncset.s32 @!p0 $0xFFFFF086;
	s6 =	sadd.s32 @!p0 s3, s7;
	s7 =	simm.s32 @!p0 $0x108  }
0x21: {  	s3 =	sadd.s32 s3, s9;
	s6 =	sadd.s32 @!p0 $0x88, s6;
	s7 =	simm.s32 @p2 $0x1082  }
0x22: {  	[simem:s7], [sflag:s8] =	dma.local @!p0 [hbm:s6], $0xF7A  }
0x23: {  	s9 =	sor.u32 $0xD0000000, s2;
	s6 =	simm.s32 $0x108;
	_ =	swait.ge @!p0 [sflag:s8], $0x0  }
0x24: {  	s3 =	sadd.s32 $0x88, s3;
	s6 =	simm.s32 @!p1 $0x1082;
	[sflag:s4] =	ssyncset.s32 $0xFFFFF086  }
0x25: {  	[simem:s6], [sflag:s4] =	dma.local [hbm:s3], $0xF7A  }
0x26: {  	[smem:$0x3F94] =	sst s1;
	(tag) =	ssettag s2;
	_ =	strace s9  }
0x27: {  	s1 =	sld [smem:$0x3FA4]  }
0x28: {  	s2 =	sld [smem:$0x3FA5]  }
0x29: {  	s4 =	sld [smem:$0x3FA7]  }
0x2a: {  	p0 =	seq.s32 s5, $0x0;
	s5 =	sld [smem:$0x3FA8]  }
0x2b: {  	s6 =	sld [smem:$0x3FA9]  }
0x2c: {  	s7 =	sld [smem:$0x3FAA]  }
0x2d: {  	s3 =	simm.s32 $0x108;
	s8 =	sld [smem:$0x3FAB]  }
0x2e: {  	s3 =	simm.s32 @!p0 $0x1082;
	s9 =	sld [smem:$0x3FAC]  }
0x2f: {  	lr =	sadd.s32 s0, s3;
	s0 =	sld [smem:$0x3FA3]  }
0x30: {  	s3 =	sld [smem:$0x3FA6]  }
0x31: {  	[smem:$0x3FAF] =	sst s10  }
0x32: {  	s10 =	sld [smem:$0x3FAD];
	_ =	sdelay $0x3  }
0x33: {  	p0 =	seq.s32 s10, $0x1;
	s10 =	sld [smem:$0x3FAF];
	_ =	sdelay $0x3  }
0x34: {  	[smem:$0x3FAF] =	sst s10  }
0x35: {  	s10 =	sld [smem:$0x3FAE];
	_ =	sdelay $0x3  }
0x36: {  	p1 =	seq.s32 s10, $0x1;
	s10 =	sld [smem:$0x3FAF];
	_ =	sdelay $0x3  }
0x37: {  	[smem:$0x3FAF] =	sst s10  }
0x38: {  	s10 =	sld [smem:$0x3FB0]  }
0x39: {  	_ = 	snop;
	(pc) =	sbr.ind lr, $3  }
0x3a: {  	_ = 	snop  }
0x3b: {  	_ = 	snop  }
0x3c: {  	p2 =	seq.s32 s10, $0x1;
	s10 =	sld [smem:$0x3FAF]  }
0x3d: {  	_ =	shalt  }
0x3e: {  	_ =	shalt  }
0x3f: {  	_ =	shalt  }
0x40: {  	_ =	shalt  }
0x41: {  	_ =	shalt  }
0x42: {  	_ =	shalt  }
0x43: {  	_ =	shalt  }
0x44: {  	_ =	shalt  }
0x45: {  	_ =	shalt  }
0x46: {  	_ =	shalt  }
0x47: {  	_ =	shalt  }
0x48: {  	_ =	shalt  }
0x49: {  	_ =	shalt  }
0x4a: {  	_ =	shalt  }
0x4b: {  	_ =	shalt  }
0x4c: {  	_ =	shalt  }
0x4d: {  	_ =	shalt  }
0x4e: {  	_ =	shalt  }
0x4f: {  	_ =	shalt  }
0x50: {  	_ =	shalt  }
0x51: {  	_ =	shalt  }
0x52: {  	_ =	shalt  }
0x53: {  	_ =	shalt  }
0x54: {  	_ =	shalt  }
0x55: {  	_ =	shalt  }
0x56: {  	_ =	shalt  }
0x57: {  	_ =	shalt  }
0x58: {  	_ =	shalt  }
0x59: {  	_ =	shalt  }
0x5a: {  	_ =	shalt  }
0x5b: {  	_ =	shalt  }
0x5c: {  	_ =	shalt  }
0x5d: {  	_ =	shalt  }
0x5e: {  	_ =	shalt  }
0x5f: {  	_ =	shalt  }
0x60: {  	_ =	shalt  }
0x61: {  	_ =	shalt  }
0x62: {  	_ =	shalt  }
0x63: {  	_ =	shalt  }
0x64: {  	_ =	shalt  }
0x65: {  	_ =	shalt  }
0x66: {  	_ =	shalt  }
0x67: {  	_ =	shalt  }
0x68: {  	_ =	shalt  }
0x69: {  	_ =	shalt  }
0x6a: {  	_ =	shalt  }
0x6b: {  	_ =	shalt  }
0x6c: {  	_ =	shalt  }
0x6d: {  	_ =	shalt  }
0x6e: {  	_ =	shalt  }
0x6f: {  	_ =	shalt  }
0x70: {  	_ =	shalt  }
0x71: {  	_ =	shalt  }
0x72: {  	_ =	shalt  }
0x73: {  	_ =	shalt  }
0x74: {  	_ =	shalt  }
0x75: {  	_ =	shalt  }
0x76: {  	_ =	shalt  }
0x77: {  	_ =	shalt  }
0x78: {  	_ =	shalt  }
0x79: {  	_ =	shalt  }
0x7a: {  	_ =	shalt  }
0x7b: {  	_ =	shalt  }
0x7c: {  	_ =	shalt  }
0x7d: {  	_ =	shalt  }
0x7e: {  	_ =	shalt  }
0x7f: {  	_ =	shalt  }
0x80: {  	_ =	shalt  }
0x81: {  	_ =	shalt  }
0x82: {  	_ =	shalt  }
0x83: {  	_ =	shalt  }
0x84: {  	_ =	shalt  }
0x85: {  	_ =	shalt  }
0x86: {  	_ =	shalt  }
0x87: {  	_ =	shalt  }
.Lfunc_end0:
.L_simem_size_0:
called_computation.1_lowered:
.L_overlay_start_0:
0x88: {  	s2 =	sld [smem:$0x3FD9]  }
0x89: {  	s3 =	sld [smem:$0x3FFE];
	_ =	sdelay $0x1  }
0x8a: {  	s1 =	srdreg.scid  }
0x8b: {  	s0 =	sand.u32 $0x1, s1  }
0x8c: {  	s17 =	sshll.u32 s0, $0xA;
	s2 =	sadd.s32 s3, s2  }
0x8d: {  	s2 =	sadd.s32 s2, s17  }
0x8e: {  	[smem:$0x3FBB] =	sst s2  }
0x8f: {  	_ = 	snop  }
0x90: {  	s2 =	sld [smem:$0x3FD0];
	(tm) =	ssettm $0x1  }
0x91: {  	s18 =	sld [smem:$0x3FFB];
	_ =	sdelay $0x3  }
0x92: {  	_ =	strace s18  }
0x93: {  	s3 =	sld [smem:$0x3FFC];
	_ =	sdelay $0x3  }
0x94: {  	_ =	strace s3  }
0x95: {  	s3 =	sld [smem:$0x3FFD];
	_ =	sdelay $0x3  }
0x96: {  	_ =	strace s3  }
0x97: {  	_ =	strace $0x8FFFFFFF  }
0x98: {  	s19 =	sld [smem:$0x3FDB];
	_ =	sdelay $0x1  }
0x99: {  	s4 =	simm.s32 $_scs_section_size  }
0x9a: {  	s5 =	simm.s32 $_size__tile_overlayer_lowered;
	s6 =	simm.s32 $_tile_overlayer_lowered  }
0x9b: {  	s22 =	simm.s32 $0x1BFF;
	s21 =	sshll.u32 s6, $0x1;
	s3 =	sadd.s32 s4, s19  }
0x9c: {  	s7 =	simm.s32 $0x0;
	s20 =	sshll.u32 s5, $0x1;
	s5 =	sadd.s32 s21, s3  }
0x9d: {  	[timem:s7], [sflag:s22] =	dma.local [hbm:s5], s20  }
0x9e: {  	_ =	swait.ge [sflag:s22], s20  }
0x9f: {  	s4 =	ssub.s32 $0x0, s20;
	[sflag:s22] =	ssyncset.done $0x0  }
0xa0: {  	[sflag:s22] =	ssyncadd.s32 s4;
	_ =	sdelay $0x1  }
0xa1: {  	s23 =	simm.s32 $0x1B8B  }
0xa2: {  	_ =	swait.ge [sflag:s23], $0x1  }
0xa3: {  	[sflag:s23] =	ssyncset.done $0x0  }
0xa4: {  	s25 =	simm.s32 $0x1B8E;
	s24 =	sld [smem:$0x3FFE];
	[sflag:s23] =	ssyncadd.s32 $0xFFFFFFFF  }
0xa5: {  	s26 =	simm.s32 $execute0_lowered;
	[smem:$0x3FD2] =	sst s25  }
0xa6: {  	s5 =	sshll.u32 s26, $0x1;
	_ =	strace $0x80000046;
	[dreg:$0x1] =	wrdreg $0xFFFFFFFF  }
0xa7: {  	s28 =	simm.s32 $_size_execute0_lowered;
	s3 =	sadd.s32 s3, s5;
	[dreg:$0x0] =	wrdreg $0x0  }
0xa8: {  	s5 =	sshll.u32 s28, $0x1;
	[dreg:$0x2] =	wrdreg s3  }
0xa9: {  	[dreg:$0x3] =	wrdreg s5  }
0xaa: {  	[dreg:$0x4] =	wrdreg $0xC0  }
0xab: {  	_ =	task [dreg:s7], $0x5FFFF  }
0xac: {  	[dreg:$0x1] =	wrdreg $0xFFFFFFFF  }
0xad: {  	[dreg:$0x0] =	wrdreg $0x60  }
0xae: {  	[dreg:$0x2] =	wrdreg s24  }
0xaf: {  	[dreg:$0x3] =	wrdreg s2  }
0xb0: {  	[dreg:$0x4] =	wrdreg $0x0  }
0xb1: {  	[dreg:$0x5] =	wrdreg $0xA  }
0xb2: {  	_ =	task.clear_ibuf [dreg:s7], $0x6FFFF;
	_ =	strace $0x90000046  }
0xb3: {  	s29 =	simm.s32 $0xA;
	_ =	strace $0x80000048  }
0xb4: {  	_ =	swait.ge [sflag:s29], $0x1  }
0xb5: {  	[sflag:s29] =	ssyncadd.s32 $0xFFFFFFFF  }
0xb6: {  	_ =	strace $0x90000048  }
0xb7: {  	_ =	sfence  }
0xb8: {  	s30 =	sld [smem:$0x0];
	_ =	sdelay $0x2  }
0xb9: {  	s31 =	sshll.u32 s1, $0xD;
	s1 =	sshrl.u32 s1, $0x2  }
0xba: {  	s3 =	sand.u32 $0x4000, s31;
	s1 =	sadd.s32 s1, s30  }
0xbb: {  	s0 =	sor.u32 s3, s0;
	s1 =	sshll.u32 s1, $0x11  }
0xbc: {  	s0 =	sor.u32 s1, s0  }
0xbd: {  	s0 =	sadd.s32 $0x8F2B, s0  }
0xbe: {  	[sflag:s0] =	ssyncadd.remote.s32 $0x1  }
0xbf: {  	_ =	sfence.sel $0xFFFF  }
0xc0: {  	[dreg:$0x0] =	wrdreg $0xFFFFFFFF;
	(pc) =	sbr.abs _section_cstart, $3  }
0xc1: {  	[dreg:$0x1] =	wrdreg $0xFFFFFFFF  }
0xc2: {  	_ =	task.clear_ibuf [dreg:s7], $0x2FFFF;
	_ =	strace $0x9FFFFFFF  }
0xc3: {  	(tm) =	ssettm $0x7FFFFFFF  }
tec
execute0_lowered:
.L_overlay_start_1:
0x0: {  	(tag) =	ssettag $0x1  }
0x1: {  	s4 =	rddreg [dreg:$0x0]  }
0x2: {  	s8 =	rddreg [dreg:$0x1]  }
0x3: {  	s1 =	rddreg [dreg:$0x2]  }
0x4: {  	s0 =	rddreg [dreg:$0x3];
	s2 =	simm.s32 $0x0;
	s3 =	srdreg.scid  }
0x5: {  	s15 =	simm.s32 $0x19000;
	s16 =	simm.s32 $0x1;
	s5 =	sand.u32 $0x1, s3  }
0x6: {  	s17 =	simm.s32 $0x18A00;
	s3 =	stileid.u32;
	s6 =	smul.u32 $0x30D40, s5  }
0x7: {  	s18 =	simm.s32 $0x2;
	[smem:$0x7FF] =	sst s2;
	s7 =	smul.u32 $0x3200, s3  }
0x8: {  	s19 =	simm.s32 $0x18E00;
	_ =	strace $0x80000047;
	s10 =	smul.u32 $0x62000, s3  }
0x9: {  	s26 =	ssub.s32 $0x2, s5;
	s30 =	smul.u32 $0x30E00, s5;
	s31 =	sshll.u32 s3, $0x6  }
0xa: {  	s14 =	smul.u32 $0x18700, s3;
	s28 =	sshrl.u32 s26, $0x1;
	s5 =	sor.u32 $0x1C03, s31  }
0xb: {  	s9 =	sadd.s32 s6, s4;
	s11 =	sadd.s32 s7, s4;
	s4 =	sadd.s32 $0xB4400, s4  }
0xc: {  	s12 =	ssub.s32 s26, s28;
	s29 =	sshrl.u32 s10, $0x2;
	s20 =	sadd.s32 s8, s30  }
0xd: {  	s21 =	sshrl.u32 s14, $0x3;
	s22 =	sadd.s32 s14, s1;
	s14 =	simm.s32 $0x200  }
0xe: {  	s13 =	sadd.s32 s29, s1;
	s6 =	sadd.s32 $0x82400, s11;
	s7 =	sadd.s32 $0x7800, s9  }
0xf: {  	s8 =	smax.u32 s12, $0x1;
	s9 =	sadd.s32 $0x85580, s11;
	s11 =	simm.s32 $0x3  }
0x10: {  	s12 =	simm.s32 $0x18800;
	s20 =	sadd.s32 s21, s20;
	s21 =	sshrl.u32 s22, $0x3  }
0x11: {  	s22 =	simm.s32 $0x0;
	s10 =	sshrl.u32 s13, $0x3;
	s13 =	simm.s32 $0x18C00  }
.LBB2_1:
0x12: {  	[spmem:s10], [sflag:s5] =	dma.local [hbm:s4], $0x3100  }
0x13: {  	_ =	swait.ge [sflag:s11], $0x3100  }
0x14: {  	[sflag:s11] =	ssyncset.done $0x0  }
0x15: {  	[sflag:s11] =	ssyncadd.s32 $0xFFFFCF00  }
0x16: {  	[bflag:$0x0] =	sbarrier.arrive $0xFFFF  }
0x17: {  	[tilespmem:s12], [sflag:$0x3] =	stream.linear.gather [hbm4b:s6+s2], $0x400, $0x38;
	[tilespmem:$0x1D000] =	vst v63  }
0x18: {  	_ =	swait.ge [sflag:s11], $0x400  }
0x19: {  	s23 =	sadd.s32 $0xFFFFCF00, s6;
	[sflag:s11] =	ssyncset.done $0x0  }
0x1a: {  	s24 =	sadd.s32 $0x3180, s23;
	[sflag:s11] =	ssyncadd.s32 $0xFFFFFC00  }
0x1b: {  	[tilespmem:s13], [sflag:$0x2] =	stream.linear.gather [hbm4b:s24+s2], $0x400, $0x38;
	[tilespmem:$0x1D000] =	vst v63  }
0x1c: {  	_ = 	snop  }
0x1d: {  	[tilespmem:s15], [sflag:$0x1] =	stream.indirect.gather [hbm4b:s7+s14], $0x20, s12, s14, $0xb8;
	[tilespmem:$0x1D000] =	vst v63  }
0x1e: {  	_ =	swait.ge [sflag:s16], $0x4000  }
0x1f: {  	[sflag:s16] =	ssyncset.done $0x0  }
0x20: {  	[sflag:s16] =	ssyncadd.s32 $0xFFFFC000  }
0x21: {  	[spmem:s1] =	stream.indirect.scatter.add.f32 [tilespmem:s15], [sflag:$0x3], $0x20, s17, s14, $0xb8;
	[tilespmem:$0x1D000] =	vst v63  }
0x22: {  	_ =	swait.ge [sflag:s11], $0x4000  }
0x23: {  	[sflag:s11] =	ssyncset.done $0x0  }
0x24: {  	[sflag:s11] =	ssyncadd.s32 $0xFFFFC000  }
0x25: {  	_ =	swait.ge [sflag:s18], $0x400  }
0x26: {  	[sflag:s18] =	ssyncset.done $0x0  }
0x27: {  	s23 =	sadd.s32 $0x3200, s23;
	[sflag:s18] =	ssyncadd.s32 $0xFFFFFC00  }
0x28: {  	[tilespmem:s12], [sflag:$0x2] =	stream.linear.gather [hbm4b:s23+s2], $0x400, $0x38;
	[tilespmem:$0x1D000] =	vst v63  }
0x29: {  	_ = 	snop  }
0x2a: {  	[tilespmem:s15], [sflag:$0x1] =	stream.indirect.gather [hbm4b:s7+s14], $0x20, s13, s14, $0xb8;
	[tilespmem:$0x1D000] =	vst v63  }
0x2b: {  	_ =	swait.ge [sflag:s16], $0x4000  }
0x2c: {  	[sflag:s16] =	ssyncset.done $0x0  }
0x2d: {  	[sflag:s16] =	ssyncadd.s32 $0xFFFFC000  }
0x2e: {  	[spmem:s1] =	stream.indirect.scatter.add.f32 [tilespmem:s15], [sflag:$0x3], $0x20, s19, s14, $0xb8;
	[tilespmem:$0x1D000] =	vst v63  }
0x2f: {  	_ =	swait.ge [sflag:s11], $0x4000  }
0x30: {  	[sflag:s11] =	ssyncset.done $0x0  }
0x31: {  	[sflag:s11] =	ssyncadd.s32 $0xFFFFC000  }
0x32: {  	_ =	swait.ge [sflag:s18], $0x400  }
0x33: {  	s24 =	simm.s32 $0xFFFFD100;
	s23 =	sadd.s32 $0xFFFFD000, s6;
	[sflag:s18] =	ssyncset.done $0x0  }
.LBB2_2:
0x34: {  	s25 =	sadd.s32 $0x3180, s23  }
0x35: {  	[sflag:s18] =	ssyncadd.s32 $0xFFFFFC00;
	s26 =	smov.u32 s24;
	s28 =	sadd.s32 $0x100, s24  }
0x36: {  	[tilespmem:s13], [sflag:$0x2] =	stream.linear.gather [hbm4b:s25+s2], $0x400, $0x38;
	[tilespmem:$0x1D000] =	vst v63  }
0x37: {  	p0 =	sne.s32 s24, $0xFFFFFF00  }
0x38: {  	[tilespmem:s15], [sflag:$0x1] =	stream.indirect.gather [hbm4b:s7+s14], $0x20, s12, s14, $0xb8;
	[tilespmem:$0x1D000] =	vst v63  }
0x39: {  	_ =	swait.ge [sflag:s16], $0x4000  }
0x3a: {  	[sflag:s16] =	ssyncset.done $0x0  }
0x3b: {  	[sflag:s16] =	ssyncadd.s32 $0xFFFFC000  }
0x3c: {  	[spmem:s1] =	stream.indirect.scatter.add.f32 [tilespmem:s15], [sflag:$0x3], $0x20, s17, s14, $0xb8;
	[tilespmem:$0x1D000] =	vst v63  }
0x3d: {  	_ =	swait.ge [sflag:s11], $0x4000  }
0x3e: {  	[sflag:s11] =	ssyncset.done $0x0  }
0x3f: {  	[sflag:s11] =	ssyncadd.s32 $0xFFFFC000  }
0x40: {  	_ =	swait.ge [sflag:s18], $0x400  }
0x41: {  	[sflag:s18] =	ssyncset.done $0x0  }
0x42: {  	s23 =	sadd.s32 $0x3200, s23;
	[sflag:s18] =	ssyncadd.s32 $0xFFFFFC00  }
0x43: {  	[tilespmem:s12], [sflag:$0x2] =	stream.linear.gather [hbm4b:s23+s2], $0x400, $0x38;
	[tilespmem:$0x1D000] =	vst v63  }
0x44: {  	_ = 	snop  }
0x45: {  	[tilespmem:s15], [sflag:$0x1] =	stream.indirect.gather [hbm4b:s7+s14], $0x20, s13, s14, $0xb8;
	[tilespmem:$0x1D000] =	vst v63  }
0x46: {  	_ =	swait.ge [sflag:s16], $0x4000  }
0x47: {  	[sflag:s16] =	ssyncset.done $0x0  }
0x48: {  	[sflag:s16] =	ssyncadd.s32 $0xFFFFC000  }
0x49: {  	[spmem:s1] =	stream.indirect.scatter.add.f32 [tilespmem:s15], [sflag:$0x3], $0x20, s19, s14, $0xb8;
	[tilespmem:$0x1D000] =	vst v63  }
.Ltmp0:
0x4a: {  	_ =	swait.ge [sflag:s11], $0x4000;
	(pc) =	sbr.rel @p0 .LBB2_2-.Ltmp0, $4  }
0x4b: {  	[sflag:s11] =	ssyncset.done $0x0  }
0x4c: {  	[sflag:s11] =	ssyncadd.s32 $0xFFFFC000  }
0x4d: {  	_ =	swait.ge [sflag:s18], $0x400  }
0x4e: {  	s24 =	smov.u32 s28;
	s23 =	sadd.s32 s26, s6;
	[sflag:s18] =	ssyncset.done $0x0  }
0x4f: {  	s24 =	sadd.s32 $0x3180, s23;
	[sflag:s18] =	ssyncadd.s32 $0xFFFFFC00  }
0x50: {  	[tilespmem:s13], [sflag:$0x2] =	stream.linear.gather [hbm4b:s24+s2], $0x400, $0x38;
	[tilespmem:$0x1D000] =	vst v63  }
0x51: {  	_ = 	snop  }
0x52: {  	[tilespmem:s15], [sflag:$0x1] =	stream.indirect.gather [hbm4b:s7+s14], $0x20, s12, s14, $0xb8;
	[tilespmem:$0x1D000] =	vst v63  }
0x53: {  	_ =	swait.ge [sflag:s16], $0x4000  }
0x54: {  	[sflag:s16] =	ssyncset.done $0x0  }
0x55: {  	[sflag:s16] =	ssyncadd.s32 $0xFFFFC000  }
0x56: {  	[spmem:s1] =	stream.indirect.scatter.add.f32 [tilespmem:s15], [sflag:$0x3], $0x20, s17, s14, $0xb8;
	[tilespmem:$0x1D000] =	vst v63  }
0x57: {  	_ =	swait.ge [sflag:s11], $0x4000  }
0x58: {  	[sflag:s11] =	ssyncset.done $0x0  }
0x59: {  	[sflag:s11] =	ssyncadd.s32 $0xFFFFC000  }
0x5a: {  	_ =	swait.ge [sflag:s18], $0x400  }
0x5b: {  	[sflag:s18] =	ssyncset.done $0x0  }
0x5c: {  	s31 =	sadd.s32 $0x3200, s23;
	[sflag:s18] =	ssyncadd.s32 $0xFFFFFC00  }
0x5d: {  	[tilespmem:s12], [sflag:$0x2] =	stream.linear.gather [hbm4b:s31+s2], $0x400, $0x38;
	[tilespmem:$0x1D000] =	vst v63  }
0x5e: {  	_ = 	snop  }
0x5f: {  	[tilespmem:s15], [sflag:$0x1] =	stream.indirect.gather [hbm4b:s7+s14], $0x20, s13, s14, $0xb8;
	[tilespmem:$0x1D000] =	vst v63  }
0x60: {  	_ =	swait.ge [sflag:s16], $0x4000  }
0x61: {  	[sflag:s16] =	ssyncset.done $0x0  }
0x62: {  	[sflag:s16] =	ssyncadd.s32 $0xFFFFC000  }
0x63: {  	[spmem:s1] =	stream.indirect.scatter.add.f32 [tilespmem:s15], [sflag:$0x3], $0x20, s19, s14, $0xb8;
	[tilespmem:$0x1D000] =	vst v63  }
0x64: {  	_ =	swait.ge [sflag:s11], $0x4000  }
0x65: {  	[sflag:s11] =	ssyncset.done $0x0  }
0x66: {  	[sflag:s11] =	ssyncadd.s32 $0xFFFFC000  }
0x67: {  	_ =	swait.ge [sflag:s18], $0x400  }
0x68: {  	[sflag:s18] =	ssyncset.done $0x0  }
0x69: {  	[sflag:s18] =	ssyncadd.s32 $0xFFFFFC00  }
0x6a: {  	[tilespmem:s13], [sflag:$0x2] =	stream.linear.gather [hbm4b:s9+s2], $0x400, $0x38;
	[tilespmem:$0x1D000] =	vst v63  }
0x6b: {  	_ = 	snop  }
0x6c: {  	[tilespmem:s15], [sflag:$0x1] =	stream.indirect.gather [hbm4b:s7+s14], $0x20, s12, s14, $0xb8;
	[tilespmem:$0x1D000] =	vst v63  }
0x6d: {  	_ =	swait.ge [sflag:s16], $0x4000  }
0x6e: {  	[sflag:s16] =	ssyncset.done $0x0  }
0x6f: {  	[sflag:s16] =	ssyncadd.s32 $0xFFFFC000  }
0x70: {  	[spmem:s1] =	stream.indirect.scatter.add.f32 [tilespmem:s15], [sflag:$0x3], $0x20, s17, s14, $0xb8;
	[tilespmem:$0x1D000] =	vst v63  }
0x71: {  	_ =	swait.ge [sflag:s11], $0x4000  }
0x72: {  	[sflag:s11] =	ssyncset.done $0x0  }
0x73: {  	[sflag:s11] =	ssyncadd.s32 $0xFFFFC000  }
0x74: {  	_ =	swait.ge [sflag:s18], $0x400  }
0x75: {  	[sflag:s18] =	ssyncset.done $0x0  }
0x76: {  	[sflag:s18] =	ssyncadd.s32 $0xFFFFFC00  }
0x77: {  	[tilespmem:s12], [sflag:$0x2] =	stream.linear.gather [hbm4b:s9+s2], $0x400, $0x38;
	[tilespmem:$0x1D000] =	vst v63  }
0x78: {  	_ = 	snop  }
0x79: {  	[tilespmem:s15], [sflag:$0x1] =	stream.indirect.gather [hbm4b:s7+s14], $0x20, s13, s14, $0xb8;
	[tilespmem:$0x1D000] =	vst v63  }
0x7a: {  	_ =	swait.ge [sflag:s16], $0x4000  }
0x7b: {  	[sflag:s16] =	ssyncset.done $0x0  }
0x7c: {  	[sflag:s16] =	ssyncadd.s32 $0xFFFFC000  }
0x7d: {  	[spmem:s1] =	stream.indirect.scatter.add.f32 [tilespmem:s15], [sflag:$0x3], $0x20, s19, s14, $0xb8;
	[tilespmem:$0x1D000] =	vst v63  }
0x7e: {  	_ =	swait.ge [sflag:s11], $0x4000  }
0x7f: {  	[sflag:s11] =	ssyncset.done $0x0  }
0x80: {  	[sflag:s11] =	ssyncadd.s32 $0xFFFFC000  }
0x81: {  	_ =	swait.ge [sflag:s18], $0x400  }
0x82: {  	s22 =	sadd.s32 $0x1, s22;
	[sflag:s18] =	ssyncset.done $0x0  }
0x83: {  	p0 =	sne.s32 s22, s8;
	[sflag:s18] =	ssyncadd.s32 $0xFFFFFC00  }
.Ltmp1:
0x84: {  	[bflag:$0x0] =	sbarrier.arrive $0xFFFF;
	(pc) =	sbr.rel @p0 .LBB2_1-.Ltmp1, $4  }
0x85: {  	[hbm:s20], [sflag:s5] =	dma.local [spmem:s21], $0x30E0  }
0x86: {  	_ =	swait.ge [sflag:s11], $0x30E0  }
0x87: {  	[sflag:s11] =	ssyncset.done $0x0  }
0x88: {  	[sflag:s11] =	ssyncadd.s32 $0xFFFFCF20  }
0x89: {  	_ =	sfence.sel $0x180000  }
0x8a: {  	[bflag:$0x0] =	sbarrier.arrive $0xFFFF  }
0x8b: {  	p0 =	sne.s32 s3, $0x0;
	_ =	strace $0x90000047  }
0x8c: {  	s0 =	sadd.s32 @!p0 $0x100000, s0;
	[bflag:$0x2] =	sbarrier.arrive $0xFFFF  }
0x8d: {  	[sflag:s0] =	ssyncadd.tile.s32 @!p0 $0x1;
	_ =	shalt  }
.Lfunc_end2:
_tile_overlayer_lowered:
.L_overlay_start_2:
0x8e: {  	(tag) =	ssettag $0x2  }
0x8f: {  	s0 =	rddreg [dreg:$0x0];
	s2 =	stileid.u32  }
0x90: {  	s1 =	rddreg [dreg:$0x1];
	p0 =	sne.s32 s2, $0x0  }
0x91: {  	s3 =	rddreg [dreg:$0x2];
	[bflag:$0x3] =	sbarrier.arrive $0xFFFF;
	s2 =	simm.s32 @!p0 $0x1C03  }
0x92: {  	[timem:s3], [sflag:s2] =	dma.local @!p0 [hbm:s0], s1  }
0x93: {  	s0 =	simm.s32 @!p0 $0x3  }
0x94: {  	_ =	swait.ge @!p0 [sflag:s0], s1  }
0x95: {  	s1 =	ssub.s32 @!p0 $0x0, s1;
	[sflag:s0] =	ssyncset.done @!p0 $0x0  }
0x96: {  	[sflag:s0] =	ssyncadd.s32 @!p0 s1  }
0x97: {  	[bflag:$0x3] =	sbarrier.arrive $0xFFFF  }
0x98: {  	_ =	shalt  }

// kernel: kernel.19.cloned.1.call-start
scs
__scs_entry_jumppad:
0x0: {  	(pc) =	sbr.rel $0x88, $3  }
0x1: {  	(tag) =	ssettag $0x0;
	lr =	simm.s32 $0x1  }
0x2: {  	[smem:$0x3F94] =	sst lr;
	_ =	strace $0xD0000000  }
0x3: {  	_ = 	snop  }
0x4: {  	_ = 	snop  }
0x5: {  	_ = 	snop  }
0x6: {  	_ = 	snop  }
0x7: {  	_ = 	snop  }
__scs_overlays_trampoline_lowered:
0x8: {  	[smem:$0x3FA3] =	sst s0  }
0x9: {  	[smem:$0x3FA4] =	sst s1  }
0xa: {  	[smem:$0x3FA5] =	sst s2  }
0xb: {  	[smem:$0x3FA6] =	sst s3  }
0xc: {  	[smem:$0x3FA7] =	sst s4  }
0xd: {  	[smem:$0x3FA8] =	sst s5  }
0xe: {  	[smem:$0x3FA9] =	sst s6  }
0xf: {  	[smem:$0x3FAA] =	sst s7  }
0x10: {  	[smem:$0x3FAB] =	sst s8  }
0x11: {  	[smem:$0x3FAC] =	sst s9;
	s0 =	simm.s32 @!p0 $0x0  }
0x12: {  	s1 =	sld [smem:$0x3F92];
	s0 =	simm.s32 @p0 $0x1  }
0x13: {  	[smem:$0x3FAD] =	sst s0;
	s0 =	simm.s32 @!p1 $0x0  }
0x14: {  	s2 =	sld [smem:$0x3F91];
	s0 =	simm.s32 @p1 $0x1  }
0x15: {  	[smem:$0x3FAE] =	sst s0;
	s0 =	simm.s32 @!p2 $0x0  }
0x16: {  	s3 =	sld [smem:$0x3FDB];
	s0 =	simm.s32 @p2 $0x1  }
0x17: {  	s4 =	simm.s32 $0x1BF5;
	[smem:$0x3FB0] =	sst s0  }
0x18: {  	s0 =	sld [smem:$0x3F93];
	_ =	swait.ge [sflag:s4], $0x0  }
0x19: {  	s7 =	sld [smem:$0x3F94]  }
0x1a: {  	s8 =	sadd.s32 $0xFFFFE003, lr  }
0x1b: {  	s9 =	sadd.s32 $0xFFFFFEF7, lr;
	s5 =	simm.s32 $0xFFFFFFFF;
	p2 =	slt.u32 s8, $0xFFFFF086  }
0x1c: {  	p1 =	slt.u32 s9, $0xF7A;
	s5 =	simm.s32 @!p2 $0x0  }
0x1d: {  	s5 =	simm.s32 @p1 $0x1;
	p0 =	seq.s32 s7, s2  }
0x1e: {  	s7 =	smul.u32 @!p0 $0xF7A, s2;
	p2 =	seq.s32 @!p0 s5, $0x0  }
0x1f: {  	s9 =	smul.u32 $0xF7A, s1;
	s8 =	simm.s32 @!p0 $0x1BF5;
	p2 =	por !p2, p0  }
0x20: {  	[sflag:s8] =	ssyncset.s32 @!p0 $0xFFFFF086;
	s6 =	sadd.s32 @!p0 s3, s7;
	s7 =	simm.s32 @!p0 $0x108  }
0x21: {  	s3 =	sadd.s32 s3, s9;
	s6 =	sadd.s32 @!p0 $0x88, s6;
	s7 =	simm.s32 @p2 $0x1082  }
0x22: {  	[simem:s7], [sflag:s8] =	dma.local @!p0 [hbm:s6], $0xF7A  }
0x23: {  	s9 =	sor.u32 $0xD0000000, s2;
	s6 =	simm.s32 $0x108;
	_ =	swait.ge @!p0 [sflag:s8], $0x0  }
0x24: {  	s3 =	sadd.s32 $0x88, s3;
	s6 =	simm.s32 @!p1 $0x1082;
	[sflag:s4] =	ssyncset.s32 $0xFFFFF086  }
0x25: {  	[simem:s6], [sflag:s4] =	dma.local [hbm:s3], $0xF7A  }
0x26: {  	[smem:$0x3F94] =	sst s1;
	(tag) =	ssettag s2;
	_ =	strace s9  }
0x27: {  	s1 =	sld [smem:$0x3FA4]  }
0x28: {  	s2 =	sld [smem:$0x3FA5]  }
0x29: {  	s4 =	sld [smem:$0x3FA7]  }
0x2a: {  	p0 =	seq.s32 s5, $0x0;
	s5 =	sld [smem:$0x3FA8]  }
0x2b: {  	s6 =	sld [smem:$0x3FA9]  }
0x2c: {  	s7 =	sld [smem:$0x3FAA]  }
0x2d: {  	s3 =	simm.s32 $0x108;
	s8 =	sld [smem:$0x3FAB]  }
0x2e: {  	s3 =	simm.s32 @!p0 $0x1082;
	s9 =	sld [smem:$0x3FAC]  }
0x2f: {  	lr =	sadd.s32 s0, s3;
	s0 =	sld [smem:$0x3FA3]  }
0x30: {  	s3 =	sld [smem:$0x3FA6]  }
0x31: {  	[smem:$0x3FAF] =	sst s10  }
0x32: {  	s10 =	sld [smem:$0x3FAD];
	_ =	sdelay $0x3  }
0x33: {  	p0 =	seq.s32 s10, $0x1;
	s10 =	sld [smem:$0x3FAF];
	_ =	sdelay $0x3  }
0x34: {  	[smem:$0x3FAF] =	sst s10  }
0x35: {  	s10 =	sld [smem:$0x3FAE];
	_ =	sdelay $0x3  }
0x36: {  	p1 =	seq.s32 s10, $0x1;
	s10 =	sld [smem:$0x3FAF];
	_ =	sdelay $0x3  }
0x37: {  	[smem:$0x3FAF] =	sst s10  }
0x38: {  	s10 =	sld [smem:$0x3FB0]  }
0x39: {  	_ = 	snop;
	(pc) =	sbr.ind lr, $3  }
0x3a: {  	_ = 	snop  }
0x3b: {  	_ = 	snop  }
0x3c: {  	p2 =	seq.s32 s10, $0x1;
	s10 =	sld [smem:$0x3FAF]  }
0x3d: {  	_ =	shalt  }
0x3e: {  	_ =	shalt  }
0x3f: {  	_ =	shalt  }
0x40: {  	_ =	shalt  }
0x41: {  	_ =	shalt  }
0x42: {  	_ =	shalt  }
0x43: {  	_ =	shalt  }
0x44: {  	_ =	shalt  }
0x45: {  	_ =	shalt  }
0x46: {  	_ =	shalt  }
0x47: {  	_ =	shalt  }
0x48: {  	_ =	shalt  }
0x49: {  	_ =	shalt  }
0x4a: {  	_ =	shalt  }
0x4b: {  	_ =	shalt  }
0x4c: {  	_ =	shalt  }
0x4d: {  	_ =	shalt  }
0x4e: {  	_ =	shalt  }
0x4f: {  	_ =	shalt  }
0x50: {  	_ =	shalt  }
0x51: {  	_ =	shalt  }
0x52: {  	_ =	shalt  }
0x53: {  	_ =	shalt  }
0x54: {  	_ =	shalt  }
0x55: {  	_ =	shalt  }
0x56: {  	_ =	shalt  }
0x57: {  	_ =	shalt  }
0x58: {  	_ =	shalt  }
0x59: {  	_ =	shalt  }
0x5a: {  	_ =	shalt  }
0x5b: {  	_ =	shalt  }
0x5c: {  	_ =	shalt  }
0x5d: {  	_ =	shalt  }
0x5e: {  	_ =	shalt  }
0x5f: {  	_ =	shalt  }
0x60: {  	_ =	shalt  }
0x61: {  	_ =	shalt  }
0x62: {  	_ =	shalt  }
0x63: {  	_ =	shalt  }
0x64: {  	_ =	shalt  }
0x65: {  	_ =	shalt  }
0x66: {  	_ =	shalt  }
0x67: {  	_ =	shalt  }
0x68: {  	_ =	shalt  }
0x69: {  	_ =	shalt  }
0x6a: {  	_ =	shalt  }
0x6b: {  	_ =	shalt  }
0x6c: {  	_ =	shalt  }
0x6d: {  	_ =	shalt  }
0x6e: {  	_ =	shalt  }
0x6f: {  	_ =	shalt  }
0x70: {  	_ =	shalt  }
0x71: {  	_ =	shalt  }
0x72: {  	_ =	shalt  }
0x73: {  	_ =	shalt  }
0x74: {  	_ =	shalt  }
0x75: {  	_ =	shalt  }
0x76: {  	_ =	shalt  }
0x77: {  	_ =	shalt  }
0x78: {  	_ =	shalt  }
0x79: {  	_ =	shalt  }
0x7a: {  	_ =	shalt  }
0x7b: {  	_ =	shalt  }
0x7c: {  	_ =	shalt  }
0x7d: {  	_ =	shalt  }
0x7e: {  	_ =	shalt  }
0x7f: {  	_ =	shalt  }
0x80: {  	_ =	shalt  }
0x81: {  	_ =	shalt  }
0x82: {  	_ =	shalt  }
0x83: {  	_ =	shalt  }
0x84: {  	_ =	shalt  }
0x85: {  	_ =	shalt  }
0x86: {  	_ =	shalt  }
0x87: {  	_ =	shalt  }
.Lfunc_end0:
.L_simem_size_0:
called_computation.2_lowered:
.L_overlay_start_0:
0x88: {  	s2 =	sld [smem:$0x3FD9]  }
0x89: {  	s3 =	sld [smem:$0x3FFE];
	_ =	sdelay $0x1  }
0x8a: {  	s1 =	srdreg.scid  }
0x8b: {  	s0 =	sand.u32 $0x1, s1  }
0x8c: {  	s17 =	sshll.u32 s0, $0xA;
	s2 =	sadd.s32 s3, s2  }
0x8d: {  	s2 =	sadd.s32 s2, s17  }
0x8e: {  	[smem:$0x3FBB] =	sst s2  }
0x8f: {  	_ = 	snop  }
0x90: {  	s2 =	sld [smem:$0x3FD0];
	(tm) =	ssettm $0x1  }
0x91: {  	s18 =	sld [smem:$0x3FFB];
	_ =	sdelay $0x3  }
0x92: {  	_ =	strace s18  }
0x93: {  	s3 =	sld [smem:$0x3FFC];
	_ =	sdelay $0x3  }
0x94: {  	_ =	strace s3  }
0x95: {  	s3 =	sld [smem:$0x3FFD];
	_ =	sdelay $0x3  }
0x96: {  	_ =	strace s3  }
0x97: {  	_ =	strace $0x8FFFFFFF  }
0x98: {  	s19 =	sld [smem:$0x3FDB];
	_ =	sdelay $0x1  }
0x99: {  	s4 =	simm.s32 $_scs_section_size  }
0x9a: {  	s5 =	simm.s32 $_size__tile_overlayer_lowered;
	s6 =	simm.s32 $_tile_overlayer_lowered  }
0x9b: {  	s22 =	simm.s32 $0x1BFF;
	s21 =	sshll.u32 s6, $0x1;
	s3 =	sadd.s32 s4, s19  }
0x9c: {  	s7 =	simm.s32 $0x0;
	s20 =	sshll.u32 s5, $0x1;
	s5 =	sadd.s32 s21, s3  }
0x9d: {  	[timem:s7], [sflag:s22] =	dma.local [hbm:s5], s20  }
0x9e: {  	_ =	swait.ge [sflag:s22], s20  }
0x9f: {  	s4 =	ssub.s32 $0x0, s20;
	[sflag:s22] =	ssyncset.done $0x0  }
0xa0: {  	[sflag:s22] =	ssyncadd.s32 s4;
	_ =	sdelay $0x1  }
0xa1: {  	s23 =	simm.s32 $0x1B8B  }
0xa2: {  	_ =	swait.ge [sflag:s23], $0x1  }
0xa3: {  	[sflag:s23] =	ssyncset.done $0x0  }
0xa4: {  	s25 =	simm.s32 $0x1B8E;
	s24 =	sld [smem:$0x3FFE];
	[sflag:s23] =	ssyncadd.s32 $0xFFFFFFFF  }
0xa5: {  	s26 =	simm.s32 $execute0_lowered;
	[smem:$0x3FD2] =	sst s25  }
0xa6: {  	s5 =	sshll.u32 s26, $0x1;
	_ =	strace $0x8000004C;
	[dreg:$0x1] =	wrdreg $0xFFFFFFFF  }
0xa7: {  	s28 =	simm.s32 $_size_execute0_lowered;
	s3 =	sadd.s32 s3, s5;
	[dreg:$0x0] =	wrdreg $0x0  }
0xa8: {  	s5 =	sshll.u32 s28, $0x1;
	[dreg:$0x2] =	wrdreg s3  }
0xa9: {  	[dreg:$0x3] =	wrdreg s5  }
0xaa: {  	[dreg:$0x4] =	wrdreg $0xC0  }
0xab: {  	_ =	task [dreg:s7], $0x5FFFF  }
0xac: {  	[dreg:$0x1] =	wrdreg $0xFFFFFFFF  }
0xad: {  	[dreg:$0x0] =	wrdreg $0x60  }
0xae: {  	[dreg:$0x2] =	wrdreg s24  }
0xaf: {  	[dreg:$0x3] =	wrdreg s2  }
0xb0: {  	[dreg:$0x4] =	wrdreg $0x0  }
0xb1: {  	[dreg:$0x5] =	wrdreg $0x9  }
0xb2: {  	_ =	task.clear_ibuf [dreg:s7], $0x6FFFF;
	_ =	strace $0x9000004C  }
0xb3: {  	s29 =	simm.s32 $0x9;
	_ =	strace $0x8000004E  }
0xb4: {  	_ =	swait.ge [sflag:s29], $0x1  }
0xb5: {  	[sflag:s29] =	ssyncadd.s32 $0xFFFFFFFF  }
0xb6: {  	_ =	strace $0x9000004E  }
0xb7: {  	_ =	sfence  }
0xb8: {  	s30 =	sld [smem:$0x0];
	_ =	sdelay $0x2  }
0xb9: {  	s31 =	sshll.u32 s1, $0xD;
	s1 =	sshrl.u32 s1, $0x2  }
0xba: {  	s3 =	sand.u32 $0x4000, s31;
	s1 =	sadd.s32 s1, s30  }
0xbb: {  	s0 =	sor.u32 s3, s0;
	s1 =	sshll.u32 s1, $0x11  }
0xbc: {  	s0 =	sor.u32 s1, s0  }
0xbd: {  	s0 =	sadd.s32 $0x8F2B, s0  }
0xbe: {  	[sflag:s0] =	ssyncadd.remote.s32 $0x1  }
0xbf: {  	_ =	sfence.sel $0xFFFF  }
0xc0: {  	[dreg:$0x0] =	wrdreg $0xFFFFFFFF;
	(pc) =	sbr.abs _section_cstart, $3  }
0xc1: {  	[dreg:$0x1] =	wrdreg $0xFFFFFFFF  }
0xc2: {  	_ =	task.clear_ibuf [dreg:s7], $0x2FFFF;
	_ =	strace $0x9FFFFFFF  }
0xc3: {  	(tm) =	ssettm $0x7FFFFFFF  }
tec
execute0_lowered:
.L_overlay_start_1:
0x0: {  	(tag) =	ssettag $0x1  }
0x1: {  	s4 =	rddreg [dreg:$0x0]  }
0x2: {  	s8 =	rddreg [dreg:$0x1]  }
0x3: {  	s1 =	rddreg [dreg:$0x2]  }
0x4: {  	s0 =	rddreg [dreg:$0x3];
	s2 =	simm.s32 $0x0;
	s3 =	srdreg.scid  }
0x5: {  	s15 =	simm.s32 $0x19000;
	s16 =	simm.s32 $0x1;
	s5 =	sand.u32 $0x1, s3  }
0x6: {  	s17 =	simm.s32 $0x18A00;
	s3 =	stileid.u32;
	s6 =	smul.u32 $0x30D40, s5  }
0x7: {  	s18 =	simm.s32 $0x2;
	[smem:$0x7FF] =	sst s2;
	s7 =	smul.u32 $0x3200, s3  }
0x8: {  	s19 =	simm.s32 $0x18E00;
	_ =	strace $0x8000004D;
	s10 =	smul.u32 $0x62000, s3  }
0x9: {  	s26 =	ssub.s32 $0x2, s5;
	s30 =	smul.u32 $0x30E00, s5;
	s31 =	sshll.u32 s3, $0x6  }
0xa: {  	s14 =	smul.u32 $0x18700, s3;
	s28 =	sshrl.u32 s26, $0x1;
	s5 =	sor.u32 $0x1C03, s31  }
0xb: {  	s9 =	sadd.s32 s6, s4;
	s11 =	sadd.s32 s7, s4;
	s4 =	sadd.s32 $0xB4400, s4  }
0xc: {  	s12 =	ssub.s32 s26, s28;
	s29 =	sshrl.u32 s10, $0x2;
	s20 =	sadd.s32 s8, s30  }
0xd: {  	s21 =	sshrl.u32 s14, $0x3;
	s22 =	sadd.s32 s14, s1;
	s14 =	simm.s32 $0x200  }
0xe: {  	s13 =	sadd.s32 s29, s1;
	s6 =	sadd.s32 $0x82400, s11;
	s7 =	sadd.s32 $0x7800, s9  }
0xf: {  	s8 =	smax.u32 s12, $0x1;
	s9 =	sadd.s32 $0x85580, s11;
	s11 =	simm.s32 $0x3  }
0x10: {  	s12 =	simm.s32 $0x18800;
	s20 =	sadd.s32 s21, s20;
	s21 =	sshrl.u32 s22, $0x3  }
0x11: {  	s22 =	simm.s32 $0x0;
	s10 =	sshrl.u32 s13, $0x3;
	s13 =	simm.s32 $0x18C00  }
.LBB2_1:
0x12: {  	[spmem:s10], [sflag:s5] =	dma.local [hbm:s4], $0x3100  }
0x13: {  	_ =	swait.ge [sflag:s11], $0x3100  }
0x14: {  	[sflag:s11] =	ssyncset.done $0x0  }
0x15: {  	[sflag:s11] =	ssyncadd.s32 $0xFFFFCF00  }
0x16: {  	[bflag:$0x0] =	sbarrier.arrive $0xFFFF  }
0x17: {  	[tilespmem:s12], [sflag:$0x3] =	stream.linear.gather [hbm4b:s6+s2], $0x400, $0x38;
	[tilespmem:$0x1D000] =	vst v63  }
0x18: {  	_ =	swait.ge [sflag:s11], $0x400  }
0x19: {  	s23 =	sadd.s32 $0xFFFFCF00, s6;
	[sflag:s11] =	ssyncset.done $0x0  }
0x1a: {  	s24 =	sadd.s32 $0x3180, s23;
	[sflag:s11] =	ssyncadd.s32 $0xFFFFFC00  }
0x1b: {  	[tilespmem:s13], [sflag:$0x2] =	stream.linear.gather [hbm4b:s24+s2], $0x400, $0x38;
	[tilespmem:$0x1D000] =	vst v63  }
0x1c: {  	_ = 	snop  }
0x1d: {  	[tilespmem:s15], [sflag:$0x1] =	stream.indirect.gather [hbm4b:s7+s14], $0x20, s12, s14, $0xb8;
	[tilespmem:$0x1D000] =	vst v63  }
0x1e: {  	_ =	swait.ge [sflag:s16], $0x4000  }
0x1f: {  	[sflag:s16] =	ssyncset.done $0x0  }
0x20: {  	[sflag:s16] =	ssyncadd.s32 $0xFFFFC000  }
0x21: {  	[spmem:s1] =	stream.indirect.scatter.add.f32 [tilespmem:s15], [sflag:$0x3], $0x20, s17, s14, $0xb8;
	[tilespmem:$0x1D000] =	vst v63  }
0x22: {  	_ =	swait.ge [sflag:s11], $0x4000  }
0x23: {  	[sflag:s11] =	ssyncset.done $0x0  }
0x24: {  	[sflag:s11] =	ssyncadd.s32 $0xFFFFC000  }
0x25: {  	_ =	swait.ge [sflag:s18], $0x400  }
0x26: {  	[sflag:s18] =	ssyncset.done $0x0  }
0x27: {  	s23 =	sadd.s32 $0x3200, s23;
	[sflag:s18] =	ssyncadd.s32 $0xFFFFFC00  }
0x28: {  	[tilespmem:s12], [sflag:$0x2] =	stream.linear.gather [hbm4b:s23+s2], $0x400, $0x38;
	[tilespmem:$0x1D000] =	vst v63  }
0x29: {  	_ = 	snop  }
0x2a: {  	[tilespmem:s15], [sflag:$0x1] =	stream.indirect.gather [hbm4b:s7+s14], $0x20, s13, s14, $0xb8;
	[tilespmem:$0x1D000] =	vst v63  }
0x2b: {  	_ =	swait.ge [sflag:s16], $0x4000  }
0x2c: {  	[sflag:s16] =	ssyncset.done $0x0  }
0x2d: {  	[sflag:s16] =	ssyncadd.s32 $0xFFFFC000  }
0x2e: {  	[spmem:s1] =	stream.indirect.scatter.add.f32 [tilespmem:s15], [sflag:$0x3], $0x20, s19, s14, $0xb8;
	[tilespmem:$0x1D000] =	vst v63  }
0x2f: {  	_ =	swait.ge [sflag:s11], $0x4000  }
0x30: {  	[sflag:s11] =	ssyncset.done $0x0  }
0x31: {  	[sflag:s11] =	ssyncadd.s32 $0xFFFFC000  }
0x32: {  	_ =	swait.ge [sflag:s18], $0x400  }
0x33: {  	s24 =	simm.s32 $0xFFFFD100;
	s23 =	sadd.s32 $0xFFFFD000, s6;
	[sflag:s18] =	ssyncset.done $0x0  }
.LBB2_2:
0x34: {  	s25 =	sadd.s32 $0x3180, s23  }
0x35: {  	[sflag:s18] =	ssyncadd.s32 $0xFFFFFC00;
	s26 =	smov.u32 s24;
	s28 =	sadd.s32 $0x100, s24  }
0x36: {  	[tilespmem:s13], [sflag:$0x2] =	stream.linear.gather [hbm4b:s25+s2], $0x400, $0x38;
	[tilespmem:$0x1D000] =	vst v63  }
0x37: {  	p0 =	sne.s32 s24, $0xFFFFFF00  }
0x38: {  	[tilespmem:s15], [sflag:$0x1] =	stream.indirect.gather [hbm4b:s7+s14], $0x20, s12, s14, $0xb8;
	[tilespmem:$0x1D000] =	vst v63  }
0x39: {  	_ =	swait.ge [sflag:s16], $0x4000  }
0x3a: {  	[sflag:s16] =	ssyncset.done $0x0  }
0x3b: {  	[sflag:s16] =	ssyncadd.s32 $0xFFFFC000  }
0x3c: {  	[spmem:s1] =	stream.indirect.scatter.add.f32 [tilespmem:s15], [sflag:$0x3], $0x20, s17, s14, $0xb8;
	[tilespmem:$0x1D000] =	vst v63  }
0x3d: {  	_ =	swait.ge [sflag:s11], $0x4000  }
0x3e: {  	[sflag:s11] =	ssyncset.done $0x0  }
0x3f: {  	[sflag:s11] =	ssyncadd.s32 $0xFFFFC000  }
0x40: {  	_ =	swait.ge [sflag:s18], $0x400  }
0x41: {  	[sflag:s18] =	ssyncset.done $0x0  }
0x42: {  	s23 =	sadd.s32 $0x3200, s23;
	[sflag:s18] =	ssyncadd.s32 $0xFFFFFC00  }
0x43: {  	[tilespmem:s12], [sflag:$0x2] =	stream.linear.gather [hbm4b:s23+s2], $0x400, $0x38;
	[tilespmem:$0x1D000] =	vst v63  }
0x44: {  	_ = 	snop  }
0x45: {  	[tilespmem:s15], [sflag:$0x1] =	stream.indirect.gather [hbm4b:s7+s14], $0x20, s13, s14, $0xb8;
	[tilespmem:$0x1D000] =	vst v63  }
0x46: {  	_ =	swait.ge [sflag:s16], $0x4000  }
0x47: {  	[sflag:s16] =	ssyncset.done $0x0  }
0x48: {  	[sflag:s16] =	ssyncadd.s32 $0xFFFFC000  }
0x49: {  	[spmem:s1] =	stream.indirect.scatter.add.f32 [tilespmem:s15], [sflag:$0x3], $0x20, s19, s14, $0xb8;
	[tilespmem:$0x1D000] =	vst v63  }
.Ltmp0:
0x4a: {  	_ =	swait.ge [sflag:s11], $0x4000;
	(pc) =	sbr.rel @p0 .LBB2_2-.Ltmp0, $4  }
0x4b: {  	[sflag:s11] =	ssyncset.done $0x0  }
0x4c: {  	[sflag:s11] =	ssyncadd.s32 $0xFFFFC000  }
0x4d: {  	_ =	swait.ge [sflag:s18], $0x400  }
0x4e: {  	s24 =	smov.u32 s28;
	s23 =	sadd.s32 s26, s6;
	[sflag:s18] =	ssyncset.done $0x0  }
0x4f: {  	s24 =	sadd.s32 $0x3180, s23;
	[sflag:s18] =	ssyncadd.s32 $0xFFFFFC00  }
0x50: {  	[tilespmem:s13], [sflag:$0x2] =	stream.linear.gather [hbm4b:s24+s2], $0x400, $0x38;
	[tilespmem:$0x1D000] =	vst v63  }
0x51: {  	_ = 	snop  }
0x52: {  	[tilespmem:s15], [sflag:$0x1] =	stream.indirect.gather [hbm4b:s7+s14], $0x20, s12, s14, $0xb8;
	[tilespmem:$0x1D000] =	vst v63  }
0x53: {  	_ =	swait.ge [sflag:s16], $0x4000  }
0x54: {  	[sflag:s16] =	ssyncset.done $0x0  }
0x55: {  	[sflag:s16] =	ssyncadd.s32 $0xFFFFC000  }
0x56: {  	[spmem:s1] =	stream.indirect.scatter.add.f32 [tilespmem:s15], [sflag:$0x3], $0x20, s17, s14, $0xb8;
	[tilespmem:$0x1D000] =	vst v63  }
0x57: {  	_ =	swait.ge [sflag:s11], $0x4000  }
0x58: {  	[sflag:s11] =	ssyncset.done $0x0  }
0x59: {  	[sflag:s11] =	ssyncadd.s32 $0xFFFFC000  }
0x5a: {  	_ =	swait.ge [sflag:s18], $0x400  }
0x5b: {  	[sflag:s18] =	ssyncset.done $0x0  }
0x5c: {  	s31 =	sadd.s32 $0x3200, s23;
	[sflag:s18] =	ssyncadd.s32 $0xFFFFFC00  }
0x5d: {  	[tilespmem:s12], [sflag:$0x2] =	stream.linear.gather [hbm4b:s31+s2], $0x400, $0x38;
	[tilespmem:$0x1D000] =	vst v63  }
0x5e: {  	_ = 	snop  }
0x5f: {  	[tilespmem:s15], [sflag:$0x1] =	stream.indirect.gather [hbm4b:s7+s14], $0x20, s13, s14, $0xb8;
	[tilespmem:$0x1D000] =	vst v63  }
0x60: {  	_ =	swait.ge [sflag:s16], $0x4000  }
0x61: {  	[sflag:s16] =	ssyncset.done $0x0  }
0x62: {  	[sflag:s16] =	ssyncadd.s32 $0xFFFFC000  }
0x63: {  	[spmem:s1] =	stream.indirect.scatter.add.f32 [tilespmem:s15], [sflag:$0x3], $0x20, s19, s14, $0xb8;
	[tilespmem:$0x1D000] =	vst v63  }
0x64: {  	_ =	swait.ge [sflag:s11], $0x4000  }
0x65: {  	[sflag:s11] =	ssyncset.done $0x0  }
0x66: {  	[sflag:s11] =	ssyncadd.s32 $0xFFFFC000  }
0x67: {  	_ =	swait.ge [sflag:s18], $0x400  }
0x68: {  	[sflag:s18] =	ssyncset.done $0x0  }
0x69: {  	[sflag:s18] =	ssyncadd.s32 $0xFFFFFC00  }
0x6a: {  	[tilespmem:s13], [sflag:$0x2] =	stream.linear.gather [hbm4b:s9+s2], $0x400, $0x38;
	[tilespmem:$0x1D000] =	vst v63  }
0x6b: {  	_ = 	snop  }
0x6c: {  	[tilespmem:s15], [sflag:$0x1] =	stream.indirect.gather [hbm4b:s7+s14], $0x20, s12, s14, $0xb8;
	[tilespmem:$0x1D000] =	vst v63  }
0x6d: {  	_ =	swait.ge [sflag:s16], $0x4000  }
0x6e: {  	[sflag:s16] =	ssyncset.done $0x0  }
0x6f: {  	[sflag:s16] =	ssyncadd.s32 $0xFFFFC000  }
0x70: {  	[spmem:s1] =	stream.indirect.scatter.add.f32 [tilespmem:s15], [sflag:$0x3], $0x20, s17, s14, $0xb8;
	[tilespmem:$0x1D000] =	vst v63  }
0x71: {  	_ =	swait.ge [sflag:s11], $0x4000  }
0x72: {  	[sflag:s11] =	ssyncset.done $0x0  }
0x73: {  	[sflag:s11] =	ssyncadd.s32 $0xFFFFC000  }
0x74: {  	_ =	swait.ge [sflag:s18], $0x400  }
0x75: {  	[sflag:s18] =	ssyncset.done $0x0  }
0x76: {  	[sflag:s18] =	ssyncadd.s32 $0xFFFFFC00  }
0x77: {  	[tilespmem:s12], [sflag:$0x2] =	stream.linear.gather [hbm4b:s9+s2], $0x400, $0x38;
	[tilespmem:$0x1D000] =	vst v63  }
0x78: {  	_ = 	snop  }
0x79: {  	[tilespmem:s15], [sflag:$0x1] =	stream.indirect.gather [hbm4b:s7+s14], $0x20, s13, s14, $0xb8;
	[tilespmem:$0x1D000] =	vst v63  }
0x7a: {  	_ =	swait.ge [sflag:s16], $0x4000  }
0x7b: {  	[sflag:s16] =	ssyncset.done $0x0  }
0x7c: {  	[sflag:s16] =	ssyncadd.s32 $0xFFFFC000  }
0x7d: {  	[spmem:s1] =	stream.indirect.scatter.add.f32 [tilespmem:s15], [sflag:$0x3], $0x20, s19, s14, $0xb8;
	[tilespmem:$0x1D000] =	vst v63  }
0x7e: {  	_ =	swait.ge [sflag:s11], $0x4000  }
0x7f: {  	[sflag:s11] =	ssyncset.done $0x0  }
0x80: {  	[sflag:s11] =	ssyncadd.s32 $0xFFFFC000  }
0x81: {  	_ =	swait.ge [sflag:s18], $0x400  }
0x82: {  	s22 =	sadd.s32 $0x1, s22;
	[sflag:s18] =	ssyncset.done $0x0  }
0x83: {  	p0 =	sne.s32 s22, s8;
	[sflag:s18] =	ssyncadd.s32 $0xFFFFFC00  }
.Ltmp1:
0x84: {  	[bflag:$0x0] =	sbarrier.arrive $0xFFFF;
	(pc) =	sbr.rel @p0 .LBB2_1-.Ltmp1, $4  }
0x85: {  	[hbm:s20], [sflag:s5] =	dma.local [spmem:s21], $0x30E0  }
0x86: {  	_ =	swait.ge [sflag:s11], $0x30E0  }
0x87: {  	[sflag:s11] =	ssyncset.done $0x0  }
0x88: {  	[sflag:s11] =	ssyncadd.s32 $0xFFFFCF20  }
0x89: {  	_ =	sfence.sel $0x180000  }
0x8a: {  	[bflag:$0x0] =	sbarrier.arrive $0xFFFF  }
0x8b: {  	p0 =	sne.s32 s3, $0x0;
	_ =	strace $0x9000004D  }
0x8c: {  	s0 =	sadd.s32 @!p0 $0x100000, s0;
	[bflag:$0x2] =	sbarrier.arrive $0xFFFF  }
0x8d: {  	[sflag:s0] =	ssyncadd.tile.s32 @!p0 $0x1;
	_ =	shalt  }
.Lfunc_end2:
_tile_overlayer_lowered:
.L_overlay_start_2:
0x8e: {  	(tag) =	ssettag $0x2  }
0x8f: {  	s0 =	rddreg [dreg:$0x0];
	s2 =	stileid.u32  }
0x90: {  	s1 =	rddreg [dreg:$0x1];
	p0 =	sne.s32 s2, $0x0  }
0x91: {  	s3 =	rddreg [dreg:$0x2];
	[bflag:$0x3] =	sbarrier.arrive $0xFFFF;
	s2 =	simm.s32 @!p0 $0x1C03  }
0x92: {  	[timem:s3], [sflag:s2] =	dma.local @!p0 [hbm:s0], s1  }
0x93: {  	s0 =	simm.s32 @!p0 $0x3  }
0x94: {  	_ =	swait.ge @!p0 [sflag:s0], s1  }
0x95: {  	s1 =	ssub.s32 @!p0 $0x0, s1;
	[sflag:s0] =	ssyncset.done @!p0 $0x0  }
0x96: {  	[sflag:s0] =	ssyncadd.s32 @!p0 s1  }
0x97: {  	[bflag:$0x3] =	sbarrier.arrive $0xFFFF  }
0x98: {  	_ =	shalt  }

// kernel: kernel.22.cloned.1.call-start
scs
__scs_entry_jumppad:
0x0: {  	(pc) =	sbr.rel $0x88, $3  }
0x1: {  	(tag) =	ssettag $0x0;
	lr =	simm.s32 $0x1  }
0x2: {  	[smem:$0x3F94] =	sst lr;
	_ =	strace $0xD0000000  }
0x3: {  	_ = 	snop  }
0x4: {  	_ = 	snop  }
0x5: {  	_ = 	snop  }
0x6: {  	_ = 	snop  }
0x7: {  	_ = 	snop  }
__scs_overlays_trampoline_lowered:
0x8: {  	[smem:$0x3FA3] =	sst s0  }
0x9: {  	[smem:$0x3FA4] =	sst s1  }
0xa: {  	[smem:$0x3FA5] =	sst s2  }
0xb: {  	[smem:$0x3FA6] =	sst s3  }
0xc: {  	[smem:$0x3FA7] =	sst s4  }
0xd: {  	[smem:$0x3FA8] =	sst s5  }
0xe: {  	[smem:$0x3FA9] =	sst s6  }
0xf: {  	[smem:$0x3FAA] =	sst s7  }
0x10: {  	[smem:$0x3FAB] =	sst s8  }
0x11: {  	[smem:$0x3FAC] =	sst s9;
	s0 =	simm.s32 @!p0 $0x0  }
0x12: {  	s1 =	sld [smem:$0x3F92];
	s0 =	simm.s32 @p0 $0x1  }
0x13: {  	[smem:$0x3FAD] =	sst s0;
	s0 =	simm.s32 @!p1 $0x0  }
0x14: {  	s2 =	sld [smem:$0x3F91];
	s0 =	simm.s32 @p1 $0x1  }
0x15: {  	[smem:$0x3FAE] =	sst s0;
	s0 =	simm.s32 @!p2 $0x0  }
0x16: {  	s3 =	sld [smem:$0x3FDB];
	s0 =	simm.s32 @p2 $0x1  }
0x17: {  	s4 =	simm.s32 $0x1BF5;
	[smem:$0x3FB0] =	sst s0  }
0x18: {  	s0 =	sld [smem:$0x3F93];
	_ =	swait.ge [sflag:s4], $0x0  }
0x19: {  	s7 =	sld [smem:$0x3F94]  }
0x1a: {  	s8 =	sadd.s32 $0xFFFFE003, lr  }
0x1b: {  	s9 =	sadd.s32 $0xFFFFFEF7, lr;
	s5 =	simm.s32 $0xFFFFFFFF;
	p2 =	slt.u32 s8, $0xFFFFF086  }
0x1c: {  	p1 =	slt.u32 s9, $0xF7A;
	s5 =	simm.s32 @!p2 $0x0  }
0x1d: {  	s5 =	simm.s32 @p1 $0x1;
	p0 =	seq.s32 s7, s2  }
0x1e: {  	s7 =	smul.u32 @!p0 $0xF7A, s2;
	p2 =	seq.s32 @!p0 s5, $0x0  }
0x1f: {  	s9 =	smul.u32 $0xF7A, s1;
	s8 =	simm.s32 @!p0 $0x1BF5;
	p2 =	por !p2, p0  }
0x20: {  	[sflag:s8] =	ssyncset.s32 @!p0 $0xFFFFF086;
	s6 =	sadd.s32 @!p0 s3, s7;
	s7 =	simm.s32 @!p0 $0x108  }
0x21: {  	s3 =	sadd.s32 s3, s9;
	s6 =	sadd.s32 @!p0 $0x88, s6;
	s7 =	simm.s32 @p2 $0x1082  }
0x22: {  	[simem:s7], [sflag:s8] =	dma.local @!p0 [hbm:s6], $0xF7A  }
0x23: {  	s9 =	sor.u32 $0xD0000000, s2;
	s6 =	simm.s32 $0x108;
	_ =	swait.ge @!p0 [sflag:s8], $0x0  }
0x24: {  	s3 =	sadd.s32 $0x88, s3;
	s6 =	simm.s32 @!p1 $0x1082;
	[sflag:s4] =	ssyncset.s32 $0xFFFFF086  }
0x25: {  	[simem:s6], [sflag:s4] =	dma.local [hbm:s3], $0xF7A  }
0x26: {  	[smem:$0x3F94] =	sst s1;
	(tag) =	ssettag s2;
	_ =	strace s9  }
0x27: {  	s1 =	sld [smem:$0x3FA4]  }
0x28: {  	s2 =	sld [smem:$0x3FA5]  }
0x29: {  	s4 =	sld [smem:$0x3FA7]  }
0x2a: {  	p0 =	seq.s32 s5, $0x0;
	s5 =	sld [smem:$0x3FA8]  }
0x2b: {  	s6 =	sld [smem:$0x3FA9]  }
0x2c: {  	s7 =	sld [smem:$0x3FAA]  }
0x2d: {  	s3 =	simm.s32 $0x108;
	s8 =	sld [smem:$0x3FAB]  }
0x2e: {  	s3 =	simm.s32 @!p0 $0x1082;
	s9 =	sld [smem:$0x3FAC]  }
0x2f: {  	lr =	sadd.s32 s0, s3;
	s0 =	sld [smem:$0x3FA3]  }
0x30: {  	s3 =	sld [smem:$0x3FA6]  }
0x31: {  	[smem:$0x3FAF] =	sst s10  }
0x32: {  	s10 =	sld [smem:$0x3FAD];
	_ =	sdelay $0x3  }
0x33: {  	p0 =	seq.s32 s10, $0x1;
	s10 =	sld [smem:$0x3FAF];
	_ =	sdelay $0x3  }
0x34: {  	[smem:$0x3FAF] =	sst s10  }
0x35: {  	s10 =	sld [smem:$0x3FAE];
	_ =	sdelay $0x3  }
0x36: {  	p1 =	seq.s32 s10, $0x1;
	s10 =	sld [smem:$0x3FAF];
	_ =	sdelay $0x3  }
0x37: {  	[smem:$0x3FAF] =	sst s10  }
0x38: {  	s10 =	sld [smem:$0x3FB0]  }
0x39: {  	_ = 	snop;
	(pc) =	sbr.ind lr, $3  }
0x3a: {  	_ = 	snop  }
0x3b: {  	_ = 	snop  }
0x3c: {  	p2 =	seq.s32 s10, $0x1;
	s10 =	sld [smem:$0x3FAF]  }
0x3d: {  	_ =	shalt  }
0x3e: {  	_ =	shalt  }
0x3f: {  	_ =	shalt  }
0x40: {  	_ =	shalt  }
0x41: {  	_ =	shalt  }
0x42: {  	_ =	shalt  }
0x43: {  	_ =	shalt  }
0x44: {  	_ =	shalt  }
0x45: {  	_ =	shalt  }
0x46: {  	_ =	shalt  }
0x47: {  	_ =	shalt  }
0x48: {  	_ =	shalt  }
0x49: {  	_ =	shalt  }
0x4a: {  	_ =	shalt  }
0x4b: {  	_ =	shalt  }
0x4c: {  	_ =	shalt  }
0x4d: {  	_ =	shalt  }
0x4e: {  	_ =	shalt  }
0x4f: {  	_ =	shalt  }
0x50: {  	_ =	shalt  }
0x51: {  	_ =	shalt  }
0x52: {  	_ =	shalt  }
0x53: {  	_ =	shalt  }
0x54: {  	_ =	shalt  }
0x55: {  	_ =	shalt  }
0x56: {  	_ =	shalt  }
0x57: {  	_ =	shalt  }
0x58: {  	_ =	shalt  }
0x59: {  	_ =	shalt  }
0x5a: {  	_ =	shalt  }
0x5b: {  	_ =	shalt  }
0x5c: {  	_ =	shalt  }
0x5d: {  	_ =	shalt  }
0x5e: {  	_ =	shalt  }
0x5f: {  	_ =	shalt  }
0x60: {  	_ =	shalt  }
0x61: {  	_ =	shalt  }
0x62: {  	_ =	shalt  }
0x63: {  	_ =	shalt  }
0x64: {  	_ =	shalt  }
0x65: {  	_ =	shalt  }
0x66: {  	_ =	shalt  }
0x67: {  	_ =	shalt  }
0x68: {  	_ =	shalt  }
0x69: {  	_ =	shalt  }
0x6a: {  	_ =	shalt  }
0x6b: {  	_ =	shalt  }
0x6c: {  	_ =	shalt  }
0x6d: {  	_ =	shalt  }
0x6e: {  	_ =	shalt  }
0x6f: {  	_ =	shalt  }
0x70: {  	_ =	shalt  }
0x71: {  	_ =	shalt  }
0x72: {  	_ =	shalt  }
0x73: {  	_ =	shalt  }
0x74: {  	_ =	shalt  }
0x75: {  	_ =	shalt  }
0x76: {  	_ =	shalt  }
0x77: {  	_ =	shalt  }
0x78: {  	_ =	shalt  }
0x79: {  	_ =	shalt  }
0x7a: {  	_ =	shalt  }
0x7b: {  	_ =	shalt  }
0x7c: {  	_ =	shalt  }
0x7d: {  	_ =	shalt  }
0x7e: {  	_ =	shalt  }
0x7f: {  	_ =	shalt  }
0x80: {  	_ =	shalt  }
0x81: {  	_ =	shalt  }
0x82: {  	_ =	shalt  }
0x83: {  	_ =	shalt  }
0x84: {  	_ =	shalt  }
0x85: {  	_ =	shalt  }
0x86: {  	_ =	shalt  }
0x87: {  	_ =	shalt  }
.Lfunc_end0:
.L_simem_size_0:
called_computation.3_lowered:
.L_overlay_start_0:
0x88: {  	s2 =	sld [smem:$0x3FD9]  }
0x89: {  	s3 =	sld [smem:$0x3FFE];
	_ =	sdelay $0x1  }
0x8a: {  	s1 =	srdreg.scid  }
0x8b: {  	s0 =	sand.u32 $0x1, s1  }
0x8c: {  	s17 =	sshll.u32 s0, $0xA;
	s2 =	sadd.s32 s3, s2  }
0x8d: {  	s2 =	sadd.s32 s2, s17  }
0x8e: {  	[smem:$0x3FBB] =	sst s2  }
0x8f: {  	_ = 	snop  }
0x90: {  	s2 =	sld [smem:$0x3FD0];
	(tm) =	ssettm $0x1  }
0x91: {  	s18 =	sld [smem:$0x3FFB];
	_ =	sdelay $0x3  }
0x92: {  	_ =	strace s18  }
0x93: {  	s3 =	sld [smem:$0x3FFC];
	_ =	sdelay $0x3  }
0x94: {  	_ =	strace s3  }
0x95: {  	s3 =	sld [smem:$0x3FFD];
	_ =	sdelay $0x3  }
0x96: {  	_ =	strace s3  }
0x97: {  	_ =	strace $0x8FFFFFFF  }
0x98: {  	s19 =	sld [smem:$0x3FDB];
	_ =	sdelay $0x1  }
0x99: {  	s4 =	simm.s32 $_scs_section_size  }
0x9a: {  	s5 =	simm.s32 $_size__tile_overlayer_lowered;
	s6 =	simm.s32 $_tile_overlayer_lowered  }
0x9b: {  	s22 =	simm.s32 $0x1BFF;
	s21 =	sshll.u32 s6, $0x1;
	s3 =	sadd.s32 s4, s19  }
0x9c: {  	s7 =	simm.s32 $0x0;
	s20 =	sshll.u32 s5, $0x1;
	s5 =	sadd.s32 s21, s3  }
0x9d: {  	[timem:s7], [sflag:s22] =	dma.local [hbm:s5], s20  }
0x9e: {  	_ =	swait.ge [sflag:s22], s20  }
0x9f: {  	s4 =	ssub.s32 $0x0, s20;
	[sflag:s22] =	ssyncset.done $0x0  }
0xa0: {  	[sflag:s22] =	ssyncadd.s32 s4;
	_ =	sdelay $0x1  }
0xa1: {  	s23 =	simm.s32 $0x1B8B  }
0xa2: {  	_ =	swait.ge [sflag:s23], $0x1  }
0xa3: {  	[sflag:s23] =	ssyncset.done $0x0  }
0xa4: {  	s25 =	simm.s32 $0x1B8E;
	s24 =	sld [smem:$0x3FFE];
	[sflag:s23] =	ssyncadd.s32 $0xFFFFFFFF  }
0xa5: {  	s26 =	simm.s32 $execute0_lowered;
	[smem:$0x3FD2] =	sst s25  }
0xa6: {  	s5 =	sshll.u32 s26, $0x1;
	_ =	strace $0x8000004F;
	[dreg:$0x1] =	wrdreg $0xFFFFFFFF  }
0xa7: {  	s28 =	simm.s32 $_size_execute0_lowered;
	s3 =	sadd.s32 s3, s5;
	[dreg:$0x0] =	wrdreg $0x0  }
0xa8: {  	s5 =	sshll.u32 s28, $0x1;
	[dreg:$0x2] =	wrdreg s3  }
0xa9: {  	[dreg:$0x3] =	wrdreg s5  }
0xaa: {  	[dreg:$0x4] =	wrdreg $0xC0  }
0xab: {  	_ =	task [dreg:s7], $0x5FFFF  }
0xac: {  	[dreg:$0x1] =	wrdreg $0xFFFFFFFF  }
0xad: {  	[dreg:$0x0] =	wrdreg $0x60  }
0xae: {  	[dreg:$0x2] =	wrdreg s24  }
0xaf: {  	[dreg:$0x3] =	wrdreg s2  }
0xb0: {  	[dreg:$0x4] =	wrdreg $0x0  }
0xb1: {  	[dreg:$0x5] =	wrdreg $0x9  }
0xb2: {  	_ =	task.clear_ibuf [dreg:s7], $0x6FFFF;
	_ =	strace $0x9000004F  }
0xb3: {  	s29 =	simm.s32 $0x9;
	_ =	strace $0x80000051  }
0xb4: {  	_ =	swait.ge [sflag:s29], $0x1  }
0xb5: {  	[sflag:s29] =	ssyncadd.s32 $0xFFFFFFFF  }
0xb6: {  	_ =	strace $0x90000051  }
0xb7: {  	_ =	sfence  }
0xb8: {  	s30 =	sld [smem:$0x0];
	_ =	sdelay $0x2  }
0xb9: {  	s31 =	sshll.u32 s1, $0xD;
	s1 =	sshrl.u32 s1, $0x2  }
0xba: {  	s3 =	sand.u32 $0x4000, s31;
	s1 =	sadd.s32 s1, s30  }
0xbb: {  	s0 =	sor.u32 s3, s0;
	s1 =	sshll.u32 s1, $0x11  }
0xbc: {  	s0 =	sor.u32 s1, s0  }
0xbd: {  	s0 =	sadd.s32 $0x8F2B, s0  }
0xbe: {  	[sflag:s0] =	ssyncadd.remote.s32 $0x1  }
0xbf: {  	_ =	sfence.sel $0xFFFF  }
0xc0: {  	[dreg:$0x0] =	wrdreg $0xFFFFFFFF;
	(pc) =	sbr.abs _section_cstart, $3  }
0xc1: {  	[dreg:$0x1] =	wrdreg $0xFFFFFFFF  }
0xc2: {  	_ =	task.clear_ibuf [dreg:s7], $0x2FFFF;
	_ =	strace $0x9FFFFFFF  }
0xc3: {  	(tm) =	ssettm $0x7FFFFFFF  }
tec
execute0_lowered:
.L_overlay_start_1:
0x0: {  	(tag) =	ssettag $0x1  }
0x1: {  	s4 =	rddreg [dreg:$0x0]  }
0x2: {  	s8 =	rddreg [dreg:$0x1]  }
0x3: {  	s1 =	rddreg [dreg:$0x2]  }
0x4: {  	s0 =	rddreg [dreg:$0x3];
	s2 =	simm.s32 $0x0;
	s3 =	srdreg.scid  }
0x5: {  	s15 =	simm.s32 $0x19000;
	s16 =	simm.s32 $0x1;
	s5 =	sand.u32 $0x1, s3  }
0x6: {  	s17 =	simm.s32 $0x18A00;
	s3 =	stileid.u32;
	s6 =	smul.u32 $0x30D40, s5  }
0x7: {  	s18 =	simm.s32 $0x2;
	[smem:$0x7FF] =	sst s2;
	s7 =	smul.u32 $0x3200, s3  }
0x8: {  	s19 =	simm.s32 $0x18E00;
	_ =	strace $0x80000050;
	s10 =	smul.u32 $0x62000, s3  }
0x9: {  	s26 =	ssub.s32 $0x2, s5;
	s30 =	smul.u32 $0x30E00, s5;
	s31 =	sshll.u32 s3, $0x6  }
0xa: {  	s14 =	smul.u32 $0x18700, s3;
	s28 =	sshrl.u32 s26, $0x1;
	s5 =	sor.u32 $0x1C03, s31  }
0xb: {  	s9 =	sadd.s32 s6, s4;
	s11 =	sadd.s32 s7, s4;
	s4 =	sadd.s32 $0xB4400, s4  }
0xc: {  	s12 =	ssub.s32 s26, s28;
	s29 =	sshrl.u32 s10, $0x2;
	s20 =	sadd.s32 s8, s30  }
0xd: {  	s21 =	sshrl.u32 s14, $0x3;
	s22 =	sadd.s32 s14, s1;
	s14 =	simm.s32 $0x200  }
0xe: {  	s13 =	sadd.s32 s29, s1;
	s6 =	sadd.s32 $0x82400, s11;
	s7 =	sadd.s32 $0x7800, s9  }
0xf: {  	s8 =	smax.u32 s12, $0x1;
	s9 =	sadd.s32 $0x85580, s11;
	s11 =	simm.s32 $0x3  }
0x10: {  	s12 =	simm.s32 $0x18800;
	s20 =	sadd.s32 s21, s20;
	s21 =	sshrl.u32 s22, $0x3  }
0x11: {  	s22 =	simm.s32 $0x0;
	s10 =	sshrl.u32 s13, $0x3;
	s13 =	simm.s32 $0x18C00  }
.LBB2_1:
0x12: {  	[spmem:s10], [sflag:s5] =	dma.local [hbm:s4], $0x3100  }
0x13: {  	_ =	swait.ge [sflag:s11], $0x3100  }
0x14: {  	[sflag:s11] =	ssyncset.done $0x0  }
0x15: {  	[sflag:s11] =	ssyncadd.s32 $0xFFFFCF00  }
0x16: {  	[bflag:$0x0] =	sbarrier.arrive $0xFFFF  }
0x17: {  	[tilespmem:s12], [sflag:$0x3] =	stream.linear.gather [hbm4b:s6+s2], $0x400, $0x38;
	[tilespmem:$0x1D000] =	vst v63  }
0x18: {  	_ =	swait.ge [sflag:s11], $0x400  }
0x19: {  	s23 =	sadd.s32 $0xFFFFCF00, s6;
	[sflag:s11] =	ssyncset.done $0x0  }
0x1a: {  	s24 =	sadd.s32 $0x3180, s23;
	[sflag:s11] =	ssyncadd.s32 $0xFFFFFC00  }
0x1b: {  	[tilespmem:s13], [sflag:$0x2] =	stream.linear.gather [hbm4b:s24+s2], $0x400, $0x38;
	[tilespmem:$0x1D000] =	vst v63  }
0x1c: {  	_ = 	snop  }
0x1d: {  	[tilespmem:s15], [sflag:$0x1] =	stream.indirect.gather [hbm4b:s7+s14], $0x20, s12, s14, $0xb8;
	[tilespmem:$0x1D000] =	vst v63  }
0x1e: {  	_ =	swait.ge [sflag:s16], $0x4000  }
0x1f: {  	[sflag:s16] =	ssyncset.done $0x0  }
0x20: {  	[sflag:s16] =	ssyncadd.s32 $0xFFFFC000  }
0x21: {  	[spmem:s1] =	stream.indirect.scatter.add.f32 [tilespmem:s15], [sflag:$0x3], $0x20, s17, s14, $0xb8;
	[tilespmem:$0x1D000] =	vst v63  }
0x22: {  	_ =	swait.ge [sflag:s11], $0x4000  }
0x23: {  	[sflag:s11] =	ssyncset.done $0x0  }
0x24: {  	[sflag:s11] =	ssyncadd.s32 $0xFFFFC000  }
0x25: {  	_ =	swait.ge [sflag:s18], $0x400  }
0x26: {  	[sflag:s18] =	ssyncset.done $0x0  }
0x27: {  	s23 =	sadd.s32 $0x3200, s23;
	[sflag:s18] =	ssyncadd.s32 $0xFFFFFC00  }
0x28: {  	[tilespmem:s12], [sflag:$0x2] =	stream.linear.gather [hbm4b:s23+s2], $0x400, $0x38;
	[tilespmem:$0x1D000] =	vst v63  }
0x29: {  	_ = 	snop  }
0x2a: {  	[tilespmem:s15], [sflag:$0x1] =	stream.indirect.gather [hbm4b:s7+s14], $0x20, s13, s14, $0xb8;
	[tilespmem:$0x1D000] =	vst v63  }
0x2b: {  	_ =	swait.ge [sflag:s16], $0x4000  }
0x2c: {  	[sflag:s16] =	ssyncset.done $0x0  }
0x2d: {  	[sflag:s16] =	ssyncadd.s32 $0xFFFFC000  }
0x2e: {  	[spmem:s1] =	stream.indirect.scatter.add.f32 [tilespmem:s15], [sflag:$0x3], $0x20, s19, s14, $0xb8;
	[tilespmem:$0x1D000] =	vst v63  }
0x2f: {  	_ =	swait.ge [sflag:s11], $0x4000  }
0x30: {  	[sflag:s11] =	ssyncset.done $0x0  }
0x31: {  	[sflag:s11] =	ssyncadd.s32 $0xFFFFC000  }
0x32: {  	_ =	swait.ge [sflag:s18], $0x400  }
0x33: {  	s24 =	simm.s32 $0xFFFFD100;
	s23 =	sadd.s32 $0xFFFFD000, s6;
	[sflag:s18] =	ssyncset.done $0x0  }
.LBB2_2:
0x34: {  	s25 =	sadd.s32 $0x3180, s23  }
0x35: {  	[sflag:s18] =	ssyncadd.s32 $0xFFFFFC00;
	s26 =	smov.u32 s24;
	s28 =	sadd.s32 $0x100, s24  }
0x36: {  	[tilespmem:s13], [sflag:$0x2] =	stream.linear.gather [hbm4b:s25+s2], $0x400, $0x38;
	[tilespmem:$0x1D000] =	vst v63  }
0x37: {  	p0 =	sne.s32 s24, $0xFFFFFF00  }
0x38: {  	[tilespmem:s15], [sflag:$0x1] =	stream.indirect.gather [hbm4b:s7+s14], $0x20, s12, s14, $0xb8;
	[tilespmem:$0x1D000] =	vst v63  }
0x39: {  	_ =	swait.ge [sflag:s16], $0x4000  }
0x3a: {  	[sflag:s16] =	ssyncset.done $0x0  }
0x3b: {  	[sflag:s16] =	ssyncadd.s32 $0xFFFFC000  }
0x3c: {  	[spmem:s1] =	stream.indirect.scatter.add.f32 [tilespmem:s15], [sflag:$0x3], $0x20, s17, s14, $0xb8;
	[tilespmem:$0x1D000] =	vst v63  }
0x3d: {  	_ =	swait.ge [sflag:s11], $0x4000  }
0x3e: {  	[sflag:s11] =	ssyncset.done $0x0  }
0x3f: {  	[sflag:s11] =	ssyncadd.s32 $0xFFFFC000  }
0x40: {  	_ =	swait.ge [sflag:s18], $0x400  }
0x41: {  	[sflag:s18] =	ssyncset.done $0x0  }
0x42: {  	s23 =	sadd.s32 $0x3200, s23;
	[sflag:s18] =	ssyncadd.s32 $0xFFFFFC00  }
0x43: {  	[tilespmem:s12], [sflag:$0x2] =	stream.linear.gather [hbm4b:s23+s2], $0x400, $0x38;
	[tilespmem:$0x1D000] =	vst v63  }
0x44: {  	_ = 	snop  }
0x45: {  	[tilespmem:s15], [sflag:$0x1] =	stream.indirect.gather [hbm4b:s7+s14], $0x20, s13, s14, $0xb8;
	[tilespmem:$0x1D000] =	vst v63  }
0x46: {  	_ =	swait.ge [sflag:s16], $0x4000  }
0x47: {  	[sflag:s16] =	ssyncset.done $0x0  }
0x48: {  	[sflag:s16] =	ssyncadd.s32 $0xFFFFC000  }
0x49: {  	[spmem:s1] =	stream.indirect.scatter.add.f32 [tilespmem:s15], [sflag:$0x3], $0x20, s19, s14, $0xb8;
	[tilespmem:$0x1D000] =	vst v63  }
.Ltmp0:
0x4a: {  	_ =	swait.ge [sflag:s11], $0x4000;
	(pc) =	sbr.rel @p0 .LBB2_2-.Ltmp0, $4  }
0x4b: {  	[sflag:s11] =	ssyncset.done $0x0  }
0x4c: {  	[sflag:s11] =	ssyncadd.s32 $0xFFFFC000  }
0x4d: {  	_ =	swait.ge [sflag:s18], $0x400  }
0x4e: {  	s24 =	smov.u32 s28;
	s23 =	sadd.s32 s26, s6;
	[sflag:s18] =	ssyncset.done $0x0  }
0x4f: {  	s24 =	sadd.s32 $0x3180, s23;
	[sflag:s18] =	ssyncadd.s32 $0xFFFFFC00  }
0x50: {  	[tilespmem:s13], [sflag:$0x2] =	stream.linear.gather [hbm4b:s24+s2], $0x400, $0x38;
	[tilespmem:$0x1D000] =	vst v63  }
0x51: {  	_ = 	snop  }
0x52: {  	[tilespmem:s15], [sflag:$0x1] =	stream.indirect.gather [hbm4b:s7+s14], $0x20, s12, s14, $0xb8;
	[tilespmem:$0x1D000] =	vst v63  }
0x53: {  	_ =	swait.ge [sflag:s16], $0x4000  }
0x54: {  	[sflag:s16] =	ssyncset.done $0x0  }
0x55: {  	[sflag:s16] =	ssyncadd.s32 $0xFFFFC000  }
0x56: {  	[spmem:s1] =	stream.indirect.scatter.add.f32 [tilespmem:s15], [sflag:$0x3], $0x20, s17, s14, $0xb8;
	[tilespmem:$0x1D000] =	vst v63  }
0x57: {  	_ =	swait.ge [sflag:s11], $0x4000  }
0x58: {  	[sflag:s11] =	ssyncset.done $0x0  }
0x59: {  	[sflag:s11] =	ssyncadd.s32 $0xFFFFC000  }
0x5a: {  	_ =	swait.ge [sflag:s18], $0x400  }
0x5b: {  	[sflag:s18] =	ssyncset.done $0x0  }
0x5c: {  	s31 =	sadd.s32 $0x3200, s23;
	[sflag:s18] =	ssyncadd.s32 $0xFFFFFC00  }
0x5d: {  	[tilespmem:s12], [sflag:$0x2] =	stream.linear.gather [hbm4b:s31+s2], $0x400, $0x38;
	[tilespmem:$0x1D000] =	vst v63  }
0x5e: {  	_ = 	snop  }
0x5f: {  	[tilespmem:s15], [sflag:$0x1] =	stream.indirect.gather [hbm4b:s7+s14], $0x20, s13, s14, $0xb8;
	[tilespmem:$0x1D000] =	vst v63  }
0x60: {  	_ =	swait.ge [sflag:s16], $0x4000  }
0x61: {  	[sflag:s16] =	ssyncset.done $0x0  }
0x62: {  	[sflag:s16] =	ssyncadd.s32 $0xFFFFC000  }
0x63: {  	[spmem:s1] =	stream.indirect.scatter.add.f32 [tilespmem:s15], [sflag:$0x3], $0x20, s19, s14, $0xb8;
	[tilespmem:$0x1D000] =	vst v63  }
0x64: {  	_ =	swait.ge [sflag:s11], $0x4000  }
0x65: {  	[sflag:s11] =	ssyncset.done $0x0  }
0x66: {  	[sflag:s11] =	ssyncadd.s32 $0xFFFFC000  }
0x67: {  	_ =	swait.ge [sflag:s18], $0x400  }
0x68: {  	[sflag:s18] =	ssyncset.done $0x0  }
0x69: {  	[sflag:s18] =	ssyncadd.s32 $0xFFFFFC00  }
0x6a: {  	[tilespmem:s13], [sflag:$0x2] =	stream.linear.gather [hbm4b:s9+s2], $0x400, $0x38;
	[tilespmem:$0x1D000] =	vst v63  }
0x6b: {  	_ = 	snop  }
0x6c: {  	[tilespmem:s15], [sflag:$0x1] =	stream.indirect.gather [hbm4b:s7+s14], $0x20, s12, s14, $0xb8;
	[tilespmem:$0x1D000] =	vst v63  }
0x6d: {  	_ =	swait.ge [sflag:s16], $0x4000  }
0x6e: {  	[sflag:s16] =	ssyncset.done $0x0  }
0x6f: {  	[sflag:s16] =	ssyncadd.s32 $0xFFFFC000  }
0x70: {  	[spmem:s1] =	stream.indirect.scatter.add.f32 [tilespmem:s15], [sflag:$0x3], $0x20, s17, s14, $0xb8;
	[tilespmem:$0x1D000] =	vst v63  }
0x71: {  	_ =	swait.ge [sflag:s11], $0x4000  }
0x72: {  	[sflag:s11] =	ssyncset.done $0x0  }
0x73: {  	[sflag:s11] =	ssyncadd.s32 $0xFFFFC000  }
0x74: {  	_ =	swait.ge [sflag:s18], $0x400  }
0x75: {  	[sflag:s18] =	ssyncset.done $0x0  }
0x76: {  	[sflag:s18] =	ssyncadd.s32 $0xFFFFFC00  }
0x77: {  	[tilespmem:s12], [sflag:$0x2] =	stream.linear.gather [hbm4b:s9+s2], $0x400, $0x38;
	[tilespmem:$0x1D000] =	vst v63  }
0x78: {  	_ = 	snop  }
0x79: {  	[tilespmem:s15], [sflag:$0x1] =	stream.indirect.gather [hbm4b:s7+s14], $0x20, s13, s14, $0xb8;
	[tilespmem:$0x1D000] =	vst v63  }
0x7a: {  	_ =	swait.ge [sflag:s16], $0x4000  }
0x7b: {  	[sflag:s16] =	ssyncset.done $0x0  }
0x7c: {  	[sflag:s16] =	ssyncadd.s32 $0xFFFFC000  }
0x7d: {  	[spmem:s1] =	stream.indirect.scatter.add.f32 [tilespmem:s15], [sflag:$0x3], $0x20, s19, s14, $0xb8;
	[tilespmem:$0x1D000] =	vst v63  }
0x7e: {  	_ =	swait.ge [sflag:s11], $0x4000  }
0x7f: {  	[sflag:s11] =	ssyncset.done $0x0  }
0x80: {  	[sflag:s11] =	ssyncadd.s32 $0xFFFFC000  }
0x81: {  	_ =	swait.ge [sflag:s18], $0x400  }
0x82: {  	s22 =	sadd.s32 $0x1, s22;
	[sflag:s18] =	ssyncset.done $0x0  }
0x83: {  	p0 =	sne.s32 s22, s8;
	[sflag:s18] =	ssyncadd.s32 $0xFFFFFC00  }
.Ltmp1:
0x84: {  	[bflag:$0x0] =	sbarrier.arrive $0xFFFF;
	(pc) =	sbr.rel @p0 .LBB2_1-.Ltmp1, $4  }
0x85: {  	[hbm:s20], [sflag:s5] =	dma.local [spmem:s21], $0x30E0  }
0x86: {  	_ =	swait.ge [sflag:s11], $0x30E0  }
0x87: {  	[sflag:s11] =	ssyncset.done $0x0  }
0x88: {  	[sflag:s11] =	ssyncadd.s32 $0xFFFFCF20  }
0x89: {  	_ =	sfence.sel $0x180000  }
0x8a: {  	[bflag:$0x0] =	sbarrier.arrive $0xFFFF  }
0x8b: {  	p0 =	sne.s32 s3, $0x0;
	_ =	strace $0x90000050  }
0x8c: {  	s0 =	sadd.s32 @!p0 $0x100000, s0;
	[bflag:$0x2] =	sbarrier.arrive $0xFFFF  }
0x8d: {  	[sflag:s0] =	ssyncadd.tile.s32 @!p0 $0x1;
	_ =	shalt  }
.Lfunc_end2:
_tile_overlayer_lowered:
.L_overlay_start_2:
0x8e: {  	(tag) =	ssettag $0x2  }
0x8f: {  	s0 =	rddreg [dreg:$0x0];
	s2 =	stileid.u32  }
0x90: {  	s1 =	rddreg [dreg:$0x1];
	p0 =	sne.s32 s2, $0x0  }
0x91: {  	s3 =	rddreg [dreg:$0x2];
	[bflag:$0x3] =	sbarrier.arrive $0xFFFF;
	s2 =	simm.s32 @!p0 $0x1C03  }
0x92: {  	[timem:s3], [sflag:s2] =	dma.local @!p0 [hbm:s0], s1  }
0x93: {  	s0 =	simm.s32 @!p0 $0x3  }
0x94: {  	_ =	swait.ge @!p0 [sflag:s0], s1  }
0x95: {  	s1 =	ssub.s32 @!p0 $0x0, s1;
	[sflag:s0] =	ssyncset.done @!p0 $0x0  }
0x96: {  	[sflag:s0] =	ssyncadd.s32 @!p0 s1  }
0x97: {  	[bflag:$0x3] =	sbarrier.arrive $0xFFFF  }
0x98: {  	_ =	shalt  }

</sc_bundles>
